<compile_context>
chip_gen: v7x
topology: tpu7x:2x2x1
jax: 0.10.2.dev20260603
libtpu: 0.0.44.dev20260713+nightly
codegen_flags: <defaults>
</compile_context>

<pallas_src>
import jax
import jax.numpy as jnp
from jax import lax
from jax.experimental import pallas as pl
from jax.experimental.pallas import tpu as pltpu
from jax.experimental.pallas import tpu_sc as plsc

N = 10000
E = 320000
D = 128

NC = 2
NS = 16
L = 16

CHUNK = 128
RPI = 2
EC = E // CHUNK
SUPER = EC // RPI
KBASE = SUPER // NS
KREM = SUPER - KBASE * NS
HALF = N // NC
HPAD = HALF + 8
SSL = 312
SSL_LAST = 320

BN = 1000
BPH = HALF // BN



def _sc_agg_body(src2d, dst2d, y, zrows, mode, out,
                 sidxa0, sidxa1, didxa0, didxa1, rowsa0, rowsa1,
                 sidxb0, sidxb1, didxb0, didxb1, rowsb0, rowsb1,
                 modev, acc, sema, semb, scsema, scsemb):
    A = ((sidxa0, didxa0, rowsa0), (sidxa1, didxa1, rowsa1))
    B = ((sidxb0, didxb0, rowsb0), (sidxb1, didxb1, rowsb1))
    c = lax.axis_index("c")
    s = lax.axis_index("s")
    base = c * HALF

    @pl.when(s < NS - 1)
    def _():
        pltpu.sync_copy(zrows.at[pl.ds(0, SSL)], acc.at[pl.ds(s * SSL, SSL)])

    @pl.when(s == NS - 1)
    def _():
        pltpu.sync_copy(zrows, acc.at[pl.ds((NS - 1) * SSL, SSL_LAST + 8)])

    pltpu.sync_copy(mode, modev)
    m = modev[...][0]

    @pl.when(m == 0)
    def _():
        pltpu.sync_copy(y.at[pl.ds(0, CHUNK)], rowsa0)

    plsc.subcore_barrier()

    nk = KBASE + jnp.where(s < KREM, 1, 0)

    def load_issue(k, bufs, sem):
        rb = (k * NS + s) * RPI
        for j in range(RPI):
            pltpu.sync_copy(dst2d.at[rb + j, pl.ds(0, CHUNK)], bufs[j][1])

        @pl.when(m > 0)
        def _():
            for j in range(RPI):
                pltpu.sync_copy(src2d.at[rb + j, pl.ds(0, CHUNK)], bufs[j][0])
            for j in range(RPI):
                pltpu.async_copy(y.at[bufs[j][0]], bufs[j][2], sem)

    def remap(bufs):
        trash = HALF + (lax.iota(jnp.int32, L) & 7)
        for j in range(RPI):
            didx = bufs[j][1]
            for g in range(CHUNK // L):
                dv = didx[pl.ds(g * L, L)] - base
                bad = (dv < 0) | (dv >= HALF)
                didx[pl.ds(g * L, L)] = jnp.where(bad, trash, dv)

    def wait_scatter(bufs, sem, scsem):
        @pl.when(m > 0)
        def _():
            for j in range(RPI):
                pltpu.make_async_copy(y.at[bufs[j][0]], bufs[j][2], sem).wait()
            for j in range(RPI):
                pltpu.async_copy(bufs[j][2], acc.at[bufs[j][1]], scsem,
                                 add=True)

        @pl.when(m == 0)
        def _():
            for j in range(RPI):
                pltpu.async_copy(rowsa0, acc.at[bufs[j][1]], scsem, add=True)

    def drain_scatter(bufs, scsem):
        @pl.when(m > 0)
        def _():
            for j in range(RPI):
                pltpu.make_async_copy(bufs[j][2], acc.at[bufs[j][1]],
                                      scsem).wait()

        @pl.when(m == 0)
        def _():
            for j in range(RPI):
                pltpu.make_async_copy(rowsa0, acc.at[bufs[j][1]],
                                      scsem).wait()

    def body(k2, carry):
        @pl.when(k2 > 0)
        def _():
            drain_scatter(A, scsema)
        load_issue(2 * k2, A, sema)

        @pl.when(k2 > 0)
        def _():
            drain_scatter(B, scsemb)
        load_issue(2 * k2 + 1, B, semb)
        remap(A)
        wait_scatter(A, sema, scsema)
        remap(B)
        wait_scatter(B, semb, scsemb)
        return carry

    nk2 = nk // 2
    lax.fori_loop(0, nk2, body, 0)

    @pl.when(nk2 > 0)
    def _():
        drain_scatter(A, scsema)
        drain_scatter(B, scsemb)

    @pl.when(nk % 2 == 1)
    def _():
        load_issue(nk - 1, A, sema)
        remap(A)

        @pl.when(m > 0)
        def _():
            for j in range(RPI):
                pltpu.make_async_copy(y.at[A[j][0]], A[j][2], sema).wait()
            for j in range(RPI):
                pltpu.sync_copy(A[j][2], acc.at[A[j][1]], add=True)

        @pl.when(m == 0)
        def _():
            for j in range(RPI):
                pltpu.sync_copy(rowsa0, acc.at[A[j][1]], add=True)

    plsc.subcore_barrier()

    @pl.when(s < NS - 1)
    def _():
        pltpu.sync_copy(acc.at[pl.ds(s * SSL, SSL)],
                        out.at[c, pl.ds(s * SSL, SSL)])

    @pl.when(s == NS - 1)
    def _():
        pltpu.sync_copy(acc.at[pl.ds((NS - 1) * SSL, SSL_LAST)],
                        out.at[c, pl.ds((NS - 1) * SSL, SSL_LAST)])


_sc_agg = pl.kernel(
    _sc_agg_body,
    mesh=plsc.VectorSubcoreMesh(core_axis_name="c", subcore_axis_name="s"),
    out_type=jax.ShapeDtypeStruct((NC, HALF, D), jnp.float32),
    scratch_types=(
        ([pltpu.VMEM((CHUNK,), jnp.int32)] * 4
         + [pltpu.VMEM((CHUNK, D), jnp.float32)] * 2) * 2
        + [pltpu.VMEM((L,), jnp.int32),
           pltpu.VMEM_SHARED((HPAD, D), jnp.float32),
           pltpu.SemaphoreType.DMA, pltpu.SemaphoreType.DMA,
           pltpu.SemaphoreType.DMA, pltpu.SemaphoreType.DMA]
    ),
)



def _lin1_body(x_ref, wl_ref, wr_ref, b_ref, y_ref, xr_ref):
    xb = x_ref[...]
    y_ref[...] = jnp.dot(xb, wl_ref[...], preferred_element_type=jnp.float32)
    xr_ref[...] = (
        jnp.dot(xb, wr_ref[...], preferred_element_type=jnp.float32)
        + b_ref[...]
    )


def _stage_body(p_ref, y1_ref, xr_ref, cnt_ref, wl_ref, wr_ref, b_ref,
                fc_ref, fr_ref, ytab2_ref, xr2_ref, cnt2_ref, t_ref):
    pb = p_ref[0]
    fc = fc_ref[...]
    fr = fr_ref[...]
    cnt2 = fc * (pb[:, :1] * jnp.ones((1, D), jnp.float32)) \
        + (1.0 - fc) * cnt_ref[...]
    cnt2_ref[...] = cnt2
    t = pb / jnp.maximum(cnt2[:, :1], 1.0) + xr_ref[...]
    t_ref[...] = t
    h = jnp.maximum(t, (1.0 - fr) * t)
    ynew = jnp.dot(h, wl_ref[...], preferred_element_type=jnp.float32)
    xrnew = (
        jnp.dot(h, wr_ref[...], preferred_element_type=jnp.float32)
        + b_ref[...]
    )
    ytab2_ref[...] = fc * y1_ref[...] + (1.0 - fc) * ynew
    xr2_ref[...] = fc * xr_ref[...] + (1.0 - fc) * xrnew


def _row_spec(shape):
    return pl.BlockSpec(shape, lambda i: (i, 0))


def _full_spec(shape):
    return pl.BlockSpec(shape, lambda i: (0, 0))


_tc_lin1 = pl.pallas_call(
    _lin1_body,
    grid=(N // BN,),
    in_specs=[_row_spec((BN, D)), _full_spec((D, D)), _full_spec((D, D)),
              _full_spec((1, D))],
    out_specs=[_row_spec((BN, D)), _row_spec((BN, D))],
    out_shape=[jax.ShapeDtypeStruct((N, D), jnp.float32),
               jax.ShapeDtypeStruct((N, D), jnp.float32)],
)

_tc_stage = pl.pallas_call(
    _stage_body,
    grid=(N // BN,),
    in_specs=[pl.BlockSpec((1, BN, D), lambda i: (i // BPH, i % BPH, 0)),
              _row_spec((BN, D)), _row_spec((BN, D)), _row_spec((BN, D)),
              _full_spec((D, D)), _full_spec((D, D)), _full_spec((1, D)),
              _full_spec((1, D)), _full_spec((1, D))],
    out_specs=[_row_spec((BN, D)), _row_spec((BN, D)), _row_spec((BN, D)),
               _row_spec((BN, D))],
    out_shape=[jax.ShapeDtypeStruct((N, D), jnp.float32),
               jax.ShapeDtypeStruct((N, D), jnp.float32),
               jax.ShapeDtypeStruct((N, D), jnp.float32),
               jax.ShapeDtypeStruct((N, D), jnp.float32)],
)



@jax.jit
def kernel(x, edge_index, W1l, W1r, b1, W2l, W2r, b2):
    src2d = edge_index[0].reshape(EC, CHUNK)
    dst2d = edge_index[1].reshape(EC, CHUNK)
    zrows = jnp.zeros((SSL_LAST + 8, D), jnp.float32)
    b1r = b1.reshape(1, D)
    b2r = b2.reshape(1, D)

    y1, xr1 = _tc_lin1(x, W1l, W1r, b1r)

    def step(i, carry):
        ytab, xr, cnt, _ = carry
        mode = jnp.where(i == 0, 0, 1) * jnp.ones((L,), jnp.int32)
        p = _sc_agg(src2d, dst2d, ytab, zrows, mode)
        fc = jnp.where(i == 0, 1.0, 0.0) * jnp.ones((1, D), jnp.float32)
        fr = jnp.where(i == 1, 1.0, 0.0) * jnp.ones((1, D), jnp.float32)
        ytab2, xr2, cnt2, t = _tc_stage(p, y1, xr, cnt, W2l, W2r, b2r,
                                        fc, fr)
        return (ytab2, xr2, cnt2, t)

    dummy = jnp.zeros((N, D), jnp.float32)
    onestab = jnp.ones((N, D), jnp.float32)
    _, _, _, out = lax.fori_loop(0, 3, step, (onestab, xr1, dummy, dummy))
    return out

# --- scband reference (transcript-rebuilt; emitter-appended) ---
"""Pipeline reference for scband-net-13305808683303 (READ-ONLY COPY).

The authoritative reference and input builder live on the scoring server;
editing this copy changes nothing except your own understanding.
"""

import jax, jax.numpy as jnp
import numpy as np

N = 10000
E = 320000
IN_DIM = 128
HID_DIM = 128
OUT_DIM = 128


def setup_inputs(seed: int = 0) -> dict:
    key = jax.random.key(seed)
    ks = jax.random.split(key, 9)
    x = jax.random.normal(ks[0], (N, IN_DIM), dtype=jnp.float32)
    edge_index = jax.random.randint(ks[1], (2, E), 0, N, dtype=jnp.int32)
    s1 = 1.0 / np.sqrt(IN_DIM)
    s2 = 1.0 / np.sqrt(HID_DIM)
    W1l = jax.random.uniform(ks[2], (IN_DIM, HID_DIM), jnp.float32, -s1, s1)
    W1r = jax.random.uniform(ks[3], (IN_DIM, HID_DIM), jnp.float32, -s1, s1)
    b1 = jax.random.uniform(ks[4], (HID_DIM,), jnp.float32, -s1, s1)
    W2l = jax.random.uniform(ks[5], (HID_DIM, OUT_DIM), jnp.float32, -s2, s2)
    W2r = jax.random.uniform(ks[6], (HID_DIM, OUT_DIM), jnp.float32, -s2, s2)
    b2 = jax.random.uniform(ks[7], (OUT_DIM,), jnp.float32, -s2, s2)
    return {"x": x, "edge_index": edge_index, "W1l": W1l, "W1r": W1r, "b1": b1, "W2l": W2l, "W2r": W2r, "b2": b2}


def _sage_conv(x, src, dst, Wl, Wr, b):
    # PyG SAGEConv with mean aggregation:
    # out = lin_l(mean_{j in N(i)} x_j) + lin_r(x_i) + bias
    msgs = x[src]  # gather source node features (SparseCore gather)
    agg = jax.ops.segment_sum(msgs, dst, num_segments=N)  # scatter-add
    cnt = jax.ops.segment_sum(jnp.ones((src.shape[0], 1), x.dtype), dst, num_segments=N)
    mean = agg / jnp.maximum(cnt, 1.0)
    return mean @ Wl + x @ Wr + b


def reference(x, edge_index, W1l, W1r, b1, W2l, W2r, b2):
    src = edge_index[0]
    dst = edge_index[1]
    h = _sage_conv(x, src, dst, W1l, W1r, b1)
    h = jax.nn.relu(h)
    # dropout is identity in eval mode (deterministic reference)
    out = _sage_conv(h, src, dst, W2l, W2r, b2)
    return out

if __name__ == "__main__":
    import jax
    _d = setup_inputs()
    print(jax.jit(kernel)(*tuple(_d.values())))

</pallas_src>

<mosaic_0001>
#map = affine_map<(d0, d1) -> (0, 0)>
#map1 = affine_map<(d0, d1) -> (0)>
#map2 = affine_map<(d0, d1) -> (0, 0, 0)>
module attributes {stable_mosaic.version = 14 : i64} {
  func.func @_sc_agg_body(%arg0: i32, %arg1: i32, %arg2: memref<2500x128xi32, #tpu.memory_space<hbm>>, %arg3: memref<2500x128xi32, #tpu.memory_space<hbm>>, %arg4: memref<10000x128xf32, #tpu.memory_space<hbm>>, %arg5: memref<328x128xf32, #tpu.memory_space<hbm>>, %arg6: memref<16xi32, #tpu.memory_space<hbm>>, %arg7: memref<2x5000x128xf32, #tpu.memory_space<hbm>>, %arg8: memref<128xi32, #tpu.memory_space<vmem>>, %arg9: memref<128xi32, #tpu.memory_space<vmem>>, %arg10: memref<128xi32, #tpu.memory_space<vmem>>, %arg11: memref<128xi32, #tpu.memory_space<vmem>>, %arg12: memref<128x128xf32, #tpu.memory_space<vmem>>, %arg13: memref<128x128xf32, #tpu.memory_space<vmem>>, %arg14: memref<128xi32, #tpu.memory_space<vmem>>, %arg15: memref<128xi32, #tpu.memory_space<vmem>>, %arg16: memref<128xi32, #tpu.memory_space<vmem>>, %arg17: memref<128xi32, #tpu.memory_space<vmem>>, %arg18: memref<128x128xf32, #tpu.memory_space<vmem>>, %arg19: memref<128x128xf32, #tpu.memory_space<vmem>>, %arg20: memref<16xi32, #tpu.memory_space<vmem>>, %arg21: memref<5008x128xf32, #tpu.memory_space<vmem_shared>>, %arg22: memref<!tpu.dma_semaphore, #tpu.memory_space<semaphore_mem>>, %arg23: memref<!tpu.dma_semaphore, #tpu.memory_space<semaphore_mem>>, %arg24: memref<!tpu.dma_semaphore, #tpu.memory_space<semaphore_mem>>, %arg25: memref<!tpu.dma_semaphore, #tpu.memory_space<semaphore_mem>>) attributes {dimension_semantics = [#tpu.dimension_semantics<core_parallel>, #tpu.dimension_semantics<subcore_parallel>], iteration_bounds = array<i64: 2, 16>, scalar_prefetch = 0 : i64, scratch_operands = 18 : i64, tpu.core_type = #tpu.core_type<sc_vector_subcore>, window_params = [{transform_indices = #map}, {transform_indices = #map}, {transform_indices = #map}, {transform_indices = #map}, {transform_indices = #map1}, {transform_indices = #map2}]} {
    %mul3A = arith.constant 5000 : i32
    %mul3A_0 = arith.muli %arg0, %mul3A : i32
    %lt3A = arith.constant 15 : i32
    %lt3A_1 = arith.cmpi slt, %arg1, %lt3A : i32
    %convert_element_type3A = arith.extui %lt3A_1 : i1 to i32
    %cond3A = arith.constant 0 : i32
    %cond3A_2 = arith.cmpi ne, %convert_element_type3A, %cond3A : i32
    scf.if %cond3A_2 {
      %mul3A_81 = arith.constant 312 : i32
      %mul3A_82 = arith.muli %arg1, %mul3A_81 : i32
      "tpu.region"() ({
        %run_scoped3A = tpu.sem_alloc : memref<!tpu.dma_semaphore, #tpu.memory_space<semaphore_mem>>
        %dma_start3A = arith.constant 0 : i32
        %dma_start3A_83 = tpu.memref_slice %arg21[%mul3A_82, %dma_start3A] : memref<5008x128xf32, #tpu.memory_space<vmem_shared>> -> memref<312x128xf32, #tpu.memory_space<vmem_shared>>
        %dma_start3A_84 = arith.constant 0 : i32
        %dma_start3A_85 = arith.constant 0 : i32
        %dma_start3A_86 = tpu.memref_slice %arg5[%dma_start3A_84, %dma_start3A_85] : memref<328x128xf32, #tpu.memory_space<hbm>> -> memref<312x128xf32, #tpu.memory_space<hbm>>
        tpu.enqueue_dma source(%dma_start3A_86 : memref<312x128xf32, #tpu.memory_space<hbm>>) target(%dma_start3A_83 : memref<312x128xf32, #tpu.memory_space<vmem_shared>>) target_semaphore(%run_scoped3A : memref<!tpu.dma_semaphore, #tpu.memory_space<semaphore_mem>>)
        %dma_wait3A = arith.constant 0 : i32
        %dma_wait3A_87 = tpu.memref_slice %arg21[%mul3A_82, %dma_wait3A] : memref<5008x128xf32, #tpu.memory_space<vmem_shared>> -> memref<312x128xf32, #tpu.memory_space<vmem_shared>>
        %dma_wait3A_88 = arith.constant 0 : i32
        %dma_wait3A_89 = arith.constant 0 : i32
        %dma_wait3A_90 = tpu.memref_slice %arg5[%dma_wait3A_88, %dma_wait3A_89] : memref<328x128xf32, #tpu.memory_space<hbm>> -> memref<312x128xf32, #tpu.memory_space<hbm>>
        tpu.wait_dma2 semaphore(%run_scoped3A : memref<!tpu.dma_semaphore, #tpu.memory_space<semaphore_mem>>) src(%dma_wait3A_90 : memref<312x128xf32, #tpu.memory_space<hbm>>) dst(%dma_wait3A_87 : memref<312x128xf32, #tpu.memory_space<vmem_shared>>)
        tpu.yield
      }) : () -> ()
    } else {
    }
    %eq3A = arith.constant 15 : i32
    %eq3A_3 = arith.cmpi eq, %arg1, %eq3A : i32
    %convert_element_type3A_4 = arith.extui %eq3A_3 : i1 to i32
    %cond3A_5 = arith.constant 0 : i32
    %cond3A_6 = arith.cmpi ne, %convert_element_type3A_4, %cond3A_5 : i32
    scf.if %cond3A_6 {
      "tpu.region"() ({
        %run_scoped3A = tpu.sem_alloc : memref<!tpu.dma_semaphore, #tpu.memory_space<semaphore_mem>>
        %dma_start3A = arith.constant 4680 : i32
        %dma_start3A_81 = arith.constant 0 : i32
        %dma_start3A_82 = tpu.memref_slice %arg21[%dma_start3A, %dma_start3A_81] : memref<5008x128xf32, #tpu.memory_space<vmem_shared>> -> memref<328x128xf32, #tpu.memory_space<vmem_shared>>
        tpu.enqueue_dma source(%arg5 : memref<328x128xf32, #tpu.memory_space<hbm>>) target(%dma_start3A_82 : memref<328x128xf32, #tpu.memory_space<vmem_shared>>) target_semaphore(%run_scoped3A : memref<!tpu.dma_semaphore, #tpu.memory_space<semaphore_mem>>)
        %dma_wait3A = arith.constant 4680 : i32
        %dma_wait3A_83 = arith.constant 0 : i32
        %dma_wait3A_84 = tpu.memref_slice %arg21[%dma_wait3A, %dma_wait3A_83] : memref<5008x128xf32, #tpu.memory_space<vmem_shared>> -> memref<328x128xf32, #tpu.memory_space<vmem_shared>>
        tpu.wait_dma2 semaphore(%run_scoped3A : memref<!tpu.dma_semaphore, #tpu.memory_space<semaphore_mem>>) src(%arg5 : memref<328x128xf32, #tpu.memory_space<hbm>>) dst(%dma_wait3A_84 : memref<328x128xf32, #tpu.memory_space<vmem_shared>>)
        tpu.yield
      }) : () -> ()
    } else {
    }
    "tpu.region"() ({
      %run_scoped3A = tpu.sem_alloc : memref<!tpu.dma_semaphore, #tpu.memory_space<semaphore_mem>>
      tpu.enqueue_dma source(%arg6 : memref<16xi32, #tpu.memory_space<hbm>>) target(%arg20 : memref<16xi32, #tpu.memory_space<vmem>>) target_semaphore(%run_scoped3A : memref<!tpu.dma_semaphore, #tpu.memory_space<semaphore_mem>>)
      tpu.wait_dma2 semaphore(%run_scoped3A : memref<!tpu.dma_semaphore, #tpu.memory_space<semaphore_mem>>) src(%arg6 : memref<16xi32, #tpu.memory_space<hbm>>) dst(%arg20 : memref<16xi32, #tpu.memory_space<vmem>>)
      tpu.yield
    }) : () -> ()
    %get3A = arith.constant 0 : index
    %get3A_7 = tpu.vector_load %arg20[%get3A] {strides = array<i32>} : memref<16xi32, #tpu.memory_space<vmem>>, vector<16xi32>,
    %get3A_8 = vector.shape_cast %get3A_7 : vector<16xi32> to vector<16xi32>
    %slice3A = vector.extract_strided_slice %get3A_8 {offsets = [0], sizes = [1], strides = [1]} : vector<16xi32> to vector<1xi32>
    %squeeze3A = vector.extract %slice3A[0] : i32 from vector<1xi32>
    %eq3A_9 = arith.constant 0 : i32
    %eq3A_10 = arith.cmpi eq, %squeeze3A, %eq3A_9 : i32
    %convert_element_type3A_11 = arith.extui %eq3A_10 : i1 to i32
    %cond3A_12 = arith.constant 0 : i32
    %cond3A_13 = arith.cmpi ne, %convert_element_type3A_11, %cond3A_12 : i32
    scf.if %cond3A_13 {
      "tpu.region"() ({
        %run_scoped3A = tpu.sem_alloc : memref<!tpu.dma_semaphore, #tpu.memory_space<semaphore_mem>>
        %dma_start3A = arith.constant 0 : i32
        %dma_start3A_81 = arith.constant 0 : i32
        %dma_start3A_82 = tpu.memref_slice %arg4[%dma_start3A, %dma_start3A_81] : memref<10000x128xf32, #tpu.memory_space<hbm>> -> memref<128x128xf32, #tpu.memory_space<hbm>>
        %dma_start3A_83 = arith.constant 0 : i32
        %dma_start3A_84 = arith.constant 0 : i32
        %dma_start3A_85 = tpu.memref_slice %arg4[%dma_start3A_83, %dma_start3A_84] : memref<10000x128xf32, #tpu.memory_space<hbm>> -> memref<128x128xf32, #tpu.memory_space<hbm>>
        tpu.enqueue_dma source(%dma_start3A_85 : memref<128x128xf32, #tpu.memory_space<hbm>>) target(%arg12 : memref<128x128xf32, #tpu.memory_space<vmem>>) target_semaphore(%run_scoped3A : memref<!tpu.dma_semaphore, #tpu.memory_space<semaphore_mem>>)
        %dma_wait3A = arith.constant 0 : i32
        %dma_wait3A_86 = arith.constant 0 : i32
        %dma_wait3A_87 = tpu.memref_slice %arg4[%dma_wait3A, %dma_wait3A_86] : memref<10000x128xf32, #tpu.memory_space<hbm>> -> memref<128x128xf32, #tpu.memory_space<hbm>>
        %dma_wait3A_88 = arith.constant 0 : i32
        %dma_wait3A_89 = arith.constant 0 : i32
        %dma_wait3A_90 = tpu.memref_slice %arg4[%dma_wait3A_88, %dma_wait3A_89] : memref<10000x128xf32, #tpu.memory_space<hbm>> -> memref<128x128xf32, #tpu.memory_space<hbm>>
        tpu.wait_dma2 semaphore(%run_scoped3A : memref<!tpu.dma_semaphore, #tpu.memory_space<semaphore_mem>>) src(%dma_wait3A_90 : memref<128x128xf32, #tpu.memory_space<hbm>>) dst(%arg12 : memref<128x128xf32, #tpu.memory_space<vmem>>)
        tpu.yield
      }) : () -> ()
    } else {
    }
    %barrier3A = arith.constant 0 : index
    tpu.barrier barrier_id(%barrier3A)
    %lt3A_14 = arith.constant 2 : i32
    %lt3A_15 = arith.cmpi slt, %arg1, %lt3A_14 : i32
    %jit3A = arith.constant 1 : i32
    %jit3A_16 = arith.constant 0 : i32
    %select_n3A = arith.select %lt3A_15, %jit3A, %jit3A_16 : i32
    %add3A = arith.constant 78 : i32
    %add3A_17 = arith.addi %add3A, %select_n3A : i32
    %jit3A_18 = arith.constant 2 : i32
    %div3A = arith.divsi %add3A_17, %jit3A_18 : i32
    %sign3A = arith.constant 0 : i32
    %sign3A_19 = arith.cmpi sgt, %add3A_17, %sign3A : i32
    %sign3A_20 = arith.extui %sign3A_19 : i1 to i32
    %sign3A_21 = arith.constant 0 : i32
    %sign3A_22 = arith.cmpi slt, %add3A_17, %sign3A_21 : i32
    %sign3A_23 = arith.extui %sign3A_22 : i1 to i32
    %sign3A_24 = arith.subi %sign3A_20, %sign3A_23 : i32
    %sign3A_25 = arith.constant 0 : i32
    %sign3A_26 = arith.cmpi sgt, %jit3A_18, %sign3A_25 : i32
    %sign3A_27 = arith.extui %sign3A_26 : i1 to i32
    %sign3A_28 = arith.constant 0 : i32
    %sign3A_29 = arith.cmpi slt, %jit3A_18, %sign3A_28 : i32
    %sign3A_30 = arith.extui %sign3A_29 : i1 to i32
    %sign3A_31 = arith.subi %sign3A_27, %sign3A_30 : i32
    %ne3A = arith.cmpi ne, %sign3A_24, %sign3A_31 : i32
    %rem3A = arith.remsi %add3A_17, %jit3A_18 : i32
    %ne3A_32 = arith.constant 0 : i32
    %ne3A_33 = arith.cmpi ne, %rem3A, %ne3A_32 : i32
    %and3A = arith.andi %ne3A, %ne3A_33 : i1
    %sub3A = arith.constant 1 : i32
    %sub3A_34 = arith.subi %div3A, %sub3A : i32
    %select_n3A_35 = arith.select %and3A, %sub3A_34, %div3A : i32
    %while3A = arith.constant 0 : i32
    %while3A_36 = arith.constant 0 : i32
    %while3A_37 = arith.subi %select_n3A_35, %while3A_36 : i32
    %while3A_38 = arith.addi %while3A_36, %while3A_37 : i32
    %while3A_39 = arith.constant 1 : i32
    %while3A_40 = arith.divsi %while3A_37, %while3A_39 : i32
    %while3A_41 = arith.muli %while3A_40, %while3A_39 : i32
    %while3A_42 = arith.addi %while3A_36, %while3A_41 : i32
    %while3A_43 = arith.constant 1 : i32
    scf.for %while3A_81 = %while3A_36 to %while3A_42 step %while3A_43  : i32 {
      %gt3A_82 = arith.constant 0 : i32
      %gt3A_83 = arith.cmpi sgt, %while3A_81, %gt3A_82 : i32
      %convert_element_type3A_84 = arith.extui %gt3A_83 : i1 to i32
      %cond3A_85 = arith.constant 0 : i32
      %cond3A_86 = arith.cmpi ne, %convert_element_type3A_84, %cond3A_85 : i32
      scf.if %cond3A_86 {
        %gt3A_700 = arith.constant 0 : i32
        %gt3A_701 = arith.cmpi sgt, %squeeze3A, %gt3A_700 : i32
        %convert_element_type3A_702 = arith.extui %gt3A_701 : i1 to i32
        %cond3A_703 = arith.constant 0 : i32
        %cond3A_704 = arith.cmpi ne, %convert_element_type3A_702, %cond3A_703 : i32
        scf.if %cond3A_704 {
          %dma_wait3A = arith.constant 0 : i32
          %dma_wait3A_710 = arith.constant 0 : i32
          %dma_wait3A_711 = tpu.memref_slice %arg21[%dma_wait3A, %dma_wait3A_710] : memref<5008x128xf32, #tpu.memory_space<vmem_shared>> -> memref<5008x128xf32, #tpu.memory_space<vmem_shared>>
          tpu.wait_indirect_dma semaphore(%arg24 : memref<!tpu.dma_semaphore, #tpu.memory_space<semaphore_mem>>) src(%arg12 : memref<128x128xf32, #tpu.memory_space<vmem>>) dst(%dma_wait3A_711 : memref<5008x128xf32, #tpu.memory_space<vmem_shared>>)
          %dma_wait3A_712 = arith.constant 0 : i32
          %dma_wait3A_713 = arith.constant 0 : i32
          %dma_wait3A_714 = tpu.memref_slice %arg21[%dma_wait3A_712, %dma_wait3A_713] : memref<5008x128xf32, #tpu.memory_space<vmem_shared>> -> memref<5008x128xf32, #tpu.memory_space<vmem_shared>>
          tpu.wait_indirect_dma semaphore(%arg24 : memref<!tpu.dma_semaphore, #tpu.memory_space<semaphore_mem>>) src(%arg13 : memref<128x128xf32, #tpu.memory_space<vmem>>) dst(%dma_wait3A_714 : memref<5008x128xf32, #tpu.memory_space<vmem_shared>>)
        } else {
        }
        %eq3A_705 = arith.constant 0 : i32
        %eq3A_706 = arith.cmpi eq, %squeeze3A, %eq3A_705 : i32
        %convert_element_type3A_707 = arith.extui %eq3A_706 : i1 to i32
        %cond3A_708 = arith.constant 0 : i32
        %cond3A_709 = arith.cmpi ne, %convert_element_type3A_707, %cond3A_708 : i32
        scf.if %cond3A_709 {
          %dma_wait3A = arith.constant 0 : i32
          %dma_wait3A_710 = arith.constant 0 : i32
          %dma_wait3A_711 = tpu.memref_slice %arg21[%dma_wait3A, %dma_wait3A_710] : memref<5008x128xf32, #tpu.memory_space<vmem_shared>> -> memref<5008x128xf32, #tpu.memory_space<vmem_shared>>
          tpu.wait_indirect_dma semaphore(%arg24 : memref<!tpu.dma_semaphore, #tpu.memory_space<semaphore_mem>>) src(%arg12 : memref<128x128xf32, #tpu.memory_space<vmem>>) dst(%dma_wait3A_711 : memref<5008x128xf32, #tpu.memory_space<vmem_shared>>)
          %dma_wait3A_712 = arith.constant 0 : i32
          %dma_wait3A_713 = arith.constant 0 : i32
          %dma_wait3A_714 = tpu.memref_slice %arg21[%dma_wait3A_712, %dma_wait3A_713] : memref<5008x128xf32, #tpu.memory_space<vmem_shared>> -> memref<5008x128xf32, #tpu.memory_space<vmem_shared>>
          tpu.wait_indirect_dma semaphore(%arg24 : memref<!tpu.dma_semaphore, #tpu.memory_space<semaphore_mem>>) src(%arg12 : memref<128x128xf32, #tpu.memory_space<vmem>>) dst(%dma_wait3A_714 : memref<5008x128xf32, #tpu.memory_space<vmem_shared>>)
        } else {
        }
      } else {
      }
      %mul3A_87 = arith.constant 2 : i32
      %mul3A_88 = arith.muli %mul3A_87, %while3A_81 : i32
      %mul3A_89 = arith.constant 16 : i32
      %mul3A_90 = arith.muli %mul3A_88, %mul3A_89 : i32
      %add3A_91 = arith.addi %mul3A_90, %arg1 : i32
      %mul3A_92 = arith.constant 2 : i32
      %mul3A_93 = arith.muli %add3A_91, %mul3A_92 : i32
      %add3A_94 = arith.constant 0 : i32
      %add3A_95 = arith.addi %mul3A_93, %add3A_94 : i32
      "tpu.region"() ({
        %run_scoped3A = tpu.sem_alloc : memref<!tpu.dma_semaphore, #tpu.memory_space<semaphore_mem>>
        %dma_start3A = arith.constant 0 : i32
        %dma_start3A_700 = tpu.memref_slice %arg3[%add3A_95, %dma_start3A] : memref<2500x128xi32, #tpu.memory_space<hbm>> -> memref<1x128xi32, #tpu.memory_space<hbm>>
        %dma_start3A_701 = tpu.memref_squeeze %dma_start3A_700 : memref<1x128xi32, #tpu.memory_space<hbm>> -> memref<128xi32, #tpu.memory_space<hbm>>
        %dma_start3A_702 = arith.constant 0 : i32
        %dma_start3A_703 = tpu.memref_slice %arg3[%add3A_95, %dma_start3A_702] : memref<2500x128xi32, #tpu.memory_space<hbm>> -> memref<1x128xi32, #tpu.memory_space<hbm>>
        %dma_start3A_704 = tpu.memref_squeeze %dma_start3A_703 : memref<1x128xi32, #tpu.memory_space<hbm>> -> memref<128xi32, #tpu.memory_space<hbm>>
        tpu.enqueue_dma source(%dma_start3A_704 : memref<128xi32, #tpu.memory_space<hbm>>) target(%arg10 : memref<128xi32, #tpu.memory_space<vmem>>) target_semaphore(%run_scoped3A : memref<!tpu.dma_semaphore, #tpu.memory_space<semaphore_mem>>)
        %dma_wait3A = arith.constant 0 : i32
        %dma_wait3A_705 = tpu.memref_slice %arg3[%add3A_95, %dma_wait3A] : memref<2500x128xi32, #tpu.memory_space<hbm>> -> memref<1x128xi32, #tpu.memory_space<hbm>>
        %dma_wait3A_706 = tpu.memref_squeeze %dma_wait3A_705 : memref<1x128xi32, #tpu.memory_space<hbm>> -> memref<128xi32, #tpu.memory_space<hbm>>
        %dma_wait3A_707 = arith.constant 0 : i32
        %dma_wait3A_708 = tpu.memref_slice %arg3[%add3A_95, %dma_wait3A_707] : memref<2500x128xi32, #tpu.memory_space<hbm>> -> memref<1x128xi32, #tpu.memory_space<hbm>>
        %dma_wait3A_709 = tpu.memref_squeeze %dma_wait3A_708 : memref<1x128xi32, #tpu.memory_space<hbm>> -> memref<128xi32, #tpu.memory_space<hbm>>
        tpu.wait_dma2 semaphore(%run_scoped3A : memref<!tpu.dma_semaphore, #tpu.memory_space<semaphore_mem>>) src(%dma_wait3A_709 : memref<128xi32, #tpu.memory_space<hbm>>) dst(%arg10 : memref<128xi32, #tpu.memory_space<vmem>>)
        tpu.yield
      }) : () -> ()
      %add3A_96 = arith.constant 1 : i32
      %add3A_97 = arith.addi %mul3A_93, %add3A_96 : i32
      "tpu.region"() ({
        %run_scoped3A = tpu.sem_alloc : memref<!tpu.dma_semaphore, #tpu.memory_space<semaphore_mem>>
        %dma_start3A = arith.constant 0 : i32
        %dma_start3A_700 = tpu.memref_slice %arg3[%add3A_97, %dma_start3A] : memref<2500x128xi32, #tpu.memory_space<hbm>> -> memref<1x128xi32, #tpu.memory_space<hbm>>
        %dma_start3A_701 = tpu.memref_squeeze %dma_start3A_700 : memref<1x128xi32, #tpu.memory_space<hbm>> -> memref<128xi32, #tpu.memory_space<hbm>>
        %dma_start3A_702 = arith.constant 0 : i32
        %dma_start3A_703 = tpu.memref_slice %arg3[%add3A_97, %dma_start3A_702] : memref<2500x128xi32, #tpu.memory_space<hbm>> -> memref<1x128xi32, #tpu.memory_space<hbm>>
        %dma_start3A_704 = tpu.memref_squeeze %dma_start3A_703 : memref<1x128xi32, #tpu.memory_space<hbm>> -> memref<128xi32, #tpu.memory_space<hbm>>
        tpu.enqueue_dma source(%dma_start3A_704 : memref<128xi32, #tpu.memory_space<hbm>>) target(%arg11 : memref<128xi32, #tpu.memory_space<vmem>>) target_semaphore(%run_scoped3A : memref<!tpu.dma_semaphore, #tpu.memory_space<semaphore_mem>>)
        %dma_wait3A = arith.constant 0 : i32
        %dma_wait3A_705 = tpu.memref_slice %arg3[%add3A_97, %dma_wait3A] : memref<2500x128xi32, #tpu.memory_space<hbm>> -> memref<1x128xi32, #tpu.memory_space<hbm>>
        %dma_wait3A_706 = tpu.memref_squeeze %dma_wait3A_705 : memref<1x128xi32, #tpu.memory_space<hbm>> -> memref<128xi32, #tpu.memory_space<hbm>>
        %dma_wait3A_707 = arith.constant 0 : i32
        %dma_wait3A_708 = tpu.memref_slice %arg3[%add3A_97, %dma_wait3A_707] : memref<2500x128xi32, #tpu.memory_space<hbm>> -> memref<1x128xi32, #tpu.memory_space<hbm>>
        %dma_wait3A_709 = tpu.memref_squeeze %dma_wait3A_708 : memref<1x128xi32, #tpu.memory_space<hbm>> -> memref<128xi32, #tpu.memory_space<hbm>>
        tpu.wait_dma2 semaphore(%run_scoped3A : memref<!tpu.dma_semaphore, #tpu.memory_space<semaphore_mem>>) src(%dma_wait3A_709 : memref<128xi32, #tpu.memory_space<hbm>>) dst(%arg11 : memref<128xi32, #tpu.memory_space<vmem>>)
        tpu.yield
      }) : () -> ()
      %gt3A_98 = arith.constant 0 : i32
      %gt3A_99 = arith.cmpi sgt, %squeeze3A, %gt3A_98 : i32
      %convert_element_type3A_100 = arith.extui %gt3A_99 : i1 to i32
      %cond3A_101 = arith.constant 0 : i32
      %cond3A_102 = arith.cmpi ne, %convert_element_type3A_100, %cond3A_101 : i32
      scf.if %cond3A_102 {
        %add3A_700 = arith.constant 0 : i32
        %add3A_701 = arith.addi %mul3A_93, %add3A_700 : i32
        "tpu.region"() ({
          %run_scoped3A = tpu.sem_alloc : memref<!tpu.dma_semaphore, #tpu.memory_space<semaphore_mem>>
          %dma_start3A_709 = arith.constant 0 : i32
          %dma_start3A_710 = tpu.memref_slice %arg2[%add3A_701, %dma_start3A_709] : memref<2500x128xi32, #tpu.memory_space<hbm>> -> memref<1x128xi32, #tpu.memory_space<hbm>>
          %dma_start3A_711 = tpu.memref_squeeze %dma_start3A_710 : memref<1x128xi32, #tpu.memory_space<hbm>> -> memref<128xi32, #tpu.memory_space<hbm>>
          %dma_start3A_712 = arith.constant 0 : i32
          %dma_start3A_713 = tpu.memref_slice %arg2[%add3A_701, %dma_start3A_712] : memref<2500x128xi32, #tpu.memory_space<hbm>> -> memref<1x128xi32, #tpu.memory_space<hbm>>
          %dma_start3A_714 = tpu.memref_squeeze %dma_start3A_713 : memref<1x128xi32, #tpu.memory_space<hbm>> -> memref<128xi32, #tpu.memory_space<hbm>>
          tpu.enqueue_dma source(%dma_start3A_714 : memref<128xi32, #tpu.memory_space<hbm>>) target(%arg8 : memref<128xi32, #tpu.memory_space<vmem>>) target_semaphore(%run_scoped3A : memref<!tpu.dma_semaphore, #tpu.memory_space<semaphore_mem>>)
          %dma_wait3A = arith.constant 0 : i32
          %dma_wait3A_715 = tpu.memref_slice %arg2[%add3A_701, %dma_wait3A] : memref<2500x128xi32, #tpu.memory_space<hbm>> -> memref<1x128xi32, #tpu.memory_space<hbm>>
          %dma_wait3A_716 = tpu.memref_squeeze %dma_wait3A_715 : memref<1x128xi32, #tpu.memory_space<hbm>> -> memref<128xi32, #tpu.memory_space<hbm>>
          %dma_wait3A_717 = arith.constant 0 : i32
          %dma_wait3A_718 = tpu.memref_slice %arg2[%add3A_701, %dma_wait3A_717] : memref<2500x128xi32, #tpu.memory_space<hbm>> -> memref<1x128xi32, #tpu.memory_space<hbm>>
          %dma_wait3A_719 = tpu.memref_squeeze %dma_wait3A_718 : memref<1x128xi32, #tpu.memory_space<hbm>> -> memref<128xi32, #tpu.memory_space<hbm>>
          tpu.wait_dma2 semaphore(%run_scoped3A : memref<!tpu.dma_semaphore, #tpu.memory_space<semaphore_mem>>) src(%dma_wait3A_719 : memref<128xi32, #tpu.memory_space<hbm>>) dst(%arg8 : memref<128xi32, #tpu.memory_space<vmem>>)
          tpu.yield
        }) : () -> ()
        %add3A_702 = arith.constant 1 : i32
        %add3A_703 = arith.addi %mul3A_93, %add3A_702 : i32
        "tpu.region"() ({
          %run_scoped3A = tpu.sem_alloc : memref<!tpu.dma_semaphore, #tpu.memory_space<semaphore_mem>>
          %dma_start3A_709 = arith.constant 0 : i32
          %dma_start3A_710 = tpu.memref_slice %arg2[%add3A_703, %dma_start3A_709] : memref<2500x128xi32, #tpu.memory_space<hbm>> -> memref<1x128xi32, #tpu.memory_space<hbm>>
          %dma_start3A_711 = tpu.memref_squeeze %dma_start3A_710 : memref<1x128xi32, #tpu.memory_space<hbm>> -> memref<128xi32, #tpu.memory_space<hbm>>
          %dma_start3A_712 = arith.constant 0 : i32
          %dma_start3A_713 = tpu.memref_slice %arg2[%add3A_703, %dma_start3A_712] : memref<2500x128xi32, #tpu.memory_space<hbm>> -> memref<1x128xi32, #tpu.memory_space<hbm>>
          %dma_start3A_714 = tpu.memref_squeeze %dma_start3A_713 : memref<1x128xi32, #tpu.memory_space<hbm>> -> memref<128xi32, #tpu.memory_space<hbm>>
          tpu.enqueue_dma source(%dma_start3A_714 : memref<128xi32, #tpu.memory_space<hbm>>) target(%arg9 : memref<128xi32, #tpu.memory_space<vmem>>) target_semaphore(%run_scoped3A : memref<!tpu.dma_semaphore, #tpu.memory_space<semaphore_mem>>)
          %dma_wait3A = arith.constant 0 : i32
          %dma_wait3A_715 = tpu.memref_slice %arg2[%add3A_703, %dma_wait3A] : memref<2500x128xi32, #tpu.memory_space<hbm>> -> memref<1x128xi32, #tpu.memory_space<hbm>>
          %dma_wait3A_716 = tpu.memref_squeeze %dma_wait3A_715 : memref<1x128xi32, #tpu.memory_space<hbm>> -> memref<128xi32, #tpu.memory_space<hbm>>
          %dma_wait3A_717 = arith.constant 0 : i32
          %dma_wait3A_718 = tpu.memref_slice %arg2[%add3A_703, %dma_wait3A_717] : memref<2500x128xi32, #tpu.memory_space<hbm>> -> memref<1x128xi32, #tpu.memory_space<hbm>>
          %dma_wait3A_719 = tpu.memref_squeeze %dma_wait3A_718 : memref<1x128xi32, #tpu.memory_space<hbm>> -> memref<128xi32, #tpu.memory_space<hbm>>
          tpu.wait_dma2 semaphore(%run_scoped3A : memref<!tpu.dma_semaphore, #tpu.memory_space<semaphore_mem>>) src(%dma_wait3A_719 : memref<128xi32, #tpu.memory_space<hbm>>) dst(%arg9 : memref<128xi32, #tpu.memory_space<vmem>>)
          tpu.yield
        }) : () -> ()
        %dma_start3A = arith.constant 0 : i32
        %dma_start3A_704 = arith.constant 0 : i32
        %dma_start3A_705 = tpu.memref_slice %arg4[%dma_start3A, %dma_start3A_704] : memref<10000x128xf32, #tpu.memory_space<hbm>> -> memref<10000x128xf32, #tpu.memory_space<hbm>>
        tpu.enqueue_indirect_dma source(%dma_start3A_705 : memref<10000x128xf32, #tpu.memory_space<hbm>>) target(%arg12 : memref<128x128xf32, #tpu.memory_space<vmem>>) offsets(%arg8 : memref<128xi32, #tpu.memory_space<vmem>>) semaphore(%arg22 : memref<!tpu.dma_semaphore, #tpu.memory_space<semaphore_mem>>)
        %dma_start3A_706 = arith.constant 0 : i32
        %dma_start3A_707 = arith.constant 0 : i32
        %dma_start3A_708 = tpu.memref_slice %arg4[%dma_start3A_706, %dma_start3A_707] : memref<10000x128xf32, #tpu.memory_space<hbm>> -> memref<10000x128xf32, #tpu.memory_space<hbm>>
        tpu.enqueue_indirect_dma source(%dma_start3A_708 : memref<10000x128xf32, #tpu.memory_space<hbm>>) target(%arg13 : memref<128x128xf32, #tpu.memory_space<vmem>>) offsets(%arg9 : memref<128xi32, #tpu.memory_space<vmem>>) semaphore(%arg22 : memref<!tpu.dma_semaphore, #tpu.memory_space<semaphore_mem>>)
      } else {
      }
      %gt3A_103 = arith.constant 0 : i32
      %gt3A_104 = arith.cmpi sgt, %while3A_81, %gt3A_103 : i32
      %convert_element_type3A_105 = arith.extui %gt3A_104 : i1 to i32
      %cond3A_106 = arith.constant 0 : i32
      %cond3A_107 = arith.cmpi ne, %convert_element_type3A_105, %cond3A_106 : i32
      scf.if %cond3A_107 {
        %gt3A_700 = arith.constant 0 : i32
        %gt3A_701 = arith.cmpi sgt, %squeeze3A, %gt3A_700 : i32
        %convert_element_type3A_702 = arith.extui %gt3A_701 : i1 to i32
        %cond3A_703 = arith.constant 0 : i32
        %cond3A_704 = arith.cmpi ne, %convert_element_type3A_702, %cond3A_703 : i32
        scf.if %cond3A_704 {
          %dma_wait3A = arith.constant 0 : i32
          %dma_wait3A_710 = arith.constant 0 : i32
          %dma_wait3A_711 = tpu.memref_slice %arg21[%dma_wait3A, %dma_wait3A_710] : memref<5008x128xf32, #tpu.memory_space<vmem_shared>> -> memref<5008x128xf32, #tpu.memory_space<vmem_shared>>
          tpu.wait_indirect_dma semaphore(%arg25 : memref<!tpu.dma_semaphore, #tpu.memory_space<semaphore_mem>>) src(%arg18 : memref<128x128xf32, #tpu.memory_space<vmem>>) dst(%dma_wait3A_711 : memref<5008x128xf32, #tpu.memory_space<vmem_shared>>)
          %dma_wait3A_712 = arith.constant 0 : i32
          %dma_wait3A_713 = arith.constant 0 : i32
          %dma_wait3A_714 = tpu.memref_slice %arg21[%dma_wait3A_712, %dma_wait3A_713] : memref<5008x128xf32, #tpu.memory_space<vmem_shared>> -> memref<5008x128xf32, #tpu.memory_space<vmem_shared>>
          tpu.wait_indirect_dma semaphore(%arg25 : memref<!tpu.dma_semaphore, #tpu.memory_space<semaphore_mem>>) src(%arg19 : memref<128x128xf32, #tpu.memory_space<vmem>>) dst(%dma_wait3A_714 : memref<5008x128xf32, #tpu.memory_space<vmem_shared>>)
        } else {
        }
        %eq3A_705 = arith.constant 0 : i32
        %eq3A_706 = arith.cmpi eq, %squeeze3A, %eq3A_705 : i32
        %convert_element_type3A_707 = arith.extui %eq3A_706 : i1 to i32
        %cond3A_708 = arith.constant 0 : i32
        %cond3A_709 = arith.cmpi ne, %convert_element_type3A_707, %cond3A_708 : i32
        scf.if %cond3A_709 {
          %dma_wait3A = arith.constant 0 : i32
          %dma_wait3A_710 = arith.constant 0 : i32
          %dma_wait3A_711 = tpu.memref_slice %arg21[%dma_wait3A, %dma_wait3A_710] : memref<5008x128xf32, #tpu.memory_space<vmem_shared>> -> memref<5008x128xf32, #tpu.memory_space<vmem_shared>>
          tpu.wait_indirect_dma semaphore(%arg25 : memref<!tpu.dma_semaphore, #tpu.memory_space<semaphore_mem>>) src(%arg12 : memref<128x128xf32, #tpu.memory_space<vmem>>) dst(%dma_wait3A_711 : memref<5008x128xf32, #tpu.memory_space<vmem_shared>>)
          %dma_wait3A_712 = arith.constant 0 : i32
          %dma_wait3A_713 = arith.constant 0 : i32
          %dma_wait3A_714 = tpu.memref_slice %arg21[%dma_wait3A_712, %dma_wait3A_713] : memref<5008x128xf32, #tpu.memory_space<vmem_shared>> -> memref<5008x128xf32, #tpu.memory_space<vmem_shared>>
          tpu.wait_indirect_dma semaphore(%arg25 : memref<!tpu.dma_semaphore, #tpu.memory_space<semaphore_mem>>) src(%arg12 : memref<128x128xf32, #tpu.memory_space<vmem>>) dst(%dma_wait3A_714 : memref<5008x128xf32, #tpu.memory_space<vmem_shared>>)
        } else {
        }
      } else {
      }
      %mul3A_108 = arith.constant 2 : i32
      %mul3A_109 = arith.muli %mul3A_108, %while3A_81 : i32
      %add3A_110 = arith.constant 1 : i32
      %add3A_111 = arith.addi %mul3A_109, %add3A_110 : i32
      %mul3A_112 = arith.constant 16 : i32
      %mul3A_113 = arith.muli %add3A_111, %mul3A_112 : i32
      %add3A_114 = arith.addi %mul3A_113, %arg1 : i32
      %mul3A_115 = arith.constant 2 : i32
      %mul3A_116 = arith.muli %add3A_114, %mul3A_115 : i32
      %add3A_117 = arith.constant 0 : i32
      %add3A_118 = arith.addi %mul3A_116, %add3A_117 : i32
      "tpu.region"() ({
        %run_scoped3A = tpu.sem_alloc : memref<!tpu.dma_semaphore, #tpu.memory_space<semaphore_mem>>
        %dma_start3A = arith.constant 0 : i32
        %dma_start3A_700 = tpu.memref_slice %arg3[%add3A_118, %dma_start3A] : memref<2500x128xi32, #tpu.memory_space<hbm>> -> memref<1x128xi32, #tpu.memory_space<hbm>>
        %dma_start3A_701 = tpu.memref_squeeze %dma_start3A_700 : memref<1x128xi32, #tpu.memory_space<hbm>> -> memref<128xi32, #tpu.memory_space<hbm>>
        %dma_start3A_702 = arith.constant 0 : i32
        %dma_start3A_703 = tpu.memref_slice %arg3[%add3A_118, %dma_start3A_702] : memref<2500x128xi32, #tpu.memory_space<hbm>> -> memref<1x128xi32, #tpu.memory_space<hbm>>
        %dma_start3A_704 = tpu.memref_squeeze %dma_start3A_703 : memref<1x128xi32, #tpu.memory_space<hbm>> -> memref<128xi32, #tpu.memory_space<hbm>>
        tpu.enqueue_dma source(%dma_start3A_704 : memref<128xi32, #tpu.memory_space<hbm>>) target(%arg16 : memref<128xi32, #tpu.memory_space<vmem>>) target_semaphore(%run_scoped3A : memref<!tpu.dma_semaphore, #tpu.memory_space<semaphore_mem>>)
        %dma_wait3A = arith.constant 0 : i32
        %dma_wait3A_705 = tpu.memref_slice %arg3[%add3A_118, %dma_wait3A] : memref<2500x128xi32, #tpu.memory_space<hbm>> -> memref<1x128xi32, #tpu.memory_space<hbm>>
        %dma_wait3A_706 = tpu.memref_squeeze %dma_wait3A_705 : memref<1x128xi32, #tpu.memory_space<hbm>> -> memref<128xi32, #tpu.memory_space<hbm>>
        %dma_wait3A_707 = arith.constant 0 : i32
        %dma_wait3A_708 = tpu.memref_slice %arg3[%add3A_118, %dma_wait3A_707] : memref<2500x128xi32, #tpu.memory_space<hbm>> -> memref<1x128xi32, #tpu.memory_space<hbm>>
        %dma_wait3A_709 = tpu.memref_squeeze %dma_wait3A_708 : memref<1x128xi32, #tpu.memory_space<hbm>> -> memref<128xi32, #tpu.memory_space<hbm>>
        tpu.wait_dma2 semaphore(%run_scoped3A : memref<!tpu.dma_semaphore, #tpu.memory_space<semaphore_mem>>) src(%dma_wait3A_709 : memref<128xi32, #tpu.memory_space<hbm>>) dst(%arg16 : memref<128xi32, #tpu.memory_space<vmem>>)
        tpu.yield
      }) : () -> ()
      %add3A_119 = arith.constant 1 : i32
      %add3A_120 = arith.addi %mul3A_116, %add3A_119 : i32
      "tpu.region"() ({
        %run_scoped3A = tpu.sem_alloc : memref<!tpu.dma_semaphore, #tpu.memory_space<semaphore_mem>>
        %dma_start3A = arith.constant 0 : i32
        %dma_start3A_700 = tpu.memref_slice %arg3[%add3A_120, %dma_start3A] : memref<2500x128xi32, #tpu.memory_space<hbm>> -> memref<1x128xi32, #tpu.memory_space<hbm>>
        %dma_start3A_701 = tpu.memref_squeeze %dma_start3A_700 : memref<1x128xi32, #tpu.memory_space<hbm>> -> memref<128xi32, #tpu.memory_space<hbm>>
        %dma_start3A_702 = arith.constant 0 : i32
        %dma_start3A_703 = tpu.memref_slice %arg3[%add3A_120, %dma_start3A_702] : memref<2500x128xi32, #tpu.memory_space<hbm>> -> memref<1x128xi32, #tpu.memory_space<hbm>>
        %dma_start3A_704 = tpu.memref_squeeze %dma_start3A_703 : memref<1x128xi32, #tpu.memory_space<hbm>> -> memref<128xi32, #tpu.memory_space<hbm>>
        tpu.enqueue_dma source(%dma_start3A_704 : memref<128xi32, #tpu.memory_space<hbm>>) target(%arg17 : memref<128xi32, #tpu.memory_space<vmem>>) target_semaphore(%run_scoped3A : memref<!tpu.dma_semaphore, #tpu.memory_space<semaphore_mem>>)
        %dma_wait3A = arith.constant 0 : i32
        %dma_wait3A_705 = tpu.memref_slice %arg3[%add3A_120, %dma_wait3A] : memref<2500x128xi32, #tpu.memory_space<hbm>> -> memref<1x128xi32, #tpu.memory_space<hbm>>
        %dma_wait3A_706 = tpu.memref_squeeze %dma_wait3A_705 : memref<1x128xi32, #tpu.memory_space<hbm>> -> memref<128xi32, #tpu.memory_space<hbm>>
        %dma_wait3A_707 = arith.constant 0 : i32
        %dma_wait3A_708 = tpu.memref_slice %arg3[%add3A_120, %dma_wait3A_707] : memref<2500x128xi32, #tpu.memory_space<hbm>> -> memref<1x128xi32, #tpu.memory_space<hbm>>
        %dma_wait3A_709 = tpu.memref_squeeze %dma_wait3A_708 : memref<1x128xi32, #tpu.memory_space<hbm>> -> memref<128xi32, #tpu.memory_space<hbm>>
        tpu.wait_dma2 semaphore(%run_scoped3A : memref<!tpu.dma_semaphore, #tpu.memory_space<semaphore_mem>>) src(%dma_wait3A_709 : memref<128xi32, #tpu.memory_space<hbm>>) dst(%arg17 : memref<128xi32, #tpu.memory_space<vmem>>)
        tpu.yield
      }) : () -> ()
      %gt3A_121 = arith.constant 0 : i32
      %gt3A_122 = arith.cmpi sgt, %squeeze3A, %gt3A_121 : i32
      %convert_element_type3A_123 = arith.extui %gt3A_122 : i1 to i32
      %cond3A_124 = arith.constant 0 : i32
      %cond3A_125 = arith.cmpi ne, %convert_element_type3A_123, %cond3A_124 : i32
      scf.if %cond3A_125 {
        %add3A_700 = arith.constant 0 : i32
        %add3A_701 = arith.addi %mul3A_116, %add3A_700 : i32
        "tpu.region"() ({
          %run_scoped3A = tpu.sem_alloc : memref<!tpu.dma_semaphore, #tpu.memory_space<semaphore_mem>>
          %dma_start3A_709 = arith.constant 0 : i32
          %dma_start3A_710 = tpu.memref_slice %arg2[%add3A_701, %dma_start3A_709] : memref<2500x128xi32, #tpu.memory_space<hbm>> -> memref<1x128xi32, #tpu.memory_space<hbm>>
          %dma_start3A_711 = tpu.memref_squeeze %dma_start3A_710 : memref<1x128xi32, #tpu.memory_space<hbm>> -> memref<128xi32, #tpu.memory_space<hbm>>
          %dma_start3A_712 = arith.constant 0 : i32
          %dma_start3A_713 = tpu.memref_slice %arg2[%add3A_701, %dma_start3A_712] : memref<2500x128xi32, #tpu.memory_space<hbm>> -> memref<1x128xi32, #tpu.memory_space<hbm>>
          %dma_start3A_714 = tpu.memref_squeeze %dma_start3A_713 : memref<1x128xi32, #tpu.memory_space<hbm>> -> memref<128xi32, #tpu.memory_space<hbm>>
          tpu.enqueue_dma source(%dma_start3A_714 : memref<128xi32, #tpu.memory_space<hbm>>) target(%arg14 : memref<128xi32, #tpu.memory_space<vmem>>) target_semaphore(%run_scoped3A : memref<!tpu.dma_semaphore, #tpu.memory_space<semaphore_mem>>)
          %dma_wait3A = arith.constant 0 : i32
          %dma_wait3A_715 = tpu.memref_slice %arg2[%add3A_701, %dma_wait3A] : memref<2500x128xi32, #tpu.memory_space<hbm>> -> memref<1x128xi32, #tpu.memory_space<hbm>>
          %dma_wait3A_716 = tpu.memref_squeeze %dma_wait3A_715 : memref<1x128xi32, #tpu.memory_space<hbm>> -> memref<128xi32, #tpu.memory_space<hbm>>
          %dma_wait3A_717 = arith.constant 0 : i32
          %dma_wait3A_718 = tpu.memref_slice %arg2[%add3A_701, %dma_wait3A_717] : memref<2500x128xi32, #tpu.memory_space<hbm>> -> memref<1x128xi32, #tpu.memory_space<hbm>>
          %dma_wait3A_719 = tpu.memref_squeeze %dma_wait3A_718 : memref<1x128xi32, #tpu.memory_space<hbm>> -> memref<128xi32, #tpu.memory_space<hbm>>
          tpu.wait_dma2 semaphore(%run_scoped3A : memref<!tpu.dma_semaphore, #tpu.memory_space<semaphore_mem>>) src(%dma_wait3A_719 : memref<128xi32, #tpu.memory_space<hbm>>) dst(%arg14 : memref<128xi32, #tpu.memory_space<vmem>>)
          tpu.yield
        }) : () -> ()
        %add3A_702 = arith.constant 1 : i32
        %add3A_703 = arith.addi %mul3A_116, %add3A_702 : i32
        "tpu.region"() ({
          %run_scoped3A = tpu.sem_alloc : memref<!tpu.dma_semaphore, #tpu.memory_space<semaphore_mem>>
          %dma_start3A_709 = arith.constant 0 : i32
          %dma_start3A_710 = tpu.memref_slice %arg2[%add3A_703, %dma_start3A_709] : memref<2500x128xi32, #tpu.memory_space<hbm>> -> memref<1x128xi32, #tpu.memory_space<hbm>>
          %dma_start3A_711 = tpu.memref_squeeze %dma_start3A_710 : memref<1x128xi32, #tpu.memory_space<hbm>> -> memref<128xi32, #tpu.memory_space<hbm>>
          %dma_start3A_712 = arith.constant 0 : i32
          %dma_start3A_713 = tpu.memref_slice %arg2[%add3A_703, %dma_start3A_712] : memref<2500x128xi32, #tpu.memory_space<hbm>> -> memref<1x128xi32, #tpu.memory_space<hbm>>
          %dma_start3A_714 = tpu.memref_squeeze %dma_start3A_713 : memref<1x128xi32, #tpu.memory_space<hbm>> -> memref<128xi32, #tpu.memory_space<hbm>>
          tpu.enqueue_dma source(%dma_start3A_714 : memref<128xi32, #tpu.memory_space<hbm>>) target(%arg15 : memref<128xi32, #tpu.memory_space<vmem>>) target_semaphore(%run_scoped3A : memref<!tpu.dma_semaphore, #tpu.memory_space<semaphore_mem>>)
          %dma_wait3A = arith.constant 0 : i32
          %dma_wait3A_715 = tpu.memref_slice %arg2[%add3A_703, %dma_wait3A] : memref<2500x128xi32, #tpu.memory_space<hbm>> -> memref<1x128xi32, #tpu.memory_space<hbm>>
          %dma_wait3A_716 = tpu.memref_squeeze %dma_wait3A_715 : memref<1x128xi32, #tpu.memory_space<hbm>> -> memref<128xi32, #tpu.memory_space<hbm>>
          %dma_wait3A_717 = arith.constant 0 : i32
          %dma_wait3A_718 = tpu.memref_slice %arg2[%add3A_703, %dma_wait3A_717] : memref<2500x128xi32, #tpu.memory_space<hbm>> -> memref<1x128xi32, #tpu.memory_space<hbm>>
          %dma_wait3A_719 = tpu.memref_squeeze %dma_wait3A_718 : memref<1x128xi32, #tpu.memory_space<hbm>> -> memref<128xi32, #tpu.memory_space<hbm>>
          tpu.wait_dma2 semaphore(%run_scoped3A : memref<!tpu.dma_semaphore, #tpu.memory_space<semaphore_mem>>) src(%dma_wait3A_719 : memref<128xi32, #tpu.memory_space<hbm>>) dst(%arg15 : memref<128xi32, #tpu.memory_space<vmem>>)
          tpu.yield
        }) : () -> ()
        %dma_start3A = arith.constant 0 : i32
        %dma_start3A_704 = arith.constant 0 : i32
        %dma_start3A_705 = tpu.memref_slice %arg4[%dma_start3A, %dma_start3A_704] : memref<10000x128xf32, #tpu.memory_space<hbm>> -> memref<10000x128xf32, #tpu.memory_space<hbm>>
        tpu.enqueue_indirect_dma source(%dma_start3A_705 : memref<10000x128xf32, #tpu.memory_space<hbm>>) target(%arg18 : memref<128x128xf32, #tpu.memory_space<vmem>>) offsets(%arg14 : memref<128xi32, #tpu.memory_space<vmem>>) semaphore(%arg23 : memref<!tpu.dma_semaphore, #tpu.memory_space<semaphore_mem>>)
        %dma_start3A_706 = arith.constant 0 : i32
        %dma_start3A_707 = arith.constant 0 : i32
        %dma_start3A_708 = tpu.memref_slice %arg4[%dma_start3A_706, %dma_start3A_707] : memref<10000x128xf32, #tpu.memory_space<hbm>> -> memref<10000x128xf32, #tpu.memory_space<hbm>>
        tpu.enqueue_indirect_dma source(%dma_start3A_708 : memref<10000x128xf32, #tpu.memory_space<hbm>>) target(%arg19 : memref<128x128xf32, #tpu.memory_space<vmem>>) offsets(%arg15 : memref<128xi32, #tpu.memory_space<vmem>>) semaphore(%arg23 : memref<!tpu.dma_semaphore, #tpu.memory_space<semaphore_mem>>)
      } else {
      }
      %iota3A = tpu.iota {dimensions = array<i32: 0>} : vector<16xi32>
      %and3A_126 = arith.constant 7 : i32
      %and3A_127 = vector.broadcast %and3A_126 : i32 to vector<16xi32>
      %and3A_128 = arith.andi %iota3A, %and3A_127 : vector<16xi32>
      %add3A_129 = arith.constant 5000 : i32
      %add3A_130 = vector.broadcast %add3A_129 : i32 to vector<16xi32>
      %add3A_131 = arith.addi %add3A_130, %and3A_128 : vector<16xi32>
      %get3A_132 = arith.constant 0 : index
      %get3A_133 = tpu.vector_load %arg10[%get3A_132] {strides = array<i32>} : memref<128xi32, #tpu.memory_space<vmem>>, vector<16xi32>,
      %get3A_134 = vector.shape_cast %get3A_133 : vector<16xi32> to vector<16xi32>
      %sub3A_135 = vector.broadcast %mul3A_0 : i32 to vector<16xi32>
      %sub3A_136 = arith.subi %get3A_134, %sub3A_135 : vector<16xi32>
      %lt3A_137 = arith.constant 0 : i32
      %lt3A_138 = vector.broadcast %lt3A_137 : i32 to vector<16xi32>
      %lt3A_139 = arith.cmpi slt, %sub3A_136, %lt3A_138 : vector<16xi32>
      %ge3A = arith.constant 5000 : i32
      %ge3A_140 = vector.broadcast %ge3A : i32 to vector<16xi32>
      %ge3A_141 = arith.cmpi sge, %sub3A_136, %ge3A_140 : vector<16xi32>
      %or3A = arith.ori %lt3A_139, %ge3A_141 : vector<16xi1>
      %select_n3A_142 = arith.select %or3A, %add3A_131, %sub3A_136 : vector<16xi1>, vector<16xi32>
      %swap3A = arith.constant 0 : index
      %swap3A_143 = tpu.vector_load %arg10[%swap3A] {strides = array<i32>} : memref<128xi32, #tpu.memory_space<vmem>>, vector<16xi32>,
      %swap3A_144 = vector.shape_cast %swap3A_143 : vector<16xi32> to vector<16xi32>
      %swap3A_145 = vector.shape_cast %select_n3A_142 : vector<16xi32> to vector<16xi32>
      tpu.vector_store %arg10[%swap3A], %swap3A_145 {strides = array<i32>} : memref<128xi32, #tpu.memory_space<vmem>>, vector<16xi32>,
      %get3A_146 = arith.constant 16 : index
      %get3A_147 = tpu.vector_load %arg10[%get3A_146] {strides = array<i32>} : memref<128xi32, #tpu.memory_space<vmem>>, vector<16xi32>,
      %get3A_148 = vector.shape_cast %get3A_147 : vector<16xi32> to vector<16xi32>
      %sub3A_149 = vector.broadcast %mul3A_0 : i32 to vector<16xi32>
      %sub3A_150 = arith.subi %get3A_148, %sub3A_149 : vector<16xi32>
      %lt3A_151 = arith.constant 0 : i32
      %lt3A_152 = vector.broadcast %lt3A_151 : i32 to vector<16xi32>
      %lt3A_153 = arith.cmpi slt, %sub3A_150, %lt3A_152 : vector<16xi32>
      %ge3A_154 = arith.constant 5000 : i32
      %ge3A_155 = vector.broadcast %ge3A_154 : i32 to vector<16xi32>
      %ge3A_156 = arith.cmpi sge, %sub3A_150, %ge3A_155 : vector<16xi32>
      %or3A_157 = arith.ori %lt3A_153, %ge3A_156 : vector<16xi1>
      %select_n3A_158 = arith.select %or3A_157, %add3A_131, %sub3A_150 : vector<16xi1>, vector<16xi32>
      %swap3A_159 = arith.constant 16 : index
      %swap3A_160 = tpu.vector_load %arg10[%swap3A_159] {strides = array<i32>} : memref<128xi32, #tpu.memory_space<vmem>>, vector<16xi32>,
      %swap3A_161 = vector.shape_cast %swap3A_160 : vector<16xi32> to vector<16xi32>
      %swap3A_162 = vector.shape_cast %select_n3A_158 : vector<16xi32> to vector<16xi32>
      tpu.vector_store %arg10[%swap3A_159], %swap3A_162 {strides = array<i32>} : memref<128xi32, #tpu.memory_space<vmem>>, vector<16xi32>,
      %get3A_163 = arith.constant 32 : index
      %get3A_164 = tpu.vector_load %arg10[%get3A_163] {strides = array<i32>} : memref<128xi32, #tpu.memory_space<vmem>>, vector<16xi32>,
      %get3A_165 = vector.shape_cast %get3A_164 : vector<16xi32> to vector<16xi32>
      %sub3A_166 = vector.broadcast %mul3A_0 : i32 to vector<16xi32>
      %sub3A_167 = arith.subi %get3A_165, %sub3A_166 : vector<16xi32>
      %lt3A_168 = arith.constant 0 : i32
      %lt3A_169 = vector.broadcast %lt3A_168 : i32 to vector<16xi32>
      %lt3A_170 = arith.cmpi slt, %sub3A_167, %lt3A_169 : vector<16xi32>
      %ge3A_171 = arith.constant 5000 : i32
      %ge3A_172 = vector.broadcast %ge3A_171 : i32 to vector<16xi32>
      %ge3A_173 = arith.cmpi sge, %sub3A_167, %ge3A_172 : vector<16xi32>
      %or3A_174 = arith.ori %lt3A_170, %ge3A_173 : vector<16xi1>
      %select_n3A_175 = arith.select %or3A_174, %add3A_131, %sub3A_167 : vector<16xi1>, vector<16xi32>
      %swap3A_176 = arith.constant 32 : index
      %swap3A_177 = tpu.vector_load %arg10[%swap3A_176] {strides = array<i32>} : memref<128xi32, #tpu.memory_space<vmem>>, vector<16xi32>,
      %swap3A_178 = vector.shape_cast %swap3A_177 : vector<16xi32> to vector<16xi32>
      %swap3A_179 = vector.shape_cast %select_n3A_175 : vector<16xi32> to vector<16xi32>
      tpu.vector_store %arg10[%swap3A_176], %swap3A_179 {strides = array<i32>} : memref<128xi32, #tpu.memory_space<vmem>>, vector<16xi32>,
      %get3A_180 = arith.constant 48 : index
      %get3A_181 = tpu.vector_load %arg10[%get3A_180] {strides = array<i32>} : memref<128xi32, #tpu.memory_space<vmem>>, vector<16xi32>,
      %get3A_182 = vector.shape_cast %get3A_181 : vector<16xi32> to vector<16xi32>
      %sub3A_183 = vector.broadcast %mul3A_0 : i32 to vector<16xi32>
      %sub3A_184 = arith.subi %get3A_182, %sub3A_183 : vector<16xi32>
      %lt3A_185 = arith.constant 0 : i32
      %lt3A_186 = vector.broadcast %lt3A_185 : i32 to vector<16xi32>
      %lt3A_187 = arith.cmpi slt, %sub3A_184, %lt3A_186 : vector<16xi32>
      %ge3A_188 = arith.constant 5000 : i32
      %ge3A_189 = vector.broadcast %ge3A_188 : i32 to vector<16xi32>
      %ge3A_190 = arith.cmpi sge, %sub3A_184, %ge3A_189 : vector<16xi32>
      %or3A_191 = arith.ori %lt3A_187, %ge3A_190 : vector<16xi1>
      %select_n3A_192 = arith.select %or3A_191, %add3A_131, %sub3A_184 : vector<16xi1>, vector<16xi32>
      %swap3A_193 = arith.constant 48 : index
      %swap3A_194 = tpu.vector_load %arg10[%swap3A_193] {strides = array<i32>} : memref<128xi32, #tpu.memory_space<vmem>>, vector<16xi32>,
      %swap3A_195 = vector.shape_cast %swap3A_194 : vector<16xi32> to vector<16xi32>
      %swap3A_196 = vector.shape_cast %select_n3A_192 : vector<16xi32> to vector<16xi32>
      tpu.vector_store %arg10[%swap3A_193], %swap3A_196 {strides = array<i32>} : memref<128xi32, #tpu.memory_space<vmem>>, vector<16xi32>,
      %get3A_197 = arith.constant 64 : index
      %get3A_198 = tpu.vector_load %arg10[%get3A_197] {strides = array<i32>} : memref<128xi32, #tpu.memory_space<vmem>>, vector<16xi32>,
      %get3A_199 = vector.shape_cast %get3A_198 : vector<16xi32> to vector<16xi32>
      %sub3A_200 = vector.broadcast %mul3A_0 : i32 to vector<16xi32>
      %sub3A_201 = arith.subi %get3A_199, %sub3A_200 : vector<16xi32>
      %lt3A_202 = arith.constant 0 : i32
      %lt3A_203 = vector.broadcast %lt3A_202 : i32 to vector<16xi32>
      %lt3A_204 = arith.cmpi slt, %sub3A_201, %lt3A_203 : vector<16xi32>
      %ge3A_205 = arith.constant 5000 : i32
      %ge3A_206 = vector.broadcast %ge3A_205 : i32 to vector<16xi32>
      %ge3A_207 = arith.cmpi sge, %sub3A_201, %ge3A_206 : vector<16xi32>
      %or3A_208 = arith.ori %lt3A_204, %ge3A_207 : vector<16xi1>
      %select_n3A_209 = arith.select %or3A_208, %add3A_131, %sub3A_201 : vector<16xi1>, vector<16xi32>
      %swap3A_210 = arith.constant 64 : index
      %swap3A_211 = tpu.vector_load %arg10[%swap3A_210] {strides = array<i32>} : memref<128xi32, #tpu.memory_space<vmem>>, vector<16xi32>,
      %swap3A_212 = vector.shape_cast %swap3A_211 : vector<16xi32> to vector<16xi32>
      %swap3A_213 = vector.shape_cast %select_n3A_209 : vector<16xi32> to vector<16xi32>
      tpu.vector_store %arg10[%swap3A_210], %swap3A_213 {strides = array<i32>} : memref<128xi32, #tpu.memory_space<vmem>>, vector<16xi32>,
      %get3A_214 = arith.constant 80 : index
      %get3A_215 = tpu.vector_load %arg10[%get3A_214] {strides = array<i32>} : memref<128xi32, #tpu.memory_space<vmem>>, vector<16xi32>,
      %get3A_216 = vector.shape_cast %get3A_215 : vector<16xi32> to vector<16xi32>
      %sub3A_217 = vector.broadcast %mul3A_0 : i32 to vector<16xi32>
      %sub3A_218 = arith.subi %get3A_216, %sub3A_217 : vector<16xi32>
      %lt3A_219 = arith.constant 0 : i32
      %lt3A_220 = vector.broadcast %lt3A_219 : i32 to vector<16xi32>
      %lt3A_221 = arith.cmpi slt, %sub3A_218, %lt3A_220 : vector<16xi32>
      %ge3A_222 = arith.constant 5000 : i32
      %ge3A_223 = vector.broadcast %ge3A_222 : i32 to vector<16xi32>
      %ge3A_224 = arith.cmpi sge, %sub3A_218, %ge3A_223 : vector<16xi32>
      %or3A_225 = arith.ori %lt3A_221, %ge3A_224 : vector<16xi1>
      %select_n3A_226 = arith.select %or3A_225, %add3A_131, %sub3A_218 : vector<16xi1>, vector<16xi32>
      %swap3A_227 = arith.constant 80 : index
      %swap3A_228 = tpu.vector_load %arg10[%swap3A_227] {strides = array<i32>} : memref<128xi32, #tpu.memory_space<vmem>>, vector<16xi32>,
      %swap3A_229 = vector.shape_cast %swap3A_228 : vector<16xi32> to vector<16xi32>
      %swap3A_230 = vector.shape_cast %select_n3A_226 : vector<16xi32> to vector<16xi32>
      tpu.vector_store %arg10[%swap3A_227], %swap3A_230 {strides = array<i32>} : memref<128xi32, #tpu.memory_space<vmem>>, vector<16xi32>,
      %get3A_231 = arith.constant 96 : index
      %get3A_232 = tpu.vector_load %arg10[%get3A_231] {strides = array<i32>} : memref<128xi32, #tpu.memory_space<vmem>>, vector<16xi32>,
      %get3A_233 = vector.shape_cast %get3A_232 : vector<16xi32> to vector<16xi32>
      %sub3A_234 = vector.broadcast %mul3A_0 : i32 to vector<16xi32>
      %sub3A_235 = arith.subi %get3A_233, %sub3A_234 : vector<16xi32>
      %lt3A_236 = arith.constant 0 : i32
      %lt3A_237 = vector.broadcast %lt3A_236 : i32 to vector<16xi32>
      %lt3A_238 = arith.cmpi slt, %sub3A_235, %lt3A_237 : vector<16xi32>
      %ge3A_239 = arith.constant 5000 : i32
      %ge3A_240 = vector.broadcast %ge3A_239 : i32 to vector<16xi32>
      %ge3A_241 = arith.cmpi sge, %sub3A_235, %ge3A_240 : vector<16xi32>
      %or3A_242 = arith.ori %lt3A_238, %ge3A_241 : vector<16xi1>
      %select_n3A_243 = arith.select %or3A_242, %add3A_131, %sub3A_235 : vector<16xi1>, vector<16xi32>
      %swap3A_244 = arith.constant 96 : index
      %swap3A_245 = tpu.vector_load %arg10[%swap3A_244] {strides = array<i32>} : memref<128xi32, #tpu.memory_space<vmem>>, vector<16xi32>,
      %swap3A_246 = vector.shape_cast %swap3A_245 : vector<16xi32> to vector<16xi32>
      %swap3A_247 = vector.shape_cast %select_n3A_243 : vector<16xi32> to vector<16xi32>
      tpu.vector_store %arg10[%swap3A_244], %swap3A_247 {strides = array<i32>} : memref<128xi32, #tpu.memory_space<vmem>>, vector<16xi32>,
      %get3A_248 = arith.constant 112 : index
      %get3A_249 = tpu.vector_load %arg10[%get3A_248] {strides = array<i32>} : memref<128xi32, #tpu.memory_space<vmem>>, vector<16xi32>,
      %get3A_250 = vector.shape_cast %get3A_249 : vector<16xi32> to vector<16xi32>
      %sub3A_251 = vector.broadcast %mul3A_0 : i32 to vector<16xi32>
      %sub3A_252 = arith.subi %get3A_250, %sub3A_251 : vector<16xi32>
      %lt3A_253 = arith.constant 0 : i32
      %lt3A_254 = vector.broadcast %lt3A_253 : i32 to vector<16xi32>
      %lt3A_255 = arith.cmpi slt, %sub3A_252, %lt3A_254 : vector<16xi32>
      %ge3A_256 = arith.constant 5000 : i32
      %ge3A_257 = vector.broadcast %ge3A_256 : i32 to vector<16xi32>
      %ge3A_258 = arith.cmpi sge, %sub3A_252, %ge3A_257 : vector<16xi32>
      %or3A_259 = arith.ori %lt3A_255, %ge3A_258 : vector<16xi1>
      %select_n3A_260 = arith.select %or3A_259, %add3A_131, %sub3A_252 : vector<16xi1>, vector<16xi32>
      %swap3A_261 = arith.constant 112 : index
      %swap3A_262 = tpu.vector_load %arg10[%swap3A_261] {strides = array<i32>} : memref<128xi32, #tpu.memory_space<vmem>>, vector<16xi32>,
      %swap3A_263 = vector.shape_cast %swap3A_262 : vector<16xi32> to vector<16xi32>
      %swap3A_264 = vector.shape_cast %select_n3A_260 : vector<16xi32> to vector<16xi32>
      tpu.vector_store %arg10[%swap3A_261], %swap3A_264 {strides = array<i32>} : memref<128xi32, #tpu.memory_space<vmem>>, vector<16xi32>,
      %get3A_265 = arith.constant 0 : index
      %get3A_266 = tpu.vector_load %arg11[%get3A_265] {strides = array<i32>} : memref<128xi32, #tpu.memory_space<vmem>>, vector<16xi32>,
      %get3A_267 = vector.shape_cast %get3A_266 : vector<16xi32> to vector<16xi32>
      %sub3A_268 = vector.broadcast %mul3A_0 : i32 to vector<16xi32>
      %sub3A_269 = arith.subi %get3A_267, %sub3A_268 : vector<16xi32>
      %lt3A_270 = arith.constant 0 : i32
      %lt3A_271 = vector.broadcast %lt3A_270 : i32 to vector<16xi32>
      %lt3A_272 = arith.cmpi slt, %sub3A_269, %lt3A_271 : vector<16xi32>
      %ge3A_273 = arith.constant 5000 : i32
      %ge3A_274 = vector.broadcast %ge3A_273 : i32 to vector<16xi32>
      %ge3A_275 = arith.cmpi sge, %sub3A_269, %ge3A_274 : vector<16xi32>
      %or3A_276 = arith.ori %lt3A_272, %ge3A_275 : vector<16xi1>
      %select_n3A_277 = arith.select %or3A_276, %add3A_131, %sub3A_269 : vector<16xi1>, vector<16xi32>
      %swap3A_278 = arith.constant 0 : index
      %swap3A_279 = tpu.vector_load %arg11[%swap3A_278] {strides = array<i32>} : memref<128xi32, #tpu.memory_space<vmem>>, vector<16xi32>,
      %swap3A_280 = vector.shape_cast %swap3A_279 : vector<16xi32> to vector<16xi32>
      %swap3A_281 = vector.shape_cast %select_n3A_277 : vector<16xi32> to vector<16xi32>
      tpu.vector_store %arg11[%swap3A_278], %swap3A_281 {strides = array<i32>} : memref<128xi32, #tpu.memory_space<vmem>>, vector<16xi32>,
      %get3A_282 = arith.constant 16 : index
      %get3A_283 = tpu.vector_load %arg11[%get3A_282] {strides = array<i32>} : memref<128xi32, #tpu.memory_space<vmem>>, vector<16xi32>,
      %get3A_284 = vector.shape_cast %get3A_283 : vector<16xi32> to vector<16xi32>
      %sub3A_285 = vector.broadcast %mul3A_0 : i32 to vector<16xi32>
      %sub3A_286 = arith.subi %get3A_284, %sub3A_285 : vector<16xi32>
      %lt3A_287 = arith.constant 0 : i32
      %lt3A_288 = vector.broadcast %lt3A_287 : i32 to vector<16xi32>
      %lt3A_289 = arith.cmpi slt, %sub3A_286, %lt3A_288 : vector<16xi32>
      %ge3A_290 = arith.constant 5000 : i32
      %ge3A_291 = vector.broadcast %ge3A_290 : i32 to vector<16xi32>
      %ge3A_292 = arith.cmpi sge, %sub3A_286, %ge3A_291 : vector<16xi32>
      %or3A_293 = arith.ori %lt3A_289, %ge3A_292 : vector<16xi1>
      %select_n3A_294 = arith.select %or3A_293, %add3A_131, %sub3A_286 : vector<16xi1>, vector<16xi32>
      %swap3A_295 = arith.constant 16 : index
      %swap3A_296 = tpu.vector_load %arg11[%swap3A_295] {strides = array<i32>} : memref<128xi32, #tpu.memory_space<vmem>>, vector<16xi32>,
      %swap3A_297 = vector.shape_cast %swap3A_296 : vector<16xi32> to vector<16xi32>
      %swap3A_298 = vector.shape_cast %select_n3A_294 : vector<16xi32> to vector<16xi32>
      tpu.vector_store %arg11[%swap3A_295], %swap3A_298 {strides = array<i32>} : memref<128xi32, #tpu.memory_space<vmem>>, vector<16xi32>,
      %get3A_299 = arith.constant 32 : index
      %get3A_300 = tpu.vector_load %arg11[%get3A_299] {strides = array<i32>} : memref<128xi32, #tpu.memory_space<vmem>>, vector<16xi32>,
      %get3A_301 = vector.shape_cast %get3A_300 : vector<16xi32> to vector<16xi32>
      %sub3A_302 = vector.broadcast %mul3A_0 : i32 to vector<16xi32>
      %sub3A_303 = arith.subi %get3A_301, %sub3A_302 : vector<16xi32>
      %lt3A_304 = arith.constant 0 : i32
      %lt3A_305 = vector.broadcast %lt3A_304 : i32 to vector<16xi32>
      %lt3A_306 = arith.cmpi slt, %sub3A_303, %lt3A_305 : vector<16xi32>
      %ge3A_307 = arith.constant 5000 : i32
      %ge3A_308 = vector.broadcast %ge3A_307 : i32 to vector<16xi32>
      %ge3A_309 = arith.cmpi sge, %sub3A_303, %ge3A_308 : vector<16xi32>
      %or3A_310 = arith.ori %lt3A_306, %ge3A_309 : vector<16xi1>
      %select_n3A_311 = arith.select %or3A_310, %add3A_131, %sub3A_303 : vector<16xi1>, vector<16xi32>
      %swap3A_312 = arith.constant 32 : index
      %swap3A_313 = tpu.vector_load %arg11[%swap3A_312] {strides = array<i32>} : memref<128xi32, #tpu.memory_space<vmem>>, vector<16xi32>,
      %swap3A_314 = vector.shape_cast %swap3A_313 : vector<16xi32> to vector<16xi32>
      %swap3A_315 = vector.shape_cast %select_n3A_311 : vector<16xi32> to vector<16xi32>
      tpu.vector_store %arg11[%swap3A_312], %swap3A_315 {strides = array<i32>} : memref<128xi32, #tpu.memory_space<vmem>>, vector<16xi32>,
      %get3A_316 = arith.constant 48 : index
      %get3A_317 = tpu.vector_load %arg11[%get3A_316] {strides = array<i32>} : memref<128xi32, #tpu.memory_space<vmem>>, vector<16xi32>,
      %get3A_318 = vector.shape_cast %get3A_317 : vector<16xi32> to vector<16xi32>
      %sub3A_319 = vector.broadcast %mul3A_0 : i32 to vector<16xi32>
      %sub3A_320 = arith.subi %get3A_318, %sub3A_319 : vector<16xi32>
      %lt3A_321 = arith.constant 0 : i32
      %lt3A_322 = vector.broadcast %lt3A_321 : i32 to vector<16xi32>
      %lt3A_323 = arith.cmpi slt, %sub3A_320, %lt3A_322 : vector<16xi32>
      %ge3A_324 = arith.constant 5000 : i32
      %ge3A_325 = vector.broadcast %ge3A_324 : i32 to vector<16xi32>
      %ge3A_326 = arith.cmpi sge, %sub3A_320, %ge3A_325 : vector<16xi32>
      %or3A_327 = arith.ori %lt3A_323, %ge3A_326 : vector<16xi1>
      %select_n3A_328 = arith.select %or3A_327, %add3A_131, %sub3A_320 : vector<16xi1>, vector<16xi32>
      %swap3A_329 = arith.constant 48 : index
      %swap3A_330 = tpu.vector_load %arg11[%swap3A_329] {strides = array<i32>} : memref<128xi32, #tpu.memory_space<vmem>>, vector<16xi32>,
      %swap3A_331 = vector.shape_cast %swap3A_330 : vector<16xi32> to vector<16xi32>
      %swap3A_332 = vector.shape_cast %select_n3A_328 : vector<16xi32> to vector<16xi32>
      tpu.vector_store %arg11[%swap3A_329], %swap3A_332 {strides = array<i32>} : memref<128xi32, #tpu.memory_space<vmem>>, vector<16xi32>,
      %get3A_333 = arith.constant 64 : index
      %get3A_334 = tpu.vector_load %arg11[%get3A_333] {strides = array<i32>} : memref<128xi32, #tpu.memory_space<vmem>>, vector<16xi32>,
      %get3A_335 = vector.shape_cast %get3A_334 : vector<16xi32> to vector<16xi32>
      %sub3A_336 = vector.broadcast %mul3A_0 : i32 to vector<16xi32>
      %sub3A_337 = arith.subi %get3A_335, %sub3A_336 : vector<16xi32>
      %lt3A_338 = arith.constant 0 : i32
      %lt3A_339 = vector.broadcast %lt3A_338 : i32 to vector<16xi32>
      %lt3A_340 = arith.cmpi slt, %sub3A_337, %lt3A_339 : vector<16xi32>
      %ge3A_341 = arith.constant 5000 : i32
      %ge3A_342 = vector.broadcast %ge3A_341 : i32 to vector<16xi32>
      %ge3A_343 = arith.cmpi sge, %sub3A_337, %ge3A_342 : vector<16xi32>
      %or3A_344 = arith.ori %lt3A_340, %ge3A_343 : vector<16xi1>
      %select_n3A_345 = arith.select %or3A_344, %add3A_131, %sub3A_337 : vector<16xi1>, vector<16xi32>
      %swap3A_346 = arith.constant 64 : index
      %swap3A_347 = tpu.vector_load %arg11[%swap3A_346] {strides = array<i32>} : memref<128xi32, #tpu.memory_space<vmem>>, vector<16xi32>,
      %swap3A_348 = vector.shape_cast %swap3A_347 : vector<16xi32> to vector<16xi32>
      %swap3A_349 = vector.shape_cast %select_n3A_345 : vector<16xi32> to vector<16xi32>
      tpu.vector_store %arg11[%swap3A_346], %swap3A_349 {strides = array<i32>} : memref<128xi32, #tpu.memory_space<vmem>>, vector<16xi32>,
      %get3A_350 = arith.constant 80 : index
      %get3A_351 = tpu.vector_load %arg11[%get3A_350] {strides = array<i32>} : memref<128xi32, #tpu.memory_space<vmem>>, vector<16xi32>,
      %get3A_352 = vector.shape_cast %get3A_351 : vector<16xi32> to vector<16xi32>
      %sub3A_353 = vector.broadcast %mul3A_0 : i32 to vector<16xi32>
      %sub3A_354 = arith.subi %get3A_352, %sub3A_353 : vector<16xi32>
      %lt3A_355 = arith.constant 0 : i32
      %lt3A_356 = vector.broadcast %lt3A_355 : i32 to vector<16xi32>
      %lt3A_357 = arith.cmpi slt, %sub3A_354, %lt3A_356 : vector<16xi32>
      %ge3A_358 = arith.constant 5000 : i32
      %ge3A_359 = vector.broadcast %ge3A_358 : i32 to vector<16xi32>
      %ge3A_360 = arith.cmpi sge, %sub3A_354, %ge3A_359 : vector<16xi32>
      %or3A_361 = arith.ori %lt3A_357, %ge3A_360 : vector<16xi1>
      %select_n3A_362 = arith.select %or3A_361, %add3A_131, %sub3A_354 : vector<16xi1>, vector<16xi32>
      %swap3A_363 = arith.constant 80 : index
      %swap3A_364 = tpu.vector_load %arg11[%swap3A_363] {strides = array<i32>} : memref<128xi32, #tpu.memory_space<vmem>>, vector<16xi32>,
      %swap3A_365 = vector.shape_cast %swap3A_364 : vector<16xi32> to vector<16xi32>
      %swap3A_366 = vector.shape_cast %select_n3A_362 : vector<16xi32> to vector<16xi32>
      tpu.vector_store %arg11[%swap3A_363], %swap3A_366 {strides = array<i32>} : memref<128xi32, #tpu.memory_space<vmem>>, vector<16xi32>,
      %get3A_367 = arith.constant 96 : index
      %get3A_368 = tpu.vector_load %arg11[%get3A_367] {strides = array<i32>} : memref<128xi32, #tpu.memory_space<vmem>>, vector<16xi32>,
      %get3A_369 = vector.shape_cast %get3A_368 : vector<16xi32> to vector<16xi32>
      %sub3A_370 = vector.broadcast %mul3A_0 : i32 to vector<16xi32>
      %sub3A_371 = arith.subi %get3A_369, %sub3A_370 : vector<16xi32>
      %lt3A_372 = arith.constant 0 : i32
      %lt3A_373 = vector.broadcast %lt3A_372 : i32 to vector<16xi32>
      %lt3A_374 = arith.cmpi slt, %sub3A_371, %lt3A_373 : vector<16xi32>
      %ge3A_375 = arith.constant 5000 : i32
      %ge3A_376 = vector.broadcast %ge3A_375 : i32 to vector<16xi32>
      %ge3A_377 = arith.cmpi sge, %sub3A_371, %ge3A_376 : vector<16xi32>
      %or3A_378 = arith.ori %lt3A_374, %ge3A_377 : vector<16xi1>
      %select_n3A_379 = arith.select %or3A_378, %add3A_131, %sub3A_371 : vector<16xi1>, vector<16xi32>
      %swap3A_380 = arith.constant 96 : index
      %swap3A_381 = tpu.vector_load %arg11[%swap3A_380] {strides = array<i32>} : memref<128xi32, #tpu.memory_space<vmem>>, vector<16xi32>,
      %swap3A_382 = vector.shape_cast %swap3A_381 : vector<16xi32> to vector<16xi32>
      %swap3A_383 = vector.shape_cast %select_n3A_379 : vector<16xi32> to vector<16xi32>
      tpu.vector_store %arg11[%swap3A_380], %swap3A_383 {strides = array<i32>} : memref<128xi32, #tpu.memory_space<vmem>>, vector<16xi32>,
      %get3A_384 = arith.constant 112 : index
      %get3A_385 = tpu.vector_load %arg11[%get3A_384] {strides = array<i32>} : memref<128xi32, #tpu.memory_space<vmem>>, vector<16xi32>,
      %get3A_386 = vector.shape_cast %get3A_385 : vector<16xi32> to vector<16xi32>
      %sub3A_387 = vector.broadcast %mul3A_0 : i32 to vector<16xi32>
      %sub3A_388 = arith.subi %get3A_386, %sub3A_387 : vector<16xi32>
      %lt3A_389 = arith.constant 0 : i32
      %lt3A_390 = vector.broadcast %lt3A_389 : i32 to vector<16xi32>
      %lt3A_391 = arith.cmpi slt, %sub3A_388, %lt3A_390 : vector<16xi32>
      %ge3A_392 = arith.constant 5000 : i32
      %ge3A_393 = vector.broadcast %ge3A_392 : i32 to vector<16xi32>
      %ge3A_394 = arith.cmpi sge, %sub3A_388, %ge3A_393 : vector<16xi32>
      %or3A_395 = arith.ori %lt3A_391, %ge3A_394 : vector<16xi1>
      %select_n3A_396 = arith.select %or3A_395, %add3A_131, %sub3A_388 : vector<16xi1>, vector<16xi32>
      %swap3A_397 = arith.constant 112 : index
      %swap3A_398 = tpu.vector_load %arg11[%swap3A_397] {strides = array<i32>} : memref<128xi32, #tpu.memory_space<vmem>>, vector<16xi32>,
      %swap3A_399 = vector.shape_cast %swap3A_398 : vector<16xi32> to vector<16xi32>
      %swap3A_400 = vector.shape_cast %select_n3A_396 : vector<16xi32> to vector<16xi32>
      tpu.vector_store %arg11[%swap3A_397], %swap3A_400 {strides = array<i32>} : memref<128xi32, #tpu.memory_space<vmem>>, vector<16xi32>,
      %gt3A_401 = arith.constant 0 : i32
      %gt3A_402 = arith.cmpi sgt, %squeeze3A, %gt3A_401 : i32
      %convert_element_type3A_403 = arith.extui %gt3A_402 : i1 to i32
      %cond3A_404 = arith.constant 0 : i32
      %cond3A_405 = arith.cmpi ne, %convert_element_type3A_403, %cond3A_404 : i32
      scf.if %cond3A_405 {
        %dma_wait3A = arith.constant 0 : i32
        %dma_wait3A_700 = arith.constant 0 : i32
        %dma_wait3A_701 = tpu.memref_slice %arg4[%dma_wait3A, %dma_wait3A_700] : memref<10000x128xf32, #tpu.memory_space<hbm>> -> memref<10000x128xf32, #tpu.memory_space<hbm>>
        tpu.wait_indirect_dma semaphore(%arg22 : memref<!tpu.dma_semaphore, #tpu.memory_space<semaphore_mem>>) src(%dma_wait3A_701 : memref<10000x128xf32, #tpu.memory_space<hbm>>) dst(%arg12 : memref<128x128xf32, #tpu.memory_space<vmem>>)
        %dma_wait3A_702 = arith.constant 0 : i32
        %dma_wait3A_703 = arith.constant 0 : i32
        %dma_wait3A_704 = tpu.memref_slice %arg4[%dma_wait3A_702, %dma_wait3A_703] : memref<10000x128xf32, #tpu.memory_space<hbm>> -> memref<10000x128xf32, #tpu.memory_space<hbm>>
        tpu.wait_indirect_dma semaphore(%arg22 : memref<!tpu.dma_semaphore, #tpu.memory_space<semaphore_mem>>) src(%dma_wait3A_704 : memref<10000x128xf32, #tpu.memory_space<hbm>>) dst(%arg13 : memref<128x128xf32, #tpu.memory_space<vmem>>)
        %dma_start3A = arith.constant 0 : i32
        %dma_start3A_705 = arith.constant 0 : i32
        %dma_start3A_706 = tpu.memref_slice %arg21[%dma_start3A, %dma_start3A_705] : memref<5008x128xf32, #tpu.memory_space<vmem_shared>> -> memref<5008x128xf32, #tpu.memory_space<vmem_shared>>
        tpu.enqueue_indirect_dma source(%arg12 : memref<128x128xf32, #tpu.memory_space<vmem>>) target(%dma_start3A_706 : memref<5008x128xf32, #tpu.memory_space<vmem_shared>>) offsets(%arg10 : memref<128xi32, #tpu.memory_space<vmem>>) semaphore(%arg24 : memref<!tpu.dma_semaphore, #tpu.memory_space<semaphore_mem>>) {add = true}
        %dma_start3A_707 = arith.constant 0 : i32
        %dma_start3A_708 = arith.constant 0 : i32
        %dma_start3A_709 = tpu.memref_slice %arg21[%dma_start3A_707, %dma_start3A_708] : memref<5008x128xf32, #tpu.memory_space<vmem_shared>> -> memref<5008x128xf32, #tpu.memory_space<vmem_shared>>
        tpu.enqueue_indirect_dma source(%arg13 : memref<128x128xf32, #tpu.memory_space<vmem>>) target(%dma_start3A_709 : memref<5008x128xf32, #tpu.memory_space<vmem_shared>>) offsets(%arg11 : memref<128xi32, #tpu.memory_space<vmem>>) semaphore(%arg24 : memref<!tpu.dma_semaphore, #tpu.memory_space<semaphore_mem>>) {add = true}
      } else {
      }
      %eq3A_406 = arith.constant 0 : i32
      %eq3A_407 = arith.cmpi eq, %squeeze3A, %eq3A_406 : i32
      %convert_element_type3A_408 = arith.extui %eq3A_407 : i1 to i32
      %cond3A_409 = arith.constant 0 : i32
      %cond3A_410 = arith.cmpi ne, %convert_element_type3A_408, %cond3A_409 : i32
      scf.if %cond3A_410 {
        %dma_start3A = arith.constant 0 : i32
        %dma_start3A_700 = arith.constant 0 : i32
        %dma_start3A_701 = tpu.memref_slice %arg21[%dma_start3A, %dma_start3A_700] : memref<5008x128xf32, #tpu.memory_space<vmem_shared>> -> memref<5008x128xf32, #tpu.memory_space<vmem_shared>>
        tpu.enqueue_indirect_dma source(%arg12 : memref<128x128xf32, #tpu.memory_space<vmem>>) target(%dma_start3A_701 : memref<5008x128xf32, #tpu.memory_space<vmem_shared>>) offsets(%arg10 : memref<128xi32, #tpu.memory_space<vmem>>) semaphore(%arg24 : memref<!tpu.dma_semaphore, #tpu.memory_space<semaphore_mem>>) {add = true}
        %dma_start3A_702 = arith.constant 0 : i32
        %dma_start3A_703 = arith.constant 0 : i32
        %dma_start3A_704 = tpu.memref_slice %arg21[%dma_start3A_702, %dma_start3A_703] : memref<5008x128xf32, #tpu.memory_space<vmem_shared>> -> memref<5008x128xf32, #tpu.memory_space<vmem_shared>>
        tpu.enqueue_indirect_dma source(%arg12 : memref<128x128xf32, #tpu.memory_space<vmem>>) target(%dma_start3A_704 : memref<5008x128xf32, #tpu.memory_space<vmem_shared>>) offsets(%arg11 : memref<128xi32, #tpu.memory_space<vmem>>) semaphore(%arg24 : memref<!tpu.dma_semaphore, #tpu.memory_space<semaphore_mem>>) {add = true}
      } else {
      }
      %iota3A_411 = tpu.iota {dimensions = array<i32: 0>} : vector<16xi32>
      %and3A_412 = arith.constant 7 : i32
      %and3A_413 = vector.broadcast %and3A_412 : i32 to vector<16xi32>
      %and3A_414 = arith.andi %iota3A_411, %and3A_413 : vector<16xi32>
      %add3A_415 = arith.constant 5000 : i32
      %add3A_416 = vector.broadcast %add3A_415 : i32 to vector<16xi32>
      %add3A_417 = arith.addi %add3A_416, %and3A_414 : vector<16xi32>
      %get3A_418 = arith.constant 0 : index
      %get3A_419 = tpu.vector_load %arg16[%get3A_418] {strides = array<i32>} : memref<128xi32, #tpu.memory_space<vmem>>, vector<16xi32>,
      %get3A_420 = vector.shape_cast %get3A_419 : vector<16xi32> to vector<16xi32>
      %sub3A_421 = vector.broadcast %mul3A_0 : i32 to vector<16xi32>
      %sub3A_422 = arith.subi %get3A_420, %sub3A_421 : vector<16xi32>
      %lt3A_423 = arith.constant 0 : i32
      %lt3A_424 = vector.broadcast %lt3A_423 : i32 to vector<16xi32>
      %lt3A_425 = arith.cmpi slt, %sub3A_422, %lt3A_424 : vector<16xi32>
      %ge3A_426 = arith.constant 5000 : i32
      %ge3A_427 = vector.broadcast %ge3A_426 : i32 to vector<16xi32>
      %ge3A_428 = arith.cmpi sge, %sub3A_422, %ge3A_427 : vector<16xi32>
      %or3A_429 = arith.ori %lt3A_425, %ge3A_428 : vector<16xi1>
      %select_n3A_430 = arith.select %or3A_429, %add3A_417, %sub3A_422 : vector<16xi1>, vector<16xi32>
      %swap3A_431 = arith.constant 0 : index
      %swap3A_432 = tpu.vector_load %arg16[%swap3A_431] {strides = array<i32>} : memref<128xi32, #tpu.memory_space<vmem>>, vector<16xi32>,
      %swap3A_433 = vector.shape_cast %swap3A_432 : vector<16xi32> to vector<16xi32>
      %swap3A_434 = vector.shape_cast %select_n3A_430 : vector<16xi32> to vector<16xi32>
      tpu.vector_store %arg16[%swap3A_431], %swap3A_434 {strides = array<i32>} : memref<128xi32, #tpu.memory_space<vmem>>, vector<16xi32>,
      %get3A_435 = arith.constant 16 : index
      %get3A_436 = tpu.vector_load %arg16[%get3A_435] {strides = array<i32>} : memref<128xi32, #tpu.memory_space<vmem>>, vector<16xi32>,
      %get3A_437 = vector.shape_cast %get3A_436 : vector<16xi32> to vector<16xi32>
      %sub3A_438 = vector.broadcast %mul3A_0 : i32 to vector<16xi32>
      %sub3A_439 = arith.subi %get3A_437, %sub3A_438 : vector<16xi32>
      %lt3A_440 = arith.constant 0 : i32
      %lt3A_441 = vector.broadcast %lt3A_440 : i32 to vector<16xi32>
      %lt3A_442 = arith.cmpi slt, %sub3A_439, %lt3A_441 : vector<16xi32>
      %ge3A_443 = arith.constant 5000 : i32
      %ge3A_444 = vector.broadcast %ge3A_443 : i32 to vector<16xi32>
      %ge3A_445 = arith.cmpi sge, %sub3A_439, %ge3A_444 : vector<16xi32>
      %or3A_446 = arith.ori %lt3A_442, %ge3A_445 : vector<16xi1>
      %select_n3A_447 = arith.select %or3A_446, %add3A_417, %sub3A_439 : vector<16xi1>, vector<16xi32>
      %swap3A_448 = arith.constant 16 : index
      %swap3A_449 = tpu.vector_load %arg16[%swap3A_448] {strides = array<i32>} : memref<128xi32, #tpu.memory_space<vmem>>, vector<16xi32>,
      %swap3A_450 = vector.shape_cast %swap3A_449 : vector<16xi32> to vector<16xi32>
      %swap3A_451 = vector.shape_cast %select_n3A_447 : vector<16xi32> to vector<16xi32>
      tpu.vector_store %arg16[%swap3A_448], %swap3A_451 {strides = array<i32>} : memref<128xi32, #tpu.memory_space<vmem>>, vector<16xi32>,
      %get3A_452 = arith.constant 32 : index
      %get3A_453 = tpu.vector_load %arg16[%get3A_452] {strides = array<i32>} : memref<128xi32, #tpu.memory_space<vmem>>, vector<16xi32>,
      %get3A_454 = vector.shape_cast %get3A_453 : vector<16xi32> to vector<16xi32>
      %sub3A_455 = vector.broadcast %mul3A_0 : i32 to vector<16xi32>
      %sub3A_456 = arith.subi %get3A_454, %sub3A_455 : vector<16xi32>
      %lt3A_457 = arith.constant 0 : i32
      %lt3A_458 = vector.broadcast %lt3A_457 : i32 to vector<16xi32>
      %lt3A_459 = arith.cmpi slt, %sub3A_456, %lt3A_458 : vector<16xi32>
      %ge3A_460 = arith.constant 5000 : i32
      %ge3A_461 = vector.broadcast %ge3A_460 : i32 to vector<16xi32>
      %ge3A_462 = arith.cmpi sge, %sub3A_456, %ge3A_461 : vector<16xi32>
      %or3A_463 = arith.ori %lt3A_459, %ge3A_462 : vector<16xi1>
      %select_n3A_464 = arith.select %or3A_463, %add3A_417, %sub3A_456 : vector<16xi1>, vector<16xi32>
      %swap3A_465 = arith.constant 32 : index
      %swap3A_466 = tpu.vector_load %arg16[%swap3A_465] {strides = array<i32>} : memref<128xi32, #tpu.memory_space<vmem>>, vector<16xi32>,
      %swap3A_467 = vector.shape_cast %swap3A_466 : vector<16xi32> to vector<16xi32>
      %swap3A_468 = vector.shape_cast %select_n3A_464 : vector<16xi32> to vector<16xi32>
      tpu.vector_store %arg16[%swap3A_465], %swap3A_468 {strides = array<i32>} : memref<128xi32, #tpu.memory_space<vmem>>, vector<16xi32>,
      %get3A_469 = arith.constant 48 : index
      %get3A_470 = tpu.vector_load %arg16[%get3A_469] {strides = array<i32>} : memref<128xi32, #tpu.memory_space<vmem>>, vector<16xi32>,
      %get3A_471 = vector.shape_cast %get3A_470 : vector<16xi32> to vector<16xi32>
      %sub3A_472 = vector.broadcast %mul3A_0 : i32 to vector<16xi32>
      %sub3A_473 = arith.subi %get3A_471, %sub3A_472 : vector<16xi32>
      %lt3A_474 = arith.constant 0 : i32
      %lt3A_475 = vector.broadcast %lt3A_474 : i32 to vector<16xi32>
      %lt3A_476 = arith.cmpi slt, %sub3A_473, %lt3A_475 : vector<16xi32>
      %ge3A_477 = arith.constant 5000 : i32
      %ge3A_478 = vector.broadcast %ge3A_477 : i32 to vector<16xi32>
      %ge3A_479 = arith.cmpi sge, %sub3A_473, %ge3A_478 : vector<16xi32>
      %or3A_480 = arith.ori %lt3A_476, %ge3A_479 : vector<16xi1>
      %select_n3A_481 = arith.select %or3A_480, %add3A_417, %sub3A_473 : vector<16xi1>, vector<16xi32>
      %swap3A_482 = arith.constant 48 : index
      %swap3A_483 = tpu.vector_load %arg16[%swap3A_482] {strides = array<i32>} : memref<128xi32, #tpu.memory_space<vmem>>, vector<16xi32>,
      %swap3A_484 = vector.shape_cast %swap3A_483 : vector<16xi32> to vector<16xi32>
      %swap3A_485 = vector.shape_cast %select_n3A_481 : vector<16xi32> to vector<16xi32>
      tpu.vector_store %arg16[%swap3A_482], %swap3A_485 {strides = array<i32>} : memref<128xi32, #tpu.memory_space<vmem>>, vector<16xi32>,
      %get3A_486 = arith.constant 64 : index
      %get3A_487 = tpu.vector_load %arg16[%get3A_486] {strides = array<i32>} : memref<128xi32, #tpu.memory_space<vmem>>, vector<16xi32>,
      %get3A_488 = vector.shape_cast %get3A_487 : vector<16xi32> to vector<16xi32>
      %sub3A_489 = vector.broadcast %mul3A_0 : i32 to vector<16xi32>
      %sub3A_490 = arith.subi %get3A_488, %sub3A_489 : vector<16xi32>
      %lt3A_491 = arith.constant 0 : i32
      %lt3A_492 = vector.broadcast %lt3A_491 : i32 to vector<16xi32>
      %lt3A_493 = arith.cmpi slt, %sub3A_490, %lt3A_492 : vector<16xi32>
      %ge3A_494 = arith.constant 5000 : i32
      %ge3A_495 = vector.broadcast %ge3A_494 : i32 to vector<16xi32>
      %ge3A_496 = arith.cmpi sge, %sub3A_490, %ge3A_495 : vector<16xi32>
      %or3A_497 = arith.ori %lt3A_493, %ge3A_496 : vector<16xi1>
      %select_n3A_498 = arith.select %or3A_497, %add3A_417, %sub3A_490 : vector<16xi1>, vector<16xi32>
      %swap3A_499 = arith.constant 64 : index
      %swap3A_500 = tpu.vector_load %arg16[%swap3A_499] {strides = array<i32>} : memref<128xi32, #tpu.memory_space<vmem>>, vector<16xi32>,
      %swap3A_501 = vector.shape_cast %swap3A_500 : vector<16xi32> to vector<16xi32>
      %swap3A_502 = vector.shape_cast %select_n3A_498 : vector<16xi32> to vector<16xi32>
      tpu.vector_store %arg16[%swap3A_499], %swap3A_502 {strides = array<i32>} : memref<128xi32, #tpu.memory_space<vmem>>, vector<16xi32>,
      %get3A_503 = arith.constant 80 : index
      %get3A_504 = tpu.vector_load %arg16[%get3A_503] {strides = array<i32>} : memref<128xi32, #tpu.memory_space<vmem>>, vector<16xi32>,
      %get3A_505 = vector.shape_cast %get3A_504 : vector<16xi32> to vector<16xi32>
      %sub3A_506 = vector.broadcast %mul3A_0 : i32 to vector<16xi32>
      %sub3A_507 = arith.subi %get3A_505, %sub3A_506 : vector<16xi32>
      %lt3A_508 = arith.constant 0 : i32
      %lt3A_509 = vector.broadcast %lt3A_508 : i32 to vector<16xi32>
      %lt3A_510 = arith.cmpi slt, %sub3A_507, %lt3A_509 : vector<16xi32>
      %ge3A_511 = arith.constant 5000 : i32
      %ge3A_512 = vector.broadcast %ge3A_511 : i32 to vector<16xi32>
      %ge3A_513 = arith.cmpi sge, %sub3A_507, %ge3A_512 : vector<16xi32>
      %or3A_514 = arith.ori %lt3A_510, %ge3A_513 : vector<16xi1>
      %select_n3A_515 = arith.select %or3A_514, %add3A_417, %sub3A_507 : vector<16xi1>, vector<16xi32>
      %swap3A_516 = arith.constant 80 : index
      %swap3A_517 = tpu.vector_load %arg16[%swap3A_516] {strides = array<i32>} : memref<128xi32, #tpu.memory_space<vmem>>, vector<16xi32>,
      %swap3A_518 = vector.shape_cast %swap3A_517 : vector<16xi32> to vector<16xi32>
      %swap3A_519 = vector.shape_cast %select_n3A_515 : vector<16xi32> to vector<16xi32>
      tpu.vector_store %arg16[%swap3A_516], %swap3A_519 {strides = array<i32>} : memref<128xi32, #tpu.memory_space<vmem>>, vector<16xi32>,
      %get3A_520 = arith.constant 96 : index
      %get3A_521 = tpu.vector_load %arg16[%get3A_520] {strides = array<i32>} : memref<128xi32, #tpu.memory_space<vmem>>, vector<16xi32>,
      %get3A_522 = vector.shape_cast %get3A_521 : vector<16xi32> to vector<16xi32>
      %sub3A_523 = vector.broadcast %mul3A_0 : i32 to vector<16xi32>
      %sub3A_524 = arith.subi %get3A_522, %sub3A_523 : vector<16xi32>
      %lt3A_525 = arith.constant 0 : i32
      %lt3A_526 = vector.broadcast %lt3A_525 : i32 to vector<16xi32>
      %lt3A_527 = arith.cmpi slt, %sub3A_524, %lt3A_526 : vector<16xi32>
      %ge3A_528 = arith.constant 5000 : i32
      %ge3A_529 = vector.broadcast %ge3A_528 : i32 to vector<16xi32>
      %ge3A_530 = arith.cmpi sge, %sub3A_524, %ge3A_529 : vector<16xi32>
      %or3A_531 = arith.ori %lt3A_527, %ge3A_530 : vector<16xi1>
      %select_n3A_532 = arith.select %or3A_531, %add3A_417, %sub3A_524 : vector<16xi1>, vector<16xi32>
      %swap3A_533 = arith.constant 96 : index
      %swap3A_534 = tpu.vector_load %arg16[%swap3A_533] {strides = array<i32>} : memref<128xi32, #tpu.memory_space<vmem>>, vector<16xi32>,
      %swap3A_535 = vector.shape_cast %swap3A_534 : vector<16xi32> to vector<16xi32>
      %swap3A_536 = vector.shape_cast %select_n3A_532 : vector<16xi32> to vector<16xi32>
      tpu.vector_store %arg16[%swap3A_533], %swap3A_536 {strides = array<i32>} : memref<128xi32, #tpu.memory_space<vmem>>, vector<16xi32>,
      %get3A_537 = arith.constant 112 : index
      %get3A_538 = tpu.vector_load %arg16[%get3A_537] {strides = array<i32>} : memref<128xi32, #tpu.memory_space<vmem>>, vector<16xi32>,
      %get3A_539 = vector.shape_cast %get3A_538 : vector<16xi32> to vector<16xi32>
      %sub3A_540 = vector.broadcast %mul3A_0 : i32 to vector<16xi32>
      %sub3A_541 = arith.subi %get3A_539, %sub3A_540 : vector<16xi32>
      %lt3A_542 = arith.constant 0 : i32
      %lt3A_543 = vector.broadcast %lt3A_542 : i32 to vector<16xi32>
      %lt3A_544 = arith.cmpi slt, %sub3A_541, %lt3A_543 : vector<16xi32>
      %ge3A_545 = arith.constant 5000 : i32
      %ge3A_546 = vector.broadcast %ge3A_545 : i32 to vector<16xi32>
      %ge3A_547 = arith.cmpi sge, %sub3A_541, %ge3A_546 : vector<16xi32>
      %or3A_548 = arith.ori %lt3A_544, %ge3A_547 : vector<16xi1>
      %select_n3A_549 = arith.select %or3A_548, %add3A_417, %sub3A_541 : vector<16xi1>, vector<16xi32>
      %swap3A_550 = arith.constant 112 : index
      %swap3A_551 = tpu.vector_load %arg16[%swap3A_550] {strides = array<i32>} : memref<128xi32, #tpu.memory_space<vmem>>, vector<16xi32>,
      %swap3A_552 = vector.shape_cast %swap3A_551 : vector<16xi32> to vector<16xi32>
      %swap3A_553 = vector.shape_cast %select_n3A_549 : vector<16xi32> to vector<16xi32>
      tpu.vector_store %arg16[%swap3A_550], %swap3A_553 {strides = array<i32>} : memref<128xi32, #tpu.memory_space<vmem>>, vector<16xi32>,
      %get3A_554 = arith.constant 0 : index
      %get3A_555 = tpu.vector_load %arg17[%get3A_554] {strides = array<i32>} : memref<128xi32, #tpu.memory_space<vmem>>, vector<16xi32>,
      %get3A_556 = vector.shape_cast %get3A_555 : vector<16xi32> to vector<16xi32>
      %sub3A_557 = vector.broadcast %mul3A_0 : i32 to vector<16xi32>
      %sub3A_558 = arith.subi %get3A_556, %sub3A_557 : vector<16xi32>
      %lt3A_559 = arith.constant 0 : i32
      %lt3A_560 = vector.broadcast %lt3A_559 : i32 to vector<16xi32>
      %lt3A_561 = arith.cmpi slt, %sub3A_558, %lt3A_560 : vector<16xi32>
      %ge3A_562 = arith.constant 5000 : i32
      %ge3A_563 = vector.broadcast %ge3A_562 : i32 to vector<16xi32>
      %ge3A_564 = arith.cmpi sge, %sub3A_558, %ge3A_563 : vector<16xi32>
      %or3A_565 = arith.ori %lt3A_561, %ge3A_564 : vector<16xi1>
      %select_n3A_566 = arith.select %or3A_565, %add3A_417, %sub3A_558 : vector<16xi1>, vector<16xi32>
      %swap3A_567 = arith.constant 0 : index
      %swap3A_568 = tpu.vector_load %arg17[%swap3A_567] {strides = array<i32>} : memref<128xi32, #tpu.memory_space<vmem>>, vector<16xi32>,
      %swap3A_569 = vector.shape_cast %swap3A_568 : vector<16xi32> to vector<16xi32>
      %swap3A_570 = vector.shape_cast %select_n3A_566 : vector<16xi32> to vector<16xi32>
      tpu.vector_store %arg17[%swap3A_567], %swap3A_570 {strides = array<i32>} : memref<128xi32, #tpu.memory_space<vmem>>, vector<16xi32>,
      %get3A_571 = arith.constant 16 : index
      %get3A_572 = tpu.vector_load %arg17[%get3A_571] {strides = array<i32>} : memref<128xi32, #tpu.memory_space<vmem>>, vector<16xi32>,
      %get3A_573 = vector.shape_cast %get3A_572 : vector<16xi32> to vector<16xi32>
      %sub3A_574 = vector.broadcast %mul3A_0 : i32 to vector<16xi32>
      %sub3A_575 = arith.subi %get3A_573, %sub3A_574 : vector<16xi32>
      %lt3A_576 = arith.constant 0 : i32
      %lt3A_577 = vector.broadcast %lt3A_576 : i32 to vector<16xi32>
      %lt3A_578 = arith.cmpi slt, %sub3A_575, %lt3A_577 : vector<16xi32>
      %ge3A_579 = arith.constant 5000 : i32
      %ge3A_580 = vector.broadcast %ge3A_579 : i32 to vector<16xi32>
      %ge3A_581 = arith.cmpi sge, %sub3A_575, %ge3A_580 : vector<16xi32>
      %or3A_582 = arith.ori %lt3A_578, %ge3A_581 : vector<16xi1>
      %select_n3A_583 = arith.select %or3A_582, %add3A_417, %sub3A_575 : vector<16xi1>, vector<16xi32>
      %swap3A_584 = arith.constant 16 : index
      %swap3A_585 = tpu.vector_load %arg17[%swap3A_584] {strides = array<i32>} : memref<128xi32, #tpu.memory_space<vmem>>, vector<16xi32>,
      %swap3A_586 = vector.shape_cast %swap3A_585 : vector<16xi32> to vector<16xi32>
      %swap3A_587 = vector.shape_cast %select_n3A_583 : vector<16xi32> to vector<16xi32>
      tpu.vector_store %arg17[%swap3A_584], %swap3A_587 {strides = array<i32>} : memref<128xi32, #tpu.memory_space<vmem>>, vector<16xi32>,
      %get3A_588 = arith.constant 32 : index
      %get3A_589 = tpu.vector_load %arg17[%get3A_588] {strides = array<i32>} : memref<128xi32, #tpu.memory_space<vmem>>, vector<16xi32>,
      %get3A_590 = vector.shape_cast %get3A_589 : vector<16xi32> to vector<16xi32>
      %sub3A_591 = vector.broadcast %mul3A_0 : i32 to vector<16xi32>
      %sub3A_592 = arith.subi %get3A_590, %sub3A_591 : vector<16xi32>
      %lt3A_593 = arith.constant 0 : i32
      %lt3A_594 = vector.broadcast %lt3A_593 : i32 to vector<16xi32>
      %lt3A_595 = arith.cmpi slt, %sub3A_592, %lt3A_594 : vector<16xi32>
      %ge3A_596 = arith.constant 5000 : i32
      %ge3A_597 = vector.broadcast %ge3A_596 : i32 to vector<16xi32>
      %ge3A_598 = arith.cmpi sge, %sub3A_592, %ge3A_597 : vector<16xi32>
      %or3A_599 = arith.ori %lt3A_595, %ge3A_598 : vector<16xi1>
      %select_n3A_600 = arith.select %or3A_599, %add3A_417, %sub3A_592 : vector<16xi1>, vector<16xi32>
      %swap3A_601 = arith.constant 32 : index
      %swap3A_602 = tpu.vector_load %arg17[%swap3A_601] {strides = array<i32>} : memref<128xi32, #tpu.memory_space<vmem>>, vector<16xi32>,
      %swap3A_603 = vector.shape_cast %swap3A_602 : vector<16xi32> to vector<16xi32>
      %swap3A_604 = vector.shape_cast %select_n3A_600 : vector<16xi32> to vector<16xi32>
      tpu.vector_store %arg17[%swap3A_601], %swap3A_604 {strides = array<i32>} : memref<128xi32, #tpu.memory_space<vmem>>, vector<16xi32>,
      %get3A_605 = arith.constant 48 : index
      %get3A_606 = tpu.vector_load %arg17[%get3A_605] {strides = array<i32>} : memref<128xi32, #tpu.memory_space<vmem>>, vector<16xi32>,
      %get3A_607 = vector.shape_cast %get3A_606 : vector<16xi32> to vector<16xi32>
      %sub3A_608 = vector.broadcast %mul3A_0 : i32 to vector<16xi32>
      %sub3A_609 = arith.subi %get3A_607, %sub3A_608 : vector<16xi32>
      %lt3A_610 = arith.constant 0 : i32
      %lt3A_611 = vector.broadcast %lt3A_610 : i32 to vector<16xi32>
      %lt3A_612 = arith.cmpi slt, %sub3A_609, %lt3A_611 : vector<16xi32>
      %ge3A_613 = arith.constant 5000 : i32
      %ge3A_614 = vector.broadcast %ge3A_613 : i32 to vector<16xi32>
      %ge3A_615 = arith.cmpi sge, %sub3A_609, %ge3A_614 : vector<16xi32>
      %or3A_616 = arith.ori %lt3A_612, %ge3A_615 : vector<16xi1>
      %select_n3A_617 = arith.select %or3A_616, %add3A_417, %sub3A_609 : vector<16xi1>, vector<16xi32>
      %swap3A_618 = arith.constant 48 : index
      %swap3A_619 = tpu.vector_load %arg17[%swap3A_618] {strides = array<i32>} : memref<128xi32, #tpu.memory_space<vmem>>, vector<16xi32>,
      %swap3A_620 = vector.shape_cast %swap3A_619 : vector<16xi32> to vector<16xi32>
      %swap3A_621 = vector.shape_cast %select_n3A_617 : vector<16xi32> to vector<16xi32>
      tpu.vector_store %arg17[%swap3A_618], %swap3A_621 {strides = array<i32>} : memref<128xi32, #tpu.memory_space<vmem>>, vector<16xi32>,
      %get3A_622 = arith.constant 64 : index
      %get3A_623 = tpu.vector_load %arg17[%get3A_622] {strides = array<i32>} : memref<128xi32, #tpu.memory_space<vmem>>, vector<16xi32>,
      %get3A_624 = vector.shape_cast %get3A_623 : vector<16xi32> to vector<16xi32>
      %sub3A_625 = vector.broadcast %mul3A_0 : i32 to vector<16xi32>
      %sub3A_626 = arith.subi %get3A_624, %sub3A_625 : vector<16xi32>
      %lt3A_627 = arith.constant 0 : i32
      %lt3A_628 = vector.broadcast %lt3A_627 : i32 to vector<16xi32>
      %lt3A_629 = arith.cmpi slt, %sub3A_626, %lt3A_628 : vector<16xi32>
      %ge3A_630 = arith.constant 5000 : i32
      %ge3A_631 = vector.broadcast %ge3A_630 : i32 to vector<16xi32>
      %ge3A_632 = arith.cmpi sge, %sub3A_626, %ge3A_631 : vector<16xi32>
      %or3A_633 = arith.ori %lt3A_629, %ge3A_632 : vector<16xi1>
      %select_n3A_634 = arith.select %or3A_633, %add3A_417, %sub3A_626 : vector<16xi1>, vector<16xi32>
      %swap3A_635 = arith.constant 64 : index
      %swap3A_636 = tpu.vector_load %arg17[%swap3A_635] {strides = array<i32>} : memref<128xi32, #tpu.memory_space<vmem>>, vector<16xi32>,
      %swap3A_637 = vector.shape_cast %swap3A_636 : vector<16xi32> to vector<16xi32>
      %swap3A_638 = vector.shape_cast %select_n3A_634 : vector<16xi32> to vector<16xi32>
      tpu.vector_store %arg17[%swap3A_635], %swap3A_638 {strides = array<i32>} : memref<128xi32, #tpu.memory_space<vmem>>, vector<16xi32>,
      %get3A_639 = arith.constant 80 : index
      %get3A_640 = tpu.vector_load %arg17[%get3A_639] {strides = array<i32>} : memref<128xi32, #tpu.memory_space<vmem>>, vector<16xi32>,
      %get3A_641 = vector.shape_cast %get3A_640 : vector<16xi32> to vector<16xi32>
      %sub3A_642 = vector.broadcast %mul3A_0 : i32 to vector<16xi32>
      %sub3A_643 = arith.subi %get3A_641, %sub3A_642 : vector<16xi32>
      %lt3A_644 = arith.constant 0 : i32
      %lt3A_645 = vector.broadcast %lt3A_644 : i32 to vector<16xi32>
      %lt3A_646 = arith.cmpi slt, %sub3A_643, %lt3A_645 : vector<16xi32>
      %ge3A_647 = arith.constant 5000 : i32
      %ge3A_648 = vector.broadcast %ge3A_647 : i32 to vector<16xi32>
      %ge3A_649 = arith.cmpi sge, %sub3A_643, %ge3A_648 : vector<16xi32>
      %or3A_650 = arith.ori %lt3A_646, %ge3A_649 : vector<16xi1>
      %select_n3A_651 = arith.select %or3A_650, %add3A_417, %sub3A_643 : vector<16xi1>, vector<16xi32>
      %swap3A_652 = arith.constant 80 : index
      %swap3A_653 = tpu.vector_load %arg17[%swap3A_652] {strides = array<i32>} : memref<128xi32, #tpu.memory_space<vmem>>, vector<16xi32>,
      %swap3A_654 = vector.shape_cast %swap3A_653 : vector<16xi32> to vector<16xi32>
      %swap3A_655 = vector.shape_cast %select_n3A_651 : vector<16xi32> to vector<16xi32>
      tpu.vector_store %arg17[%swap3A_652], %swap3A_655 {strides = array<i32>} : memref<128xi32, #tpu.memory_space<vmem>>, vector<16xi32>,
      %get3A_656 = arith.constant 96 : index
      %get3A_657 = tpu.vector_load %arg17[%get3A_656] {strides = array<i32>} : memref<128xi32, #tpu.memory_space<vmem>>, vector<16xi32>,
      %get3A_658 = vector.shape_cast %get3A_657 : vector<16xi32> to vector<16xi32>
      %sub3A_659 = vector.broadcast %mul3A_0 : i32 to vector<16xi32>
      %sub3A_660 = arith.subi %get3A_658, %sub3A_659 : vector<16xi32>
      %lt3A_661 = arith.constant 0 : i32
      %lt3A_662 = vector.broadcast %lt3A_661 : i32 to vector<16xi32>
      %lt3A_663 = arith.cmpi slt, %sub3A_660, %lt3A_662 : vector<16xi32>
      %ge3A_664 = arith.constant 5000 : i32
      %ge3A_665 = vector.broadcast %ge3A_664 : i32 to vector<16xi32>
      %ge3A_666 = arith.cmpi sge, %sub3A_660, %ge3A_665 : vector<16xi32>
      %or3A_667 = arith.ori %lt3A_663, %ge3A_666 : vector<16xi1>
      %select_n3A_668 = arith.select %or3A_667, %add3A_417, %sub3A_660 : vector<16xi1>, vector<16xi32>
      %swap3A_669 = arith.constant 96 : index
      %swap3A_670 = tpu.vector_load %arg17[%swap3A_669] {strides = array<i32>} : memref<128xi32, #tpu.memory_space<vmem>>, vector<16xi32>,
      %swap3A_671 = vector.shape_cast %swap3A_670 : vector<16xi32> to vector<16xi32>
      %swap3A_672 = vector.shape_cast %select_n3A_668 : vector<16xi32> to vector<16xi32>
      tpu.vector_store %arg17[%swap3A_669], %swap3A_672 {strides = array<i32>} : memref<128xi32, #tpu.memory_space<vmem>>, vector<16xi32>,
      %get3A_673 = arith.constant 112 : index
      %get3A_674 = tpu.vector_load %arg17[%get3A_673] {strides = array<i32>} : memref<128xi32, #tpu.memory_space<vmem>>, vector<16xi32>,
      %get3A_675 = vector.shape_cast %get3A_674 : vector<16xi32> to vector<16xi32>
      %sub3A_676 = vector.broadcast %mul3A_0 : i32 to vector<16xi32>
      %sub3A_677 = arith.subi %get3A_675, %sub3A_676 : vector<16xi32>
      %lt3A_678 = arith.constant 0 : i32
      %lt3A_679 = vector.broadcast %lt3A_678 : i32 to vector<16xi32>
      %lt3A_680 = arith.cmpi slt, %sub3A_677, %lt3A_679 : vector<16xi32>
      %ge3A_681 = arith.constant 5000 : i32
      %ge3A_682 = vector.broadcast %ge3A_681 : i32 to vector<16xi32>
      %ge3A_683 = arith.cmpi sge, %sub3A_677, %ge3A_682 : vector<16xi32>
      %or3A_684 = arith.ori %lt3A_680, %ge3A_683 : vector<16xi1>
      %select_n3A_685 = arith.select %or3A_684, %add3A_417, %sub3A_677 : vector<16xi1>, vector<16xi32>
      %swap3A_686 = arith.constant 112 : index
      %swap3A_687 = tpu.vector_load %arg17[%swap3A_686] {strides = array<i32>} : memref<128xi32, #tpu.memory_space<vmem>>, vector<16xi32>,
      %swap3A_688 = vector.shape_cast %swap3A_687 : vector<16xi32> to vector<16xi32>
      %swap3A_689 = vector.shape_cast %select_n3A_685 : vector<16xi32> to vector<16xi32>
      tpu.vector_store %arg17[%swap3A_686], %swap3A_689 {strides = array<i32>} : memref<128xi32, #tpu.memory_space<vmem>>, vector<16xi32>,
      %gt3A_690 = arith.constant 0 : i32
      %gt3A_691 = arith.cmpi sgt, %squeeze3A, %gt3A_690 : i32
      %convert_element_type3A_692 = arith.extui %gt3A_691 : i1 to i32
      %cond3A_693 = arith.constant 0 : i32
      %cond3A_694 = arith.cmpi ne, %convert_element_type3A_692, %cond3A_693 : i32
      scf.if %cond3A_694 {
        %dma_wait3A = arith.constant 0 : i32
        %dma_wait3A_700 = arith.constant 0 : i32
        %dma_wait3A_701 = tpu.memref_slice %arg4[%dma_wait3A, %dma_wait3A_700] : memref<10000x128xf32, #tpu.memory_space<hbm>> -> memref<10000x128xf32, #tpu.memory_space<hbm>>
        tpu.wait_indirect_dma semaphore(%arg23 : memref<!tpu.dma_semaphore, #tpu.memory_space<semaphore_mem>>) src(%dma_wait3A_701 : memref<10000x128xf32, #tpu.memory_space<hbm>>) dst(%arg18 : memref<128x128xf32, #tpu.memory_space<vmem>>)
        %dma_wait3A_702 = arith.constant 0 : i32
        %dma_wait3A_703 = arith.constant 0 : i32
        %dma_wait3A_704 = tpu.memref_slice %arg4[%dma_wait3A_702, %dma_wait3A_703] : memref<10000x128xf32, #tpu.memory_space<hbm>> -> memref<10000x128xf32, #tpu.memory_space<hbm>>
        tpu.wait_indirect_dma semaphore(%arg23 : memref<!tpu.dma_semaphore, #tpu.memory_space<semaphore_mem>>) src(%dma_wait3A_704 : memref<10000x128xf32, #tpu.memory_space<hbm>>) dst(%arg19 : memref<128x128xf32, #tpu.memory_space<vmem>>)
        %dma_start3A = arith.constant 0 : i32
        %dma_start3A_705 = arith.constant 0 : i32
        %dma_start3A_706 = tpu.memref_slice %arg21[%dma_start3A, %dma_start3A_705] : memref<5008x128xf32, #tpu.memory_space<vmem_shared>> -> memref<5008x128xf32, #tpu.memory_space<vmem_shared>>
        tpu.enqueue_indirect_dma source(%arg18 : memref<128x128xf32, #tpu.memory_space<vmem>>) target(%dma_start3A_706 : memref<5008x128xf32, #tpu.memory_space<vmem_shared>>) offsets(%arg16 : memref<128xi32, #tpu.memory_space<vmem>>) semaphore(%arg25 : memref<!tpu.dma_semaphore, #tpu.memory_space<semaphore_mem>>) {add = true}
        %dma_start3A_707 = arith.constant 0 : i32
        %dma_start3A_708 = arith.constant 0 : i32
        %dma_start3A_709 = tpu.memref_slice %arg21[%dma_start3A_707, %dma_start3A_708] : memref<5008x128xf32, #tpu.memory_space<vmem_shared>> -> memref<5008x128xf32, #tpu.memory_space<vmem_shared>>
        tpu.enqueue_indirect_dma source(%arg19 : memref<128x128xf32, #tpu.memory_space<vmem>>) target(%dma_start3A_709 : memref<5008x128xf32, #tpu.memory_space<vmem_shared>>) offsets(%arg17 : memref<128xi32, #tpu.memory_space<vmem>>) semaphore(%arg25 : memref<!tpu.dma_semaphore, #tpu.memory_space<semaphore_mem>>) {add = true}
      } else {
      }
      %eq3A_695 = arith.constant 0 : i32
      %eq3A_696 = arith.cmpi eq, %squeeze3A, %eq3A_695 : i32
      %convert_element_type3A_697 = arith.extui %eq3A_696 : i1 to i32
      %cond3A_698 = arith.constant 0 : i32
      %cond3A_699 = arith.cmpi ne, %convert_element_type3A_697, %cond3A_698 : i32
      scf.if %cond3A_699 {
        %dma_start3A = arith.constant 0 : i32
        %dma_start3A_700 = arith.constant 0 : i32
        %dma_start3A_701 = tpu.memref_slice %arg21[%dma_start3A, %dma_start3A_700] : memref<5008x128xf32, #tpu.memory_space<vmem_shared>> -> memref<5008x128xf32, #tpu.memory_space<vmem_shared>>
        tpu.enqueue_indirect_dma source(%arg12 : memref<128x128xf32, #tpu.memory_space<vmem>>) target(%dma_start3A_701 : memref<5008x128xf32, #tpu.memory_space<vmem_shared>>) offsets(%arg16 : memref<128xi32, #tpu.memory_space<vmem>>) semaphore(%arg25 : memref<!tpu.dma_semaphore, #tpu.memory_space<semaphore_mem>>) {add = true}
        %dma_start3A_702 = arith.constant 0 : i32
        %dma_start3A_703 = arith.constant 0 : i32
        %dma_start3A_704 = tpu.memref_slice %arg21[%dma_start3A_702, %dma_start3A_703] : memref<5008x128xf32, #tpu.memory_space<vmem_shared>> -> memref<5008x128xf32, #tpu.memory_space<vmem_shared>>
        tpu.enqueue_indirect_dma source(%arg12 : memref<128x128xf32, #tpu.memory_space<vmem>>) target(%dma_start3A_704 : memref<5008x128xf32, #tpu.memory_space<vmem_shared>>) offsets(%arg17 : memref<128xi32, #tpu.memory_space<vmem>>) semaphore(%arg25 : memref<!tpu.dma_semaphore, #tpu.memory_space<semaphore_mem>>) {add = true}
      } else {
      }
    }
    %while3A_44 = arith.constant 1 : i32
    scf.for %while3A_81 = %while3A_42 to %while3A_38 step %while3A_44  : i32 {
      %gt3A_82 = arith.constant 0 : i32
      %gt3A_83 = arith.cmpi sgt, %while3A_81, %gt3A_82 : i32
      %convert_element_type3A_84 = arith.extui %gt3A_83 : i1 to i32
      %cond3A_85 = arith.constant 0 : i32
      %cond3A_86 = arith.cmpi ne, %convert_element_type3A_84, %cond3A_85 : i32
      scf.if %cond3A_86 {
        %gt3A_700 = arith.constant 0 : i32
        %gt3A_701 = arith.cmpi sgt, %squeeze3A, %gt3A_700 : i32
        %convert_element_type3A_702 = arith.extui %gt3A_701 : i1 to i32
        %cond3A_703 = arith.constant 0 : i32
        %cond3A_704 = arith.cmpi ne, %convert_element_type3A_702, %cond3A_703 : i32
        scf.if %cond3A_704 {
          %dma_wait3A = arith.constant 0 : i32
          %dma_wait3A_710 = arith.constant 0 : i32
          %dma_wait3A_711 = tpu.memref_slice %arg21[%dma_wait3A, %dma_wait3A_710] : memref<5008x128xf32, #tpu.memory_space<vmem_shared>> -> memref<5008x128xf32, #tpu.memory_space<vmem_shared>>
          tpu.wait_indirect_dma semaphore(%arg24 : memref<!tpu.dma_semaphore, #tpu.memory_space<semaphore_mem>>) src(%arg12 : memref<128x128xf32, #tpu.memory_space<vmem>>) dst(%dma_wait3A_711 : memref<5008x128xf32, #tpu.memory_space<vmem_shared>>)
          %dma_wait3A_712 = arith.constant 0 : i32
          %dma_wait3A_713 = arith.constant 0 : i32
          %dma_wait3A_714 = tpu.memref_slice %arg21[%dma_wait3A_712, %dma_wait3A_713] : memref<5008x128xf32, #tpu.memory_space<vmem_shared>> -> memref<5008x128xf32, #tpu.memory_space<vmem_shared>>
          tpu.wait_indirect_dma semaphore(%arg24 : memref<!tpu.dma_semaphore, #tpu.memory_space<semaphore_mem>>) src(%arg13 : memref<128x128xf32, #tpu.memory_space<vmem>>) dst(%dma_wait3A_714 : memref<5008x128xf32, #tpu.memory_space<vmem_shared>>)
        } else {
        }
        %eq3A_705 = arith.constant 0 : i32
        %eq3A_706 = arith.cmpi eq, %squeeze3A, %eq3A_705 : i32
        %convert_element_type3A_707 = arith.extui %eq3A_706 : i1 to i32
        %cond3A_708 = arith.constant 0 : i32
        %cond3A_709 = arith.cmpi ne, %convert_element_type3A_707, %cond3A_708 : i32
        scf.if %cond3A_709 {
          %dma_wait3A = arith.constant 0 : i32
          %dma_wait3A_710 = arith.constant 0 : i32
          %dma_wait3A_711 = tpu.memref_slice %arg21[%dma_wait3A, %dma_wait3A_710] : memref<5008x128xf32, #tpu.memory_space<vmem_shared>> -> memref<5008x128xf32, #tpu.memory_space<vmem_shared>>
          tpu.wait_indirect_dma semaphore(%arg24 : memref<!tpu.dma_semaphore, #tpu.memory_space<semaphore_mem>>) src(%arg12 : memref<128x128xf32, #tpu.memory_space<vmem>>) dst(%dma_wait3A_711 : memref<5008x128xf32, #tpu.memory_space<vmem_shared>>)
          %dma_wait3A_712 = arith.constant 0 : i32
          %dma_wait3A_713 = arith.constant 0 : i32
          %dma_wait3A_714 = tpu.memref_slice %arg21[%dma_wait3A_712, %dma_wait3A_713] : memref<5008x128xf32, #tpu.memory_space<vmem_shared>> -> memref<5008x128xf32, #tpu.memory_space<vmem_shared>>
          tpu.wait_indirect_dma semaphore(%arg24 : memref<!tpu.dma_semaphore, #tpu.memory_space<semaphore_mem>>) src(%arg12 : memref<128x128xf32, #tpu.memory_space<vmem>>) dst(%dma_wait3A_714 : memref<5008x128xf32, #tpu.memory_space<vmem_shared>>)
        } else {
        }
      } else {
      }
      %mul3A_87 = arith.constant 2 : i32
      %mul3A_88 = arith.muli %mul3A_87, %while3A_81 : i32
      %mul3A_89 = arith.constant 16 : i32
      %mul3A_90 = arith.muli %mul3A_88, %mul3A_89 : i32
      %add3A_91 = arith.addi %mul3A_90, %arg1 : i32
      %mul3A_92 = arith.constant 2 : i32
      %mul3A_93 = arith.muli %add3A_91, %mul3A_92 : i32
      %add3A_94 = arith.constant 0 : i32
      %add3A_95 = arith.addi %mul3A_93, %add3A_94 : i32
      "tpu.region"() ({
        %run_scoped3A = tpu.sem_alloc : memref<!tpu.dma_semaphore, #tpu.memory_space<semaphore_mem>>
        %dma_start3A = arith.constant 0 : i32
        %dma_start3A_700 = tpu.memref_slice %arg3[%add3A_95, %dma_start3A] : memref<2500x128xi32, #tpu.memory_space<hbm>> -> memref<1x128xi32, #tpu.memory_space<hbm>>
        %dma_start3A_701 = tpu.memref_squeeze %dma_start3A_700 : memref<1x128xi32, #tpu.memory_space<hbm>> -> memref<128xi32, #tpu.memory_space<hbm>>
        %dma_start3A_702 = arith.constant 0 : i32
        %dma_start3A_703 = tpu.memref_slice %arg3[%add3A_95, %dma_start3A_702] : memref<2500x128xi32, #tpu.memory_space<hbm>> -> memref<1x128xi32, #tpu.memory_space<hbm>>
        %dma_start3A_704 = tpu.memref_squeeze %dma_start3A_703 : memref<1x128xi32, #tpu.memory_space<hbm>> -> memref<128xi32, #tpu.memory_space<hbm>>
        tpu.enqueue_dma source(%dma_start3A_704 : memref<128xi32, #tpu.memory_space<hbm>>) target(%arg10 : memref<128xi32, #tpu.memory_space<vmem>>) target_semaphore(%run_scoped3A : memref<!tpu.dma_semaphore, #tpu.memory_space<semaphore_mem>>)
        %dma_wait3A = arith.constant 0 : i32
        %dma_wait3A_705 = tpu.memref_slice %arg3[%add3A_95, %dma_wait3A] : memref<2500x128xi32, #tpu.memory_space<hbm>> -> memref<1x128xi32, #tpu.memory_space<hbm>>
        %dma_wait3A_706 = tpu.memref_squeeze %dma_wait3A_705 : memref<1x128xi32, #tpu.memory_space<hbm>> -> memref<128xi32, #tpu.memory_space<hbm>>
        %dma_wait3A_707 = arith.constant 0 : i32
        %dma_wait3A_708 = tpu.memref_slice %arg3[%add3A_95, %dma_wait3A_707] : memref<2500x128xi32, #tpu.memory_space<hbm>> -> memref<1x128xi32, #tpu.memory_space<hbm>>
        %dma_wait3A_709 = tpu.memref_squeeze %dma_wait3A_708 : memref<1x128xi32, #tpu.memory_space<hbm>> -> memref<128xi32, #tpu.memory_space<hbm>>
        tpu.wait_dma2 semaphore(%run_scoped3A : memref<!tpu.dma_semaphore, #tpu.memory_space<semaphore_mem>>) src(%dma_wait3A_709 : memref<128xi32, #tpu.memory_space<hbm>>) dst(%arg10 : memref<128xi32, #tpu.memory_space<vmem>>)
        tpu.yield
      }) : () -> ()
      %add3A_96 = arith.constant 1 : i32
      %add3A_97 = arith.addi %mul3A_93, %add3A_96 : i32
      "tpu.region"() ({
        %run_scoped3A = tpu.sem_alloc : memref<!tpu.dma_semaphore, #tpu.memory_space<semaphore_mem>>
        %dma_start3A = arith.constant 0 : i32
        %dma_start3A_700 = tpu.memref_slice %arg3[%add3A_97, %dma_start3A] : memref<2500x128xi32, #tpu.memory_space<hbm>> -> memref<1x128xi32, #tpu.memory_space<hbm>>
        %dma_start3A_701 = tpu.memref_squeeze %dma_start3A_700 : memref<1x128xi32, #tpu.memory_space<hbm>> -> memref<128xi32, #tpu.memory_space<hbm>>
        %dma_start3A_702 = arith.constant 0 : i32
        %dma_start3A_703 = tpu.memref_slice %arg3[%add3A_97, %dma_start3A_702] : memref<2500x128xi32, #tpu.memory_space<hbm>> -> memref<1x128xi32, #tpu.memory_space<hbm>>
        %dma_start3A_704 = tpu.memref_squeeze %dma_start3A_703 : memref<1x128xi32, #tpu.memory_space<hbm>> -> memref<128xi32, #tpu.memory_space<hbm>>
        tpu.enqueue_dma source(%dma_start3A_704 : memref<128xi32, #tpu.memory_space<hbm>>) target(%arg11 : memref<128xi32, #tpu.memory_space<vmem>>) target_semaphore(%run_scoped3A : memref<!tpu.dma_semaphore, #tpu.memory_space<semaphore_mem>>)
        %dma_wait3A = arith.constant 0 : i32
        %dma_wait3A_705 = tpu.memref_slice %arg3[%add3A_97, %dma_wait3A] : memref<2500x128xi32, #tpu.memory_space<hbm>> -> memref<1x128xi32, #tpu.memory_space<hbm>>
        %dma_wait3A_706 = tpu.memref_squeeze %dma_wait3A_705 : memref<1x128xi32, #tpu.memory_space<hbm>> -> memref<128xi32, #tpu.memory_space<hbm>>
        %dma_wait3A_707 = arith.constant 0 : i32
        %dma_wait3A_708 = tpu.memref_slice %arg3[%add3A_97, %dma_wait3A_707] : memref<2500x128xi32, #tpu.memory_space<hbm>> -> memref<1x128xi32, #tpu.memory_space<hbm>>
        %dma_wait3A_709 = tpu.memref_squeeze %dma_wait3A_708 : memref<1x128xi32, #tpu.memory_space<hbm>> -> memref<128xi32, #tpu.memory_space<hbm>>
        tpu.wait_dma2 semaphore(%run_scoped3A : memref<!tpu.dma_semaphore, #tpu.memory_space<semaphore_mem>>) src(%dma_wait3A_709 : memref<128xi32, #tpu.memory_space<hbm>>) dst(%arg11 : memref<128xi32, #tpu.memory_space<vmem>>)
        tpu.yield
      }) : () -> ()
      %gt3A_98 = arith.constant 0 : i32
      %gt3A_99 = arith.cmpi sgt, %squeeze3A, %gt3A_98 : i32
      %convert_element_type3A_100 = arith.extui %gt3A_99 : i1 to i32
      %cond3A_101 = arith.constant 0 : i32
      %cond3A_102 = arith.cmpi ne, %convert_element_type3A_100, %cond3A_101 : i32
      scf.if %cond3A_102 {
        %add3A_700 = arith.constant 0 : i32
        %add3A_701 = arith.addi %mul3A_93, %add3A_700 : i32
        "tpu.region"() ({
          %run_scoped3A = tpu.sem_alloc : memref<!tpu.dma_semaphore, #tpu.memory_space<semaphore_mem>>
          %dma_start3A_709 = arith.constant 0 : i32
          %dma_start3A_710 = tpu.memref_slice %arg2[%add3A_701, %dma_start3A_709] : memref<2500x128xi32, #tpu.memory_space<hbm>> -> memref<1x128xi32, #tpu.memory_space<hbm>>
          %dma_start3A_711 = tpu.memref_squeeze %dma_start3A_710 : memref<1x128xi32, #tpu.memory_space<hbm>> -> memref<128xi32, #tpu.memory_space<hbm>>
          %dma_start3A_712 = arith.constant 0 : i32
          %dma_start3A_713 = tpu.memref_slice %arg2[%add3A_701, %dma_start3A_712] : memref<2500x128xi32, #tpu.memory_space<hbm>> -> memref<1x128xi32, #tpu.memory_space<hbm>>
          %dma_start3A_714 = tpu.memref_squeeze %dma_start3A_713 : memref<1x128xi32, #tpu.memory_space<hbm>> -> memref<128xi32, #tpu.memory_space<hbm>>
          tpu.enqueue_dma source(%dma_start3A_714 : memref<128xi32, #tpu.memory_space<hbm>>) target(%arg8 : memref<128xi32, #tpu.memory_space<vmem>>) target_semaphore(%run_scoped3A : memref<!tpu.dma_semaphore, #tpu.memory_space<semaphore_mem>>)
          %dma_wait3A = arith.constant 0 : i32
          %dma_wait3A_715 = tpu.memref_slice %arg2[%add3A_701, %dma_wait3A] : memref<2500x128xi32, #tpu.memory_space<hbm>> -> memref<1x128xi32, #tpu.memory_space<hbm>>
          %dma_wait3A_716 = tpu.memref_squeeze %dma_wait3A_715 : memref<1x128xi32, #tpu.memory_space<hbm>> -> memref<128xi32, #tpu.memory_space<hbm>>
          %dma_wait3A_717 = arith.constant 0 : i32
          %dma_wait3A_718 = tpu.memref_slice %arg2[%add3A_701, %dma_wait3A_717] : memref<2500x128xi32, #tpu.memory_space<hbm>> -> memref<1x128xi32, #tpu.memory_space<hbm>>
          %dma_wait3A_719 = tpu.memref_squeeze %dma_wait3A_718 : memref<1x128xi32, #tpu.memory_space<hbm>> -> memref<128xi32, #tpu.memory_space<hbm>>
          tpu.wait_dma2 semaphore(%run_scoped3A : memref<!tpu.dma_semaphore, #tpu.memory_space<semaphore_mem>>) src(%dma_wait3A_719 : memref<128xi32, #tpu.memory_space<hbm>>) dst(%arg8 : memref<128xi32, #tpu.memory_space<vmem>>)
          tpu.yield
        }) : () -> ()
        %add3A_702 = arith.constant 1 : i32
        %add3A_703 = arith.addi %mul3A_93, %add3A_702 : i32
        "tpu.region"() ({
          %run_scoped3A = tpu.sem_alloc : memref<!tpu.dma_semaphore, #tpu.memory_space<semaphore_mem>>
          %dma_start3A_709 = arith.constant 0 : i32
          %dma_start3A_710 = tpu.memref_slice %arg2[%add3A_703, %dma_start3A_709] : memref<2500x128xi32, #tpu.memory_space<hbm>> -> memref<1x128xi32, #tpu.memory_space<hbm>>
          %dma_start3A_711 = tpu.memref_squeeze %dma_start3A_710 : memref<1x128xi32, #tpu.memory_space<hbm>> -> memref<128xi32, #tpu.memory_space<hbm>>
          %dma_start3A_712 = arith.constant 0 : i32
          %dma_start3A_713 = tpu.memref_slice %arg2[%add3A_703, %dma_start3A_712] : memref<2500x128xi32, #tpu.memory_space<hbm>> -> memref<1x128xi32, #tpu.memory_space<hbm>>
          %dma_start3A_714 = tpu.memref_squeeze %dma_start3A_713 : memref<1x128xi32, #tpu.memory_space<hbm>> -> memref<128xi32, #tpu.memory_space<hbm>>
          tpu.enqueue_dma source(%dma_start3A_714 : memref<128xi32, #tpu.memory_space<hbm>>) target(%arg9 : memref<128xi32, #tpu.memory_space<vmem>>) target_semaphore(%run_scoped3A : memref<!tpu.dma_semaphore, #tpu.memory_space<semaphore_mem>>)
          %dma_wait3A = arith.constant 0 : i32
          %dma_wait3A_715 = tpu.memref_slice %arg2[%add3A_703, %dma_wait3A] : memref<2500x128xi32, #tpu.memory_space<hbm>> -> memref<1x128xi32, #tpu.memory_space<hbm>>
          %dma_wait3A_716 = tpu.memref_squeeze %dma_wait3A_715 : memref<1x128xi32, #tpu.memory_space<hbm>> -> memref<128xi32, #tpu.memory_space<hbm>>
          %dma_wait3A_717 = arith.constant 0 : i32
          %dma_wait3A_718 = tpu.memref_slice %arg2[%add3A_703, %dma_wait3A_717] : memref<2500x128xi32, #tpu.memory_space<hbm>> -> memref<1x128xi32, #tpu.memory_space<hbm>>
          %dma_wait3A_719 = tpu.memref_squeeze %dma_wait3A_718 : memref<1x128xi32, #tpu.memory_space<hbm>> -> memref<128xi32, #tpu.memory_space<hbm>>
          tpu.wait_dma2 semaphore(%run_scoped3A : memref<!tpu.dma_semaphore, #tpu.memory_space<semaphore_mem>>) src(%dma_wait3A_719 : memref<128xi32, #tpu.memory_space<hbm>>) dst(%arg9 : memref<128xi32, #tpu.memory_space<vmem>>)
          tpu.yield
        }) : () -> ()
        %dma_start3A = arith.constant 0 : i32
        %dma_start3A_704 = arith.constant 0 : i32
        %dma_start3A_705 = tpu.memref_slice %arg4[%dma_start3A, %dma_start3A_704] : memref<10000x128xf32, #tpu.memory_space<hbm>> -> memref<10000x128xf32, #tpu.memory_space<hbm>>
        tpu.enqueue_indirect_dma source(%dma_start3A_705 : memref<10000x128xf32, #tpu.memory_space<hbm>>) target(%arg12 : memref<128x128xf32, #tpu.memory_space<vmem>>) offsets(%arg8 : memref<128xi32, #tpu.memory_space<vmem>>) semaphore(%arg22 : memref<!tpu.dma_semaphore, #tpu.memory_space<semaphore_mem>>)
        %dma_start3A_706 = arith.constant 0 : i32
        %dma_start3A_707 = arith.constant 0 : i32
        %dma_start3A_708 = tpu.memref_slice %arg4[%dma_start3A_706, %dma_start3A_707] : memref<10000x128xf32, #tpu.memory_space<hbm>> -> memref<10000x128xf32, #tpu.memory_space<hbm>>
        tpu.enqueue_indirect_dma source(%dma_start3A_708 : memref<10000x128xf32, #tpu.memory_space<hbm>>) target(%arg13 : memref<128x128xf32, #tpu.memory_space<vmem>>) offsets(%arg9 : memref<128xi32, #tpu.memory_space<vmem>>) semaphore(%arg22 : memref<!tpu.dma_semaphore, #tpu.memory_space<semaphore_mem>>)
      } else {
      }
      %gt3A_103 = arith.constant 0 : i32
      %gt3A_104 = arith.cmpi sgt, %while3A_81, %gt3A_103 : i32
      %convert_element_type3A_105 = arith.extui %gt3A_104 : i1 to i32
      %cond3A_106 = arith.constant 0 : i32
      %cond3A_107 = arith.cmpi ne, %convert_element_type3A_105, %cond3A_106 : i32
      scf.if %cond3A_107 {
        %gt3A_700 = arith.constant 0 : i32
        %gt3A_701 = arith.cmpi sgt, %squeeze3A, %gt3A_700 : i32
        %convert_element_type3A_702 = arith.extui %gt3A_701 : i1 to i32
        %cond3A_703 = arith.constant 0 : i32
        %cond3A_704 = arith.cmpi ne, %convert_element_type3A_702, %cond3A_703 : i32
        scf.if %cond3A_704 {
          %dma_wait3A = arith.constant 0 : i32
          %dma_wait3A_710 = arith.constant 0 : i32
          %dma_wait3A_711 = tpu.memref_slice %arg21[%dma_wait3A, %dma_wait3A_710] : memref<5008x128xf32, #tpu.memory_space<vmem_shared>> -> memref<5008x128xf32, #tpu.memory_space<vmem_shared>>
          tpu.wait_indirect_dma semaphore(%arg25 : memref<!tpu.dma_semaphore, #tpu.memory_space<semaphore_mem>>) src(%arg18 : memref<128x128xf32, #tpu.memory_space<vmem>>) dst(%dma_wait3A_711 : memref<5008x128xf32, #tpu.memory_space<vmem_shared>>)
          %dma_wait3A_712 = arith.constant 0 : i32
          %dma_wait3A_713 = arith.constant 0 : i32
          %dma_wait3A_714 = tpu.memref_slice %arg21[%dma_wait3A_712, %dma_wait3A_713] : memref<5008x128xf32, #tpu.memory_space<vmem_shared>> -> memref<5008x128xf32, #tpu.memory_space<vmem_shared>>
          tpu.wait_indirect_dma semaphore(%arg25 : memref<!tpu.dma_semaphore, #tpu.memory_space<semaphore_mem>>) src(%arg19 : memref<128x128xf32, #tpu.memory_space<vmem>>) dst(%dma_wait3A_714 : memref<5008x128xf32, #tpu.memory_space<vmem_shared>>)
        } else {
        }
        %eq3A_705 = arith.constant 0 : i32
        %eq3A_706 = arith.cmpi eq, %squeeze3A, %eq3A_705 : i32
        %convert_element_type3A_707 = arith.extui %eq3A_706 : i1 to i32
        %cond3A_708 = arith.constant 0 : i32
        %cond3A_709 = arith.cmpi ne, %convert_element_type3A_707, %cond3A_708 : i32
        scf.if %cond3A_709 {
          %dma_wait3A = arith.constant 0 : i32
          %dma_wait3A_710 = arith.constant 0 : i32
          %dma_wait3A_711 = tpu.memref_slice %arg21[%dma_wait3A, %dma_wait3A_710] : memref<5008x128xf32, #tpu.memory_space<vmem_shared>> -> memref<5008x128xf32, #tpu.memory_space<vmem_shared>>
          tpu.wait_indirect_dma semaphore(%arg25 : memref<!tpu.dma_semaphore, #tpu.memory_space<semaphore_mem>>) src(%arg12 : memref<128x128xf32, #tpu.memory_space<vmem>>) dst(%dma_wait3A_711 : memref<5008x128xf32, #tpu.memory_space<vmem_shared>>)
          %dma_wait3A_712 = arith.constant 0 : i32
          %dma_wait3A_713 = arith.constant 0 : i32
          %dma_wait3A_714 = tpu.memref_slice %arg21[%dma_wait3A_712, %dma_wait3A_713] : memref<5008x128xf32, #tpu.memory_space<vmem_shared>> -> memref<5008x128xf32, #tpu.memory_space<vmem_shared>>
          tpu.wait_indirect_dma semaphore(%arg25 : memref<!tpu.dma_semaphore, #tpu.memory_space<semaphore_mem>>) src(%arg12 : memref<128x128xf32, #tpu.memory_space<vmem>>) dst(%dma_wait3A_714 : memref<5008x128xf32, #tpu.memory_space<vmem_shared>>)
        } else {
        }
      } else {
      }
      %mul3A_108 = arith.constant 2 : i32
      %mul3A_109 = arith.muli %mul3A_108, %while3A_81 : i32
      %add3A_110 = arith.constant 1 : i32
      %add3A_111 = arith.addi %mul3A_109, %add3A_110 : i32
      %mul3A_112 = arith.constant 16 : i32
      %mul3A_113 = arith.muli %add3A_111, %mul3A_112 : i32
      %add3A_114 = arith.addi %mul3A_113, %arg1 : i32
      %mul3A_115 = arith.constant 2 : i32
      %mul3A_116 = arith.muli %add3A_114, %mul3A_115 : i32
      %add3A_117 = arith.constant 0 : i32
      %add3A_118 = arith.addi %mul3A_116, %add3A_117 : i32
      "tpu.region"() ({
        %run_scoped3A = tpu.sem_alloc : memref<!tpu.dma_semaphore, #tpu.memory_space<semaphore_mem>>
        %dma_start3A = arith.constant 0 : i32
        %dma_start3A_700 = tpu.memref_slice %arg3[%add3A_118, %dma_start3A] : memref<2500x128xi32, #tpu.memory_space<hbm>> -> memref<1x128xi32, #tpu.memory_space<hbm>>
        %dma_start3A_701 = tpu.memref_squeeze %dma_start3A_700 : memref<1x128xi32, #tpu.memory_space<hbm>> -> memref<128xi32, #tpu.memory_space<hbm>>
        %dma_start3A_702 = arith.constant 0 : i32
        %dma_start3A_703 = tpu.memref_slice %arg3[%add3A_118, %dma_start3A_702] : memref<2500x128xi32, #tpu.memory_space<hbm>> -> memref<1x128xi32, #tpu.memory_space<hbm>>
        %dma_start3A_704 = tpu.memref_squeeze %dma_start3A_703 : memref<1x128xi32, #tpu.memory_space<hbm>> -> memref<128xi32, #tpu.memory_space<hbm>>
        tpu.enqueue_dma source(%dma_start3A_704 : memref<128xi32, #tpu.memory_space<hbm>>) target(%arg16 : memref<128xi32, #tpu.memory_space<vmem>>) target_semaphore(%run_scoped3A : memref<!tpu.dma_semaphore, #tpu.memory_space<semaphore_mem>>)
        %dma_wait3A = arith.constant 0 : i32
        %dma_wait3A_705 = tpu.memref_slice %arg3[%add3A_118, %dma_wait3A] : memref<2500x128xi32, #tpu.memory_space<hbm>> -> memref<1x128xi32, #tpu.memory_space<hbm>>
        %dma_wait3A_706 = tpu.memref_squeeze %dma_wait3A_705 : memref<1x128xi32, #tpu.memory_space<hbm>> -> memref<128xi32, #tpu.memory_space<hbm>>
        %dma_wait3A_707 = arith.constant 0 : i32
        %dma_wait3A_708 = tpu.memref_slice %arg3[%add3A_118, %dma_wait3A_707] : memref<2500x128xi32, #tpu.memory_space<hbm>> -> memref<1x128xi32, #tpu.memory_space<hbm>>
        %dma_wait3A_709 = tpu.memref_squeeze %dma_wait3A_708 : memref<1x128xi32, #tpu.memory_space<hbm>> -> memref<128xi32, #tpu.memory_space<hbm>>
        tpu.wait_dma2 semaphore(%run_scoped3A : memref<!tpu.dma_semaphore, #tpu.memory_space<semaphore_mem>>) src(%dma_wait3A_709 : memref<128xi32, #tpu.memory_space<hbm>>) dst(%arg16 : memref<128xi32, #tpu.memory_space<vmem>>)
        tpu.yield
      }) : () -> ()
      %add3A_119 = arith.constant 1 : i32
      %add3A_120 = arith.addi %mul3A_116, %add3A_119 : i32
      "tpu.region"() ({
        %run_scoped3A = tpu.sem_alloc : memref<!tpu.dma_semaphore, #tpu.memory_space<semaphore_mem>>
        %dma_start3A = arith.constant 0 : i32
        %dma_start3A_700 = tpu.memref_slice %arg3[%add3A_120, %dma_start3A] : memref<2500x128xi32, #tpu.memory_space<hbm>> -> memref<1x128xi32, #tpu.memory_space<hbm>>
        %dma_start3A_701 = tpu.memref_squeeze %dma_start3A_700 : memref<1x128xi32, #tpu.memory_space<hbm>> -> memref<128xi32, #tpu.memory_space<hbm>>
        %dma_start3A_702 = arith.constant 0 : i32
        %dma_start3A_703 = tpu.memref_slice %arg3[%add3A_120, %dma_start3A_702] : memref<2500x128xi32, #tpu.memory_space<hbm>> -> memref<1x128xi32, #tpu.memory_space<hbm>>
        %dma_start3A_704 = tpu.memref_squeeze %dma_start3A_703 : memref<1x128xi32, #tpu.memory_space<hbm>> -> memref<128xi32, #tpu.memory_space<hbm>>
        tpu.enqueue_dma source(%dma_start3A_704 : memref<128xi32, #tpu.memory_space<hbm>>) target(%arg17 : memref<128xi32, #tpu.memory_space<vmem>>) target_semaphore(%run_scoped3A : memref<!tpu.dma_semaphore, #tpu.memory_space<semaphore_mem>>)
        %dma_wait3A = arith.constant 0 : i32
        %dma_wait3A_705 = tpu.memref_slice %arg3[%add3A_120, %dma_wait3A] : memref<2500x128xi32, #tpu.memory_space<hbm>> -> memref<1x128xi32, #tpu.memory_space<hbm>>
        %dma_wait3A_706 = tpu.memref_squeeze %dma_wait3A_705 : memref<1x128xi32, #tpu.memory_space<hbm>> -> memref<128xi32, #tpu.memory_space<hbm>>
        %dma_wait3A_707 = arith.constant 0 : i32
        %dma_wait3A_708 = tpu.memref_slice %arg3[%add3A_120, %dma_wait3A_707] : memref<2500x128xi32, #tpu.memory_space<hbm>> -> memref<1x128xi32, #tpu.memory_space<hbm>>
        %dma_wait3A_709 = tpu.memref_squeeze %dma_wait3A_708 : memref<1x128xi32, #tpu.memory_space<hbm>> -> memref<128xi32, #tpu.memory_space<hbm>>
        tpu.wait_dma2 semaphore(%run_scoped3A : memref<!tpu.dma_semaphore, #tpu.memory_space<semaphore_mem>>) src(%dma_wait3A_709 : memref<128xi32, #tpu.memory_space<hbm>>) dst(%arg17 : memref<128xi32, #tpu.memory_space<vmem>>)
        tpu.yield
      }) : () -> ()
      %gt3A_121 = arith.constant 0 : i32
      %gt3A_122 = arith.cmpi sgt, %squeeze3A, %gt3A_121 : i32
      %convert_element_type3A_123 = arith.extui %gt3A_122 : i1 to i32
      %cond3A_124 = arith.constant 0 : i32
      %cond3A_125 = arith.cmpi ne, %convert_element_type3A_123, %cond3A_124 : i32
      scf.if %cond3A_125 {
        %add3A_700 = arith.constant 0 : i32
        %add3A_701 = arith.addi %mul3A_116, %add3A_700 : i32
        "tpu.region"() ({
          %run_scoped3A = tpu.sem_alloc : memref<!tpu.dma_semaphore, #tpu.memory_space<semaphore_mem>>
          %dma_start3A_709 = arith.constant 0 : i32
          %dma_start3A_710 = tpu.memref_slice %arg2[%add3A_701, %dma_start3A_709] : memref<2500x128xi32, #tpu.memory_space<hbm>> -> memref<1x128xi32, #tpu.memory_space<hbm>>
          %dma_start3A_711 = tpu.memref_squeeze %dma_start3A_710 : memref<1x128xi32, #tpu.memory_space<hbm>> -> memref<128xi32, #tpu.memory_space<hbm>>
          %dma_start3A_712 = arith.constant 0 : i32
          %dma_start3A_713 = tpu.memref_slice %arg2[%add3A_701, %dma_start3A_712] : memref<2500x128xi32, #tpu.memory_space<hbm>> -> memref<1x128xi32, #tpu.memory_space<hbm>>
          %dma_start3A_714 = tpu.memref_squeeze %dma_start3A_713 : memref<1x128xi32, #tpu.memory_space<hbm>> -> memref<128xi32, #tpu.memory_space<hbm>>
          tpu.enqueue_dma source(%dma_start3A_714 : memref<128xi32, #tpu.memory_space<hbm>>) target(%arg14 : memref<128xi32, #tpu.memory_space<vmem>>) target_semaphore(%run_scoped3A : memref<!tpu.dma_semaphore, #tpu.memory_space<semaphore_mem>>)
          %dma_wait3A = arith.constant 0 : i32
          %dma_wait3A_715 = tpu.memref_slice %arg2[%add3A_701, %dma_wait3A] : memref<2500x128xi32, #tpu.memory_space<hbm>> -> memref<1x128xi32, #tpu.memory_space<hbm>>
          %dma_wait3A_716 = tpu.memref_squeeze %dma_wait3A_715 : memref<1x128xi32, #tpu.memory_space<hbm>> -> memref<128xi32, #tpu.memory_space<hbm>>
          %dma_wait3A_717 = arith.constant 0 : i32
          %dma_wait3A_718 = tpu.memref_slice %arg2[%add3A_701, %dma_wait3A_717] : memref<2500x128xi32, #tpu.memory_space<hbm>> -> memref<1x128xi32, #tpu.memory_space<hbm>>
          %dma_wait3A_719 = tpu.memref_squeeze %dma_wait3A_718 : memref<1x128xi32, #tpu.memory_space<hbm>> -> memref<128xi32, #tpu.memory_space<hbm>>
          tpu.wait_dma2 semaphore(%run_scoped3A : memref<!tpu.dma_semaphore, #tpu.memory_space<semaphore_mem>>) src(%dma_wait3A_719 : memref<128xi32, #tpu.memory_space<hbm>>) dst(%arg14 : memref<128xi32, #tpu.memory_space<vmem>>)
          tpu.yield
        }) : () -> ()
        %add3A_702 = arith.constant 1 : i32
        %add3A_703 = arith.addi %mul3A_116, %add3A_702 : i32
        "tpu.region"() ({
          %run_scoped3A = tpu.sem_alloc : memref<!tpu.dma_semaphore, #tpu.memory_space<semaphore_mem>>
          %dma_start3A_709 = arith.constant 0 : i32
          %dma_start3A_710 = tpu.memref_slice %arg2[%add3A_703, %dma_start3A_709] : memref<2500x128xi32, #tpu.memory_space<hbm>> -> memref<1x128xi32, #tpu.memory_space<hbm>>
          %dma_start3A_711 = tpu.memref_squeeze %dma_start3A_710 : memref<1x128xi32, #tpu.memory_space<hbm>> -> memref<128xi32, #tpu.memory_space<hbm>>
          %dma_start3A_712 = arith.constant 0 : i32
          %dma_start3A_713 = tpu.memref_slice %arg2[%add3A_703, %dma_start3A_712] : memref<2500x128xi32, #tpu.memory_space<hbm>> -> memref<1x128xi32, #tpu.memory_space<hbm>>
          %dma_start3A_714 = tpu.memref_squeeze %dma_start3A_713 : memref<1x128xi32, #tpu.memory_space<hbm>> -> memref<128xi32, #tpu.memory_space<hbm>>
          tpu.enqueue_dma source(%dma_start3A_714 : memref<128xi32, #tpu.memory_space<hbm>>) target(%arg15 : memref<128xi32, #tpu.memory_space<vmem>>) target_semaphore(%run_scoped3A : memref<!tpu.dma_semaphore, #tpu.memory_space<semaphore_mem>>)
          %dma_wait3A = arith.constant 0 : i32
          %dma_wait3A_715 = tpu.memref_slice %arg2[%add3A_703, %dma_wait3A] : memref<2500x128xi32, #tpu.memory_space<hbm>> -> memref<1x128xi32, #tpu.memory_space<hbm>>
          %dma_wait3A_716 = tpu.memref_squeeze %dma_wait3A_715 : memref<1x128xi32, #tpu.memory_space<hbm>> -> memref<128xi32, #tpu.memory_space<hbm>>
          %dma_wait3A_717 = arith.constant 0 : i32
          %dma_wait3A_718 = tpu.memref_slice %arg2[%add3A_703, %dma_wait3A_717] : memref<2500x128xi32, #tpu.memory_space<hbm>> -> memref<1x128xi32, #tpu.memory_space<hbm>>
          %dma_wait3A_719 = tpu.memref_squeeze %dma_wait3A_718 : memref<1x128xi32, #tpu.memory_space<hbm>> -> memref<128xi32, #tpu.memory_space<hbm>>
          tpu.wait_dma2 semaphore(%run_scoped3A : memref<!tpu.dma_semaphore, #tpu.memory_space<semaphore_mem>>) src(%dma_wait3A_719 : memref<128xi32, #tpu.memory_space<hbm>>) dst(%arg15 : memref<128xi32, #tpu.memory_space<vmem>>)
          tpu.yield
        }) : () -> ()
        %dma_start3A = arith.constant 0 : i32
        %dma_start3A_704 = arith.constant 0 : i32
        %dma_start3A_705 = tpu.memref_slice %arg4[%dma_start3A, %dma_start3A_704] : memref<10000x128xf32, #tpu.memory_space<hbm>> -> memref<10000x128xf32, #tpu.memory_space<hbm>>
        tpu.enqueue_indirect_dma source(%dma_start3A_705 : memref<10000x128xf32, #tpu.memory_space<hbm>>) target(%arg18 : memref<128x128xf32, #tpu.memory_space<vmem>>) offsets(%arg14 : memref<128xi32, #tpu.memory_space<vmem>>) semaphore(%arg23 : memref<!tpu.dma_semaphore, #tpu.memory_space<semaphore_mem>>)
        %dma_start3A_706 = arith.constant 0 : i32
        %dma_start3A_707 = arith.constant 0 : i32
        %dma_start3A_708 = tpu.memref_slice %arg4[%dma_start3A_706, %dma_start3A_707] : memref<10000x128xf32, #tpu.memory_space<hbm>> -> memref<10000x128xf32, #tpu.memory_space<hbm>>
        tpu.enqueue_indirect_dma source(%dma_start3A_708 : memref<10000x128xf32, #tpu.memory_space<hbm>>) target(%arg19 : memref<128x128xf32, #tpu.memory_space<vmem>>) offsets(%arg15 : memref<128xi32, #tpu.memory_space<vmem>>) semaphore(%arg23 : memref<!tpu.dma_semaphore, #tpu.memory_space<semaphore_mem>>)
      } else {
      }
      %iota3A = tpu.iota {dimensions = array<i32: 0>} : vector<16xi32>
      %and3A_126 = arith.constant 7 : i32
      %and3A_127 = vector.broadcast %and3A_126 : i32 to vector<16xi32>
      %and3A_128 = arith.andi %iota3A, %and3A_127 : vector<16xi32>
      %add3A_129 = arith.constant 5000 : i32
      %add3A_130 = vector.broadcast %add3A_129 : i32 to vector<16xi32>
      %add3A_131 = arith.addi %add3A_130, %and3A_128 : vector<16xi32>
      %get3A_132 = arith.constant 0 : index
      %get3A_133 = tpu.vector_load %arg10[%get3A_132] {strides = array<i32>} : memref<128xi32, #tpu.memory_space<vmem>>, vector<16xi32>,
      %get3A_134 = vector.shape_cast %get3A_133 : vector<16xi32> to vector<16xi32>
      %sub3A_135 = vector.broadcast %mul3A_0 : i32 to vector<16xi32>
      %sub3A_136 = arith.subi %get3A_134, %sub3A_135 : vector<16xi32>
      %lt3A_137 = arith.constant 0 : i32
      %lt3A_138 = vector.broadcast %lt3A_137 : i32 to vector<16xi32>
      %lt3A_139 = arith.cmpi slt, %sub3A_136, %lt3A_138 : vector<16xi32>
      %ge3A = arith.constant 5000 : i32
      %ge3A_140 = vector.broadcast %ge3A : i32 to vector<16xi32>
      %ge3A_141 = arith.cmpi sge, %sub3A_136, %ge3A_140 : vector<16xi32>
      %or3A = arith.ori %lt3A_139, %ge3A_141 : vector<16xi1>
      %select_n3A_142 = arith.select %or3A, %add3A_131, %sub3A_136 : vector<16xi1>, vector<16xi32>
      %swap3A = arith.constant 0 : index
      %swap3A_143 = tpu.vector_load %arg10[%swap3A] {strides = array<i32>} : memref<128xi32, #tpu.memory_space<vmem>>, vector<16xi32>,
      %swap3A_144 = vector.shape_cast %swap3A_143 : vector<16xi32> to vector<16xi32>
      %swap3A_145 = vector.shape_cast %select_n3A_142 : vector<16xi32> to vector<16xi32>
      tpu.vector_store %arg10[%swap3A], %swap3A_145 {strides = array<i32>} : memref<128xi32, #tpu.memory_space<vmem>>, vector<16xi32>,
      %get3A_146 = arith.constant 16 : index
      %get3A_147 = tpu.vector_load %arg10[%get3A_146] {strides = array<i32>} : memref<128xi32, #tpu.memory_space<vmem>>, vector<16xi32>,
      %get3A_148 = vector.shape_cast %get3A_147 : vector<16xi32> to vector<16xi32>
      %sub3A_149 = vector.broadcast %mul3A_0 : i32 to vector<16xi32>
      %sub3A_150 = arith.subi %get3A_148, %sub3A_149 : vector<16xi32>
      %lt3A_151 = arith.constant 0 : i32
      %lt3A_152 = vector.broadcast %lt3A_151 : i32 to vector<16xi32>
      %lt3A_153 = arith.cmpi slt, %sub3A_150, %lt3A_152 : vector<16xi32>
      %ge3A_154 = arith.constant 5000 : i32
      %ge3A_155 = vector.broadcast %ge3A_154 : i32 to vector<16xi32>
      %ge3A_156 = arith.cmpi sge, %sub3A_150, %ge3A_155 : vector<16xi32>
      %or3A_157 = arith.ori %lt3A_153, %ge3A_156 : vector<16xi1>
      %select_n3A_158 = arith.select %or3A_157, %add3A_131, %sub3A_150 : vector<16xi1>, vector<16xi32>
      %swap3A_159 = arith.constant 16 : index
      %swap3A_160 = tpu.vector_load %arg10[%swap3A_159] {strides = array<i32>} : memref<128xi32, #tpu.memory_space<vmem>>, vector<16xi32>,
      %swap3A_161 = vector.shape_cast %swap3A_160 : vector<16xi32> to vector<16xi32>
      %swap3A_162 = vector.shape_cast %select_n3A_158 : vector<16xi32> to vector<16xi32>
      tpu.vector_store %arg10[%swap3A_159], %swap3A_162 {strides = array<i32>} : memref<128xi32, #tpu.memory_space<vmem>>, vector<16xi32>,
      %get3A_163 = arith.constant 32 : index
      %get3A_164 = tpu.vector_load %arg10[%get3A_163] {strides = array<i32>} : memref<128xi32, #tpu.memory_space<vmem>>, vector<16xi32>,
      %get3A_165 = vector.shape_cast %get3A_164 : vector<16xi32> to vector<16xi32>
      %sub3A_166 = vector.broadcast %mul3A_0 : i32 to vector<16xi32>
      %sub3A_167 = arith.subi %get3A_165, %sub3A_166 : vector<16xi32>
      %lt3A_168 = arith.constant 0 : i32
      %lt3A_169 = vector.broadcast %lt3A_168 : i32 to vector<16xi32>
      %lt3A_170 = arith.cmpi slt, %sub3A_167, %lt3A_169 : vector<16xi32>
      %ge3A_171 = arith.constant 5000 : i32
      %ge3A_172 = vector.broadcast %ge3A_171 : i32 to vector<16xi32>
      %ge3A_173 = arith.cmpi sge, %sub3A_167, %ge3A_172 : vector<16xi32>
      %or3A_174 = arith.ori %lt3A_170, %ge3A_173 : vector<16xi1>
      %select_n3A_175 = arith.select %or3A_174, %add3A_131, %sub3A_167 : vector<16xi1>, vector<16xi32>
      %swap3A_176 = arith.constant 32 : index
      %swap3A_177 = tpu.vector_load %arg10[%swap3A_176] {strides = array<i32>} : memref<128xi32, #tpu.memory_space<vmem>>, vector<16xi32>,
      %swap3A_178 = vector.shape_cast %swap3A_177 : vector<16xi32> to vector<16xi32>
      %swap3A_179 = vector.shape_cast %select_n3A_175 : vector<16xi32> to vector<16xi32>
      tpu.vector_store %arg10[%swap3A_176], %swap3A_179 {strides = array<i32>} : memref<128xi32, #tpu.memory_space<vmem>>, vector<16xi32>,
      %get3A_180 = arith.constant 48 : index
      %get3A_181 = tpu.vector_load %arg10[%get3A_180] {strides = array<i32>} : memref<128xi32, #tpu.memory_space<vmem>>, vector<16xi32>,
      %get3A_182 = vector.shape_cast %get3A_181 : vector<16xi32> to vector<16xi32>
      %sub3A_183 = vector.broadcast %mul3A_0 : i32 to vector<16xi32>
      %sub3A_184 = arith.subi %get3A_182, %sub3A_183 : vector<16xi32>
      %lt3A_185 = arith.constant 0 : i32
      %lt3A_186 = vector.broadcast %lt3A_185 : i32 to vector<16xi32>
      %lt3A_187 = arith.cmpi slt, %sub3A_184, %lt3A_186 : vector<16xi32>
      %ge3A_188 = arith.constant 5000 : i32
      %ge3A_189 = vector.broadcast %ge3A_188 : i32 to vector<16xi32>
      %ge3A_190 = arith.cmpi sge, %sub3A_184, %ge3A_189 : vector<16xi32>
      %or3A_191 = arith.ori %lt3A_187, %ge3A_190 : vector<16xi1>
      %select_n3A_192 = arith.select %or3A_191, %add3A_131, %sub3A_184 : vector<16xi1>, vector<16xi32>
      %swap3A_193 = arith.constant 48 : index
      %swap3A_194 = tpu.vector_load %arg10[%swap3A_193] {strides = array<i32>} : memref<128xi32, #tpu.memory_space<vmem>>, vector<16xi32>,
      %swap3A_195 = vector.shape_cast %swap3A_194 : vector<16xi32> to vector<16xi32>
      %swap3A_196 = vector.shape_cast %select_n3A_192 : vector<16xi32> to vector<16xi32>
      tpu.vector_store %arg10[%swap3A_193], %swap3A_196 {strides = array<i32>} : memref<128xi32, #tpu.memory_space<vmem>>, vector<16xi32>,
      %get3A_197 = arith.constant 64 : index
      %get3A_198 = tpu.vector_load %arg10[%get3A_197] {strides = array<i32>} : memref<128xi32, #tpu.memory_space<vmem>>, vector<16xi32>,
      %get3A_199 = vector.shape_cast %get3A_198 : vector<16xi32> to vector<16xi32>
      %sub3A_200 = vector.broadcast %mul3A_0 : i32 to vector<16xi32>
      %sub3A_201 = arith.subi %get3A_199, %sub3A_200 : vector<16xi32>
      %lt3A_202 = arith.constant 0 : i32
      %lt3A_203 = vector.broadcast %lt3A_202 : i32 to vector<16xi32>
      %lt3A_204 = arith.cmpi slt, %sub3A_201, %lt3A_203 : vector<16xi32>
      %ge3A_205 = arith.constant 5000 : i32
      %ge3A_206 = vector.broadcast %ge3A_205 : i32 to vector<16xi32>
      %ge3A_207 = arith.cmpi sge, %sub3A_201, %ge3A_206 : vector<16xi32>
      %or3A_208 = arith.ori %lt3A_204, %ge3A_207 : vector<16xi1>
      %select_n3A_209 = arith.select %or3A_208, %add3A_131, %sub3A_201 : vector<16xi1>, vector<16xi32>
      %swap3A_210 = arith.constant 64 : index
      %swap3A_211 = tpu.vector_load %arg10[%swap3A_210] {strides = array<i32>} : memref<128xi32, #tpu.memory_space<vmem>>, vector<16xi32>,
      %swap3A_212 = vector.shape_cast %swap3A_211 : vector<16xi32> to vector<16xi32>
      %swap3A_213 = vector.shape_cast %select_n3A_209 : vector<16xi32> to vector<16xi32>
      tpu.vector_store %arg10[%swap3A_210], %swap3A_213 {strides = array<i32>} : memref<128xi32, #tpu.memory_space<vmem>>, vector<16xi32>,
      %get3A_214 = arith.constant 80 : index
      %get3A_215 = tpu.vector_load %arg10[%get3A_214] {strides = array<i32>} : memref<128xi32, #tpu.memory_space<vmem>>, vector<16xi32>,
      %get3A_216 = vector.shape_cast %get3A_215 : vector<16xi32> to vector<16xi32>
      %sub3A_217 = vector.broadcast %mul3A_0 : i32 to vector<16xi32>
      %sub3A_218 = arith.subi %get3A_216, %sub3A_217 : vector<16xi32>
      %lt3A_219 = arith.constant 0 : i32
      %lt3A_220 = vector.broadcast %lt3A_219 : i32 to vector<16xi32>
      %lt3A_221 = arith.cmpi slt, %sub3A_218, %lt3A_220 : vector<16xi32>
      %ge3A_222 = arith.constant 5000 : i32
      %ge3A_223 = vector.broadcast %ge3A_222 : i32 to vector<16xi32>
      %ge3A_224 = arith.cmpi sge, %sub3A_218, %ge3A_223 : vector<16xi32>
      %or3A_225 = arith.ori %lt3A_221, %ge3A_224 : vector<16xi1>
      %select_n3A_226 = arith.select %or3A_225, %add3A_131, %sub3A_218 : vector<16xi1>, vector<16xi32>
      %swap3A_227 = arith.constant 80 : index
      %swap3A_228 = tpu.vector_load %arg10[%swap3A_227] {strides = array<i32>} : memref<128xi32, #tpu.memory_space<vmem>>, vector<16xi32>,
      %swap3A_229 = vector.shape_cast %swap3A_228 : vector<16xi32> to vector<16xi32>
      %swap3A_230 = vector.shape_cast %select_n3A_226 : vector<16xi32> to vector<16xi32>
      tpu.vector_store %arg10[%swap3A_227], %swap3A_230 {strides = array<i32>} : memref<128xi32, #tpu.memory_space<vmem>>, vector<16xi32>,
      %get3A_231 = arith.constant 96 : index
      %get3A_232 = tpu.vector_load %arg10[%get3A_231] {strides = array<i32>} : memref<128xi32, #tpu.memory_space<vmem>>, vector<16xi32>,
      %get3A_233 = vector.shape_cast %get3A_232 : vector<16xi32> to vector<16xi32>
      %sub3A_234 = vector.broadcast %mul3A_0 : i32 to vector<16xi32>
      %sub3A_235 = arith.subi %get3A_233, %sub3A_234 : vector<16xi32>
      %lt3A_236 = arith.constant 0 : i32
      %lt3A_237 = vector.broadcast %lt3A_236 : i32 to vector<16xi32>
      %lt3A_238 = arith.cmpi slt, %sub3A_235, %lt3A_237 : vector<16xi32>
      %ge3A_239 = arith.constant 5000 : i32
      %ge3A_240 = vector.broadcast %ge3A_239 : i32 to vector<16xi32>
      %ge3A_241 = arith.cmpi sge, %sub3A_235, %ge3A_240 : vector<16xi32>
      %or3A_242 = arith.ori %lt3A_238, %ge3A_241 : vector<16xi1>
      %select_n3A_243 = arith.select %or3A_242, %add3A_131, %sub3A_235 : vector<16xi1>, vector<16xi32>
      %swap3A_244 = arith.constant 96 : index
      %swap3A_245 = tpu.vector_load %arg10[%swap3A_244] {strides = array<i32>} : memref<128xi32, #tpu.memory_space<vmem>>, vector<16xi32>,
      %swap3A_246 = vector.shape_cast %swap3A_245 : vector<16xi32> to vector<16xi32>
      %swap3A_247 = vector.shape_cast %select_n3A_243 : vector<16xi32> to vector<16xi32>
      tpu.vector_store %arg10[%swap3A_244], %swap3A_247 {strides = array<i32>} : memref<128xi32, #tpu.memory_space<vmem>>, vector<16xi32>,
      %get3A_248 = arith.constant 112 : index
      %get3A_249 = tpu.vector_load %arg10[%get3A_248] {strides = array<i32>} : memref<128xi32, #tpu.memory_space<vmem>>, vector<16xi32>,
      %get3A_250 = vector.shape_cast %get3A_249 : vector<16xi32> to vector<16xi32>
      %sub3A_251 = vector.broadcast %mul3A_0 : i32 to vector<16xi32>
      %sub3A_252 = arith.subi %get3A_250, %sub3A_251 : vector<16xi32>
      %lt3A_253 = arith.constant 0 : i32
      %lt3A_254 = vector.broadcast %lt3A_253 : i32 to vector<16xi32>
      %lt3A_255 = arith.cmpi slt, %sub3A_252, %lt3A_254 : vector<16xi32>
      %ge3A_256 = arith.constant 5000 : i32
      %ge3A_257 = vector.broadcast %ge3A_256 : i32 to vector<16xi32>
      %ge3A_258 = arith.cmpi sge, %sub3A_252, %ge3A_257 : vector<16xi32>
      %or3A_259 = arith.ori %lt3A_255, %ge3A_258 : vector<16xi1>
      %select_n3A_260 = arith.select %or3A_259, %add3A_131, %sub3A_252 : vector<16xi1>, vector<16xi32>
      %swap3A_261 = arith.constant 112 : index
      %swap3A_262 = tpu.vector_load %arg10[%swap3A_261] {strides = array<i32>} : memref<128xi32, #tpu.memory_space<vmem>>, vector<16xi32>,
      %swap3A_263 = vector.shape_cast %swap3A_262 : vector<16xi32> to vector<16xi32>
      %swap3A_264 = vector.shape_cast %select_n3A_260 : vector<16xi32> to vector<16xi32>
      tpu.vector_store %arg10[%swap3A_261], %swap3A_264 {strides = array<i32>} : memref<128xi32, #tpu.memory_space<vmem>>, vector<16xi32>,
      %get3A_265 = arith.constant 0 : index
      %get3A_266 = tpu.vector_load %arg11[%get3A_265] {strides = array<i32>} : memref<128xi32, #tpu.memory_space<vmem>>, vector<16xi32>,
      %get3A_267 = vector.shape_cast %get3A_266 : vector<16xi32> to vector<16xi32>
      %sub3A_268 = vector.broadcast %mul3A_0 : i32 to vector<16xi32>
      %sub3A_269 = arith.subi %get3A_267, %sub3A_268 : vector<16xi32>
      %lt3A_270 = arith.constant 0 : i32
      %lt3A_271 = vector.broadcast %lt3A_270 : i32 to vector<16xi32>
      %lt3A_272 = arith.cmpi slt, %sub3A_269, %lt3A_271 : vector<16xi32>
      %ge3A_273 = arith.constant 5000 : i32
      %ge3A_274 = vector.broadcast %ge3A_273 : i32 to vector<16xi32>
      %ge3A_275 = arith.cmpi sge, %sub3A_269, %ge3A_274 : vector<16xi32>
      %or3A_276 = arith.ori %lt3A_272, %ge3A_275 : vector<16xi1>
      %select_n3A_277 = arith.select %or3A_276, %add3A_131, %sub3A_269 : vector<16xi1>, vector<16xi32>
      %swap3A_278 = arith.constant 0 : index
      %swap3A_279 = tpu.vector_load %arg11[%swap3A_278] {strides = array<i32>} : memref<128xi32, #tpu.memory_space<vmem>>, vector<16xi32>,
      %swap3A_280 = vector.shape_cast %swap3A_279 : vector<16xi32> to vector<16xi32>
      %swap3A_281 = vector.shape_cast %select_n3A_277 : vector<16xi32> to vector<16xi32>
      tpu.vector_store %arg11[%swap3A_278], %swap3A_281 {strides = array<i32>} : memref<128xi32, #tpu.memory_space<vmem>>, vector<16xi32>,
      %get3A_282 = arith.constant 16 : index
      %get3A_283 = tpu.vector_load %arg11[%get3A_282] {strides = array<i32>} : memref<128xi32, #tpu.memory_space<vmem>>, vector<16xi32>,
      %get3A_284 = vector.shape_cast %get3A_283 : vector<16xi32> to vector<16xi32>
      %sub3A_285 = vector.broadcast %mul3A_0 : i32 to vector<16xi32>
      %sub3A_286 = arith.subi %get3A_284, %sub3A_285 : vector<16xi32>
      %lt3A_287 = arith.constant 0 : i32
      %lt3A_288 = vector.broadcast %lt3A_287 : i32 to vector<16xi32>
      %lt3A_289 = arith.cmpi slt, %sub3A_286, %lt3A_288 : vector<16xi32>
      %ge3A_290 = arith.constant 5000 : i32
      %ge3A_291 = vector.broadcast %ge3A_290 : i32 to vector<16xi32>
      %ge3A_292 = arith.cmpi sge, %sub3A_286, %ge3A_291 : vector<16xi32>
      %or3A_293 = arith.ori %lt3A_289, %ge3A_292 : vector<16xi1>
      %select_n3A_294 = arith.select %or3A_293, %add3A_131, %sub3A_286 : vector<16xi1>, vector<16xi32>
      %swap3A_295 = arith.constant 16 : index
      %swap3A_296 = tpu.vector_load %arg11[%swap3A_295] {strides = array<i32>} : memref<128xi32, #tpu.memory_space<vmem>>, vector<16xi32>,
      %swap3A_297 = vector.shape_cast %swap3A_296 : vector<16xi32> to vector<16xi32>
      %swap3A_298 = vector.shape_cast %select_n3A_294 : vector<16xi32> to vector<16xi32>
      tpu.vector_store %arg11[%swap3A_295], %swap3A_298 {strides = array<i32>} : memref<128xi32, #tpu.memory_space<vmem>>, vector<16xi32>,
      %get3A_299 = arith.constant 32 : index
      %get3A_300 = tpu.vector_load %arg11[%get3A_299] {strides = array<i32>} : memref<128xi32, #tpu.memory_space<vmem>>, vector<16xi32>,
      %get3A_301 = vector.shape_cast %get3A_300 : vector<16xi32> to vector<16xi32>
      %sub3A_302 = vector.broadcast %mul3A_0 : i32 to vector<16xi32>
      %sub3A_303 = arith.subi %get3A_301, %sub3A_302 : vector<16xi32>
      %lt3A_304 = arith.constant 0 : i32
      %lt3A_305 = vector.broadcast %lt3A_304 : i32 to vector<16xi32>
      %lt3A_306 = arith.cmpi slt, %sub3A_303, %lt3A_305 : vector<16xi32>
      %ge3A_307 = arith.constant 5000 : i32
      %ge3A_308 = vector.broadcast %ge3A_307 : i32 to vector<16xi32>
      %ge3A_309 = arith.cmpi sge, %sub3A_303, %ge3A_308 : vector<16xi32>
      %or3A_310 = arith.ori %lt3A_306, %ge3A_309 : vector<16xi1>
      %select_n3A_311 = arith.select %or3A_310, %add3A_131, %sub3A_303 : vector<16xi1>, vector<16xi32>
      %swap3A_312 = arith.constant 32 : index
      %swap3A_313 = tpu.vector_load %arg11[%swap3A_312] {strides = array<i32>} : memref<128xi32, #tpu.memory_space<vmem>>, vector<16xi32>,
      %swap3A_314 = vector.shape_cast %swap3A_313 : vector<16xi32> to vector<16xi32>
      %swap3A_315 = vector.shape_cast %select_n3A_311 : vector<16xi32> to vector<16xi32>
      tpu.vector_store %arg11[%swap3A_312], %swap3A_315 {strides = array<i32>} : memref<128xi32, #tpu.memory_space<vmem>>, vector<16xi32>,
      %get3A_316 = arith.constant 48 : index
      %get3A_317 = tpu.vector_load %arg11[%get3A_316] {strides = array<i32>} : memref<128xi32, #tpu.memory_space<vmem>>, vector<16xi32>,
      %get3A_318 = vector.shape_cast %get3A_317 : vector<16xi32> to vector<16xi32>
      %sub3A_319 = vector.broadcast %mul3A_0 : i32 to vector<16xi32>
      %sub3A_320 = arith.subi %get3A_318, %sub3A_319 : vector<16xi32>
      %lt3A_321 = arith.constant 0 : i32
      %lt3A_322 = vector.broadcast %lt3A_321 : i32 to vector<16xi32>
      %lt3A_323 = arith.cmpi slt, %sub3A_320, %lt3A_322 : vector<16xi32>
      %ge3A_324 = arith.constant 5000 : i32
      %ge3A_325 = vector.broadcast %ge3A_324 : i32 to vector<16xi32>
      %ge3A_326 = arith.cmpi sge, %sub3A_320, %ge3A_325 : vector<16xi32>
      %or3A_327 = arith.ori %lt3A_323, %ge3A_326 : vector<16xi1>
      %select_n3A_328 = arith.select %or3A_327, %add3A_131, %sub3A_320 : vector<16xi1>, vector<16xi32>
      %swap3A_329 = arith.constant 48 : index
      %swap3A_330 = tpu.vector_load %arg11[%swap3A_329] {strides = array<i32>} : memref<128xi32, #tpu.memory_space<vmem>>, vector<16xi32>,
      %swap3A_331 = vector.shape_cast %swap3A_330 : vector<16xi32> to vector<16xi32>
      %swap3A_332 = vector.shape_cast %select_n3A_328 : vector<16xi32> to vector<16xi32>
      tpu.vector_store %arg11[%swap3A_329], %swap3A_332 {strides = array<i32>} : memref<128xi32, #tpu.memory_space<vmem>>, vector<16xi32>,
      %get3A_333 = arith.constant 64 : index
      %get3A_334 = tpu.vector_load %arg11[%get3A_333] {strides = array<i32>} : memref<128xi32, #tpu.memory_space<vmem>>, vector<16xi32>,
      %get3A_335 = vector.shape_cast %get3A_334 : vector<16xi32> to vector<16xi32>
      %sub3A_336 = vector.broadcast %mul3A_0 : i32 to vector<16xi32>
      %sub3A_337 = arith.subi %get3A_335, %sub3A_336 : vector<16xi32>
      %lt3A_338 = arith.constant 0 : i32
      %lt3A_339 = vector.broadcast %lt3A_338 : i32 to vector<16xi32>
      %lt3A_340 = arith.cmpi slt, %sub3A_337, %lt3A_339 : vector<16xi32>
      %ge3A_341 = arith.constant 5000 : i32
      %ge3A_342 = vector.broadcast %ge3A_341 : i32 to vector<16xi32>
      %ge3A_343 = arith.cmpi sge, %sub3A_337, %ge3A_342 : vector<16xi32>
      %or3A_344 = arith.ori %lt3A_340, %ge3A_343 : vector<16xi1>
      %select_n3A_345 = arith.select %or3A_344, %add3A_131, %sub3A_337 : vector<16xi1>, vector<16xi32>
      %swap3A_346 = arith.constant 64 : index
      %swap3A_347 = tpu.vector_load %arg11[%swap3A_346] {strides = array<i32>} : memref<128xi32, #tpu.memory_space<vmem>>, vector<16xi32>,
      %swap3A_348 = vector.shape_cast %swap3A_347 : vector<16xi32> to vector<16xi32>
      %swap3A_349 = vector.shape_cast %select_n3A_345 : vector<16xi32> to vector<16xi32>
      tpu.vector_store %arg11[%swap3A_346], %swap3A_349 {strides = array<i32>} : memref<128xi32, #tpu.memory_space<vmem>>, vector<16xi32>,
      %get3A_350 = arith.constant 80 : index
      %get3A_351 = tpu.vector_load %arg11[%get3A_350] {strides = array<i32>} : memref<128xi32, #tpu.memory_space<vmem>>, vector<16xi32>,
      %get3A_352 = vector.shape_cast %get3A_351 : vector<16xi32> to vector<16xi32>
      %sub3A_353 = vector.broadcast %mul3A_0 : i32 to vector<16xi32>
      %sub3A_354 = arith.subi %get3A_352, %sub3A_353 : vector<16xi32>
      %lt3A_355 = arith.constant 0 : i32
      %lt3A_356 = vector.broadcast %lt3A_355 : i32 to vector<16xi32>
      %lt3A_357 = arith.cmpi slt, %sub3A_354, %lt3A_356 : vector<16xi32>
      %ge3A_358 = arith.constant 5000 : i32
      %ge3A_359 = vector.broadcast %ge3A_358 : i32 to vector<16xi32>
      %ge3A_360 = arith.cmpi sge, %sub3A_354, %ge3A_359 : vector<16xi32>
      %or3A_361 = arith.ori %lt3A_357, %ge3A_360 : vector<16xi1>
      %select_n3A_362 = arith.select %or3A_361, %add3A_131, %sub3A_354 : vector<16xi1>, vector<16xi32>
      %swap3A_363 = arith.constant 80 : index
      %swap3A_364 = tpu.vector_load %arg11[%swap3A_363] {strides = array<i32>} : memref<128xi32, #tpu.memory_space<vmem>>, vector<16xi32>,
      %swap3A_365 = vector.shape_cast %swap3A_364 : vector<16xi32> to vector<16xi32>
      %swap3A_366 = vector.shape_cast %select_n3A_362 : vector<16xi32> to vector<16xi32>
      tpu.vector_store %arg11[%swap3A_363], %swap3A_366 {strides = array<i32>} : memref<128xi32, #tpu.memory_space<vmem>>, vector<16xi32>,
      %get3A_367 = arith.constant 96 : index
      %get3A_368 = tpu.vector_load %arg11[%get3A_367] {strides = array<i32>} : memref<128xi32, #tpu.memory_space<vmem>>, vector<16xi32>,
      %get3A_369 = vector.shape_cast %get3A_368 : vector<16xi32> to vector<16xi32>
      %sub3A_370 = vector.broadcast %mul3A_0 : i32 to vector<16xi32>
      %sub3A_371 = arith.subi %get3A_369, %sub3A_370 : vector<16xi32>
      %lt3A_372 = arith.constant 0 : i32
      %lt3A_373 = vector.broadcast %lt3A_372 : i32 to vector<16xi32>
      %lt3A_374 = arith.cmpi slt, %sub3A_371, %lt3A_373 : vector<16xi32>
      %ge3A_375 = arith.constant 5000 : i32
      %ge3A_376 = vector.broadcast %ge3A_375 : i32 to vector<16xi32>
      %ge3A_377 = arith.cmpi sge, %sub3A_371, %ge3A_376 : vector<16xi32>
      %or3A_378 = arith.ori %lt3A_374, %ge3A_377 : vector<16xi1>
      %select_n3A_379 = arith.select %or3A_378, %add3A_131, %sub3A_371 : vector<16xi1>, vector<16xi32>
      %swap3A_380 = arith.constant 96 : index
      %swap3A_381 = tpu.vector_load %arg11[%swap3A_380] {strides = array<i32>} : memref<128xi32, #tpu.memory_space<vmem>>, vector<16xi32>,
      %swap3A_382 = vector.shape_cast %swap3A_381 : vector<16xi32> to vector<16xi32>
      %swap3A_383 = vector.shape_cast %select_n3A_379 : vector<16xi32> to vector<16xi32>
      tpu.vector_store %arg11[%swap3A_380], %swap3A_383 {strides = array<i32>} : memref<128xi32, #tpu.memory_space<vmem>>, vector<16xi32>,
      %get3A_384 = arith.constant 112 : index
      %get3A_385 = tpu.vector_load %arg11[%get3A_384] {strides = array<i32>} : memref<128xi32, #tpu.memory_space<vmem>>, vector<16xi32>,
      %get3A_386 = vector.shape_cast %get3A_385 : vector<16xi32> to vector<16xi32>
      %sub3A_387 = vector.broadcast %mul3A_0 : i32 to vector<16xi32>
      %sub3A_388 = arith.subi %get3A_386, %sub3A_387 : vector<16xi32>
      %lt3A_389 = arith.constant 0 : i32
      %lt3A_390 = vector.broadcast %lt3A_389 : i32 to vector<16xi32>
      %lt3A_391 = arith.cmpi slt, %sub3A_388, %lt3A_390 : vector<16xi32>
      %ge3A_392 = arith.constant 5000 : i32
      %ge3A_393 = vector.broadcast %ge3A_392 : i32 to vector<16xi32>
      %ge3A_394 = arith.cmpi sge, %sub3A_388, %ge3A_393 : vector<16xi32>
      %or3A_395 = arith.ori %lt3A_391, %ge3A_394 : vector<16xi1>
      %select_n3A_396 = arith.select %or3A_395, %add3A_131, %sub3A_388 : vector<16xi1>, vector<16xi32>
      %swap3A_397 = arith.constant 112 : index
      %swap3A_398 = tpu.vector_load %arg11[%swap3A_397] {strides = array<i32>} : memref<128xi32, #tpu.memory_space<vmem>>, vector<16xi32>,
      %swap3A_399 = vector.shape_cast %swap3A_398 : vector<16xi32> to vector<16xi32>
      %swap3A_400 = vector.shape_cast %select_n3A_396 : vector<16xi32> to vector<16xi32>
      tpu.vector_store %arg11[%swap3A_397], %swap3A_400 {strides = array<i32>} : memref<128xi32, #tpu.memory_space<vmem>>, vector<16xi32>,
      %gt3A_401 = arith.constant 0 : i32
      %gt3A_402 = arith.cmpi sgt, %squeeze3A, %gt3A_401 : i32
      %convert_element_type3A_403 = arith.extui %gt3A_402 : i1 to i32
      %cond3A_404 = arith.constant 0 : i32
      %cond3A_405 = arith.cmpi ne, %convert_element_type3A_403, %cond3A_404 : i32
      scf.if %cond3A_405 {
        %dma_wait3A = arith.constant 0 : i32
        %dma_wait3A_700 = arith.constant 0 : i32
        %dma_wait3A_701 = tpu.memref_slice %arg4[%dma_wait3A, %dma_wait3A_700] : memref<10000x128xf32, #tpu.memory_space<hbm>> -> memref<10000x128xf32, #tpu.memory_space<hbm>>
        tpu.wait_indirect_dma semaphore(%arg22 : memref<!tpu.dma_semaphore, #tpu.memory_space<semaphore_mem>>) src(%dma_wait3A_701 : memref<10000x128xf32, #tpu.memory_space<hbm>>) dst(%arg12 : memref<128x128xf32, #tpu.memory_space<vmem>>)
        %dma_wait3A_702 = arith.constant 0 : i32
        %dma_wait3A_703 = arith.constant 0 : i32
        %dma_wait3A_704 = tpu.memref_slice %arg4[%dma_wait3A_702, %dma_wait3A_703] : memref<10000x128xf32, #tpu.memory_space<hbm>> -> memref<10000x128xf32, #tpu.memory_space<hbm>>
        tpu.wait_indirect_dma semaphore(%arg22 : memref<!tpu.dma_semaphore, #tpu.memory_space<semaphore_mem>>) src(%dma_wait3A_704 : memref<10000x128xf32, #tpu.memory_space<hbm>>) dst(%arg13 : memref<128x128xf32, #tpu.memory_space<vmem>>)
        %dma_start3A = arith.constant 0 : i32
        %dma_start3A_705 = arith.constant 0 : i32
        %dma_start3A_706 = tpu.memref_slice %arg21[%dma_start3A, %dma_start3A_705] : memref<5008x128xf32, #tpu.memory_space<vmem_shared>> -> memref<5008x128xf32, #tpu.memory_space<vmem_shared>>
        tpu.enqueue_indirect_dma source(%arg12 : memref<128x128xf32, #tpu.memory_space<vmem>>) target(%dma_start3A_706 : memref<5008x128xf32, #tpu.memory_space<vmem_shared>>) offsets(%arg10 : memref<128xi32, #tpu.memory_space<vmem>>) semaphore(%arg24 : memref<!tpu.dma_semaphore, #tpu.memory_space<semaphore_mem>>) {add = true}
        %dma_start3A_707 = arith.constant 0 : i32
        %dma_start3A_708 = arith.constant 0 : i32
        %dma_start3A_709 = tpu.memref_slice %arg21[%dma_start3A_707, %dma_start3A_708] : memref<5008x128xf32, #tpu.memory_space<vmem_shared>> -> memref<5008x128xf32, #tpu.memory_space<vmem_shared>>
        tpu.enqueue_indirect_dma source(%arg13 : memref<128x128xf32, #tpu.memory_space<vmem>>) target(%dma_start3A_709 : memref<5008x128xf32, #tpu.memory_space<vmem_shared>>) offsets(%arg11 : memref<128xi32, #tpu.memory_space<vmem>>) semaphore(%arg24 : memref<!tpu.dma_semaphore, #tpu.memory_space<semaphore_mem>>) {add = true}
      } else {
      }
      %eq3A_406 = arith.constant 0 : i32
      %eq3A_407 = arith.cmpi eq, %squeeze3A, %eq3A_406 : i32
      %convert_element_type3A_408 = arith.extui %eq3A_407 : i1 to i32
      %cond3A_409 = arith.constant 0 : i32
      %cond3A_410 = arith.cmpi ne, %convert_element_type3A_408, %cond3A_409 : i32
      scf.if %cond3A_410 {
        %dma_start3A = arith.constant 0 : i32
        %dma_start3A_700 = arith.constant 0 : i32
        %dma_start3A_701 = tpu.memref_slice %arg21[%dma_start3A, %dma_start3A_700] : memref<5008x128xf32, #tpu.memory_space<vmem_shared>> -> memref<5008x128xf32, #tpu.memory_space<vmem_shared>>
        tpu.enqueue_indirect_dma source(%arg12 : memref<128x128xf32, #tpu.memory_space<vmem>>) target(%dma_start3A_701 : memref<5008x128xf32, #tpu.memory_space<vmem_shared>>) offsets(%arg10 : memref<128xi32, #tpu.memory_space<vmem>>) semaphore(%arg24 : memref<!tpu.dma_semaphore, #tpu.memory_space<semaphore_mem>>) {add = true}
        %dma_start3A_702 = arith.constant 0 : i32
        %dma_start3A_703 = arith.constant 0 : i32
        %dma_start3A_704 = tpu.memref_slice %arg21[%dma_start3A_702, %dma_start3A_703] : memref<5008x128xf32, #tpu.memory_space<vmem_shared>> -> memref<5008x128xf32, #tpu.memory_space<vmem_shared>>
        tpu.enqueue_indirect_dma source(%arg12 : memref<128x128xf32, #tpu.memory_space<vmem>>) target(%dma_start3A_704 : memref<5008x128xf32, #tpu.memory_space<vmem_shared>>) offsets(%arg11 : memref<128xi32, #tpu.memory_space<vmem>>) semaphore(%arg24 : memref<!tpu.dma_semaphore, #tpu.memory_space<semaphore_mem>>) {add = true}
      } else {
      }
      %iota3A_411 = tpu.iota {dimensions = array<i32: 0>} : vector<16xi32>
      %and3A_412 = arith.constant 7 : i32
      %and3A_413 = vector.broadcast %and3A_412 : i32 to vector<16xi32>
      %and3A_414 = arith.andi %iota3A_411, %and3A_413 : vector<16xi32>
      %add3A_415 = arith.constant 5000 : i32
      %add3A_416 = vector.broadcast %add3A_415 : i32 to vector<16xi32>
      %add3A_417 = arith.addi %add3A_416, %and3A_414 : vector<16xi32>
      %get3A_418 = arith.constant 0 : index
      %get3A_419 = tpu.vector_load %arg16[%get3A_418] {strides = array<i32>} : memref<128xi32, #tpu.memory_space<vmem>>, vector<16xi32>,
      %get3A_420 = vector.shape_cast %get3A_419 : vector<16xi32> to vector<16xi32>
      %sub3A_421 = vector.broadcast %mul3A_0 : i32 to vector<16xi32>
      %sub3A_422 = arith.subi %get3A_420, %sub3A_421 : vector<16xi32>
      %lt3A_423 = arith.constant 0 : i32
      %lt3A_424 = vector.broadcast %lt3A_423 : i32 to vector<16xi32>
      %lt3A_425 = arith.cmpi slt, %sub3A_422, %lt3A_424 : vector<16xi32>
      %ge3A_426 = arith.constant 5000 : i32
      %ge3A_427 = vector.broadcast %ge3A_426 : i32 to vector<16xi32>
      %ge3A_428 = arith.cmpi sge, %sub3A_422, %ge3A_427 : vector<16xi32>
      %or3A_429 = arith.ori %lt3A_425, %ge3A_428 : vector<16xi1>
      %select_n3A_430 = arith.select %or3A_429, %add3A_417, %sub3A_422 : vector<16xi1>, vector<16xi32>
      %swap3A_431 = arith.constant 0 : index
      %swap3A_432 = tpu.vector_load %arg16[%swap3A_431] {strides = array<i32>} : memref<128xi32, #tpu.memory_space<vmem>>, vector<16xi32>,
      %swap3A_433 = vector.shape_cast %swap3A_432 : vector<16xi32> to vector<16xi32>
      %swap3A_434 = vector.shape_cast %select_n3A_430 : vector<16xi32> to vector<16xi32>
      tpu.vector_store %arg16[%swap3A_431], %swap3A_434 {strides = array<i32>} : memref<128xi32, #tpu.memory_space<vmem>>, vector<16xi32>,
      %get3A_435 = arith.constant 16 : index
      %get3A_436 = tpu.vector_load %arg16[%get3A_435] {strides = array<i32>} : memref<128xi32, #tpu.memory_space<vmem>>, vector<16xi32>,
      %get3A_437 = vector.shape_cast %get3A_436 : vector<16xi32> to vector<16xi32>
      %sub3A_438 = vector.broadcast %mul3A_0 : i32 to vector<16xi32>
      %sub3A_439 = arith.subi %get3A_437, %sub3A_438 : vector<16xi32>
      %lt3A_440 = arith.constant 0 : i32
      %lt3A_441 = vector.broadcast %lt3A_440 : i32 to vector<16xi32>
      %lt3A_442 = arith.cmpi slt, %sub3A_439, %lt3A_441 : vector<16xi32>
      %ge3A_443 = arith.constant 5000 : i32
      %ge3A_444 = vector.broadcast %ge3A_443 : i32 to vector<16xi32>
      %ge3A_445 = arith.cmpi sge, %sub3A_439, %ge3A_444 : vector<16xi32>
      %or3A_446 = arith.ori %lt3A_442, %ge3A_445 : vector<16xi1>
      %select_n3A_447 = arith.select %or3A_446, %add3A_417, %sub3A_439 : vector<16xi1>, vector<16xi32>
      %swap3A_448 = arith.constant 16 : index
      %swap3A_449 = tpu.vector_load %arg16[%swap3A_448] {strides = array<i32>} : memref<128xi32, #tpu.memory_space<vmem>>, vector<16xi32>,
      %swap3A_450 = vector.shape_cast %swap3A_449 : vector<16xi32> to vector<16xi32>
      %swap3A_451 = vector.shape_cast %select_n3A_447 : vector<16xi32> to vector<16xi32>
      tpu.vector_store %arg16[%swap3A_448], %swap3A_451 {strides = array<i32>} : memref<128xi32, #tpu.memory_space<vmem>>, vector<16xi32>,
      %get3A_452 = arith.constant 32 : index
      %get3A_453 = tpu.vector_load %arg16[%get3A_452] {strides = array<i32>} : memref<128xi32, #tpu.memory_space<vmem>>, vector<16xi32>,
      %get3A_454 = vector.shape_cast %get3A_453 : vector<16xi32> to vector<16xi32>
      %sub3A_455 = vector.broadcast %mul3A_0 : i32 to vector<16xi32>
      %sub3A_456 = arith.subi %get3A_454, %sub3A_455 : vector<16xi32>
      %lt3A_457 = arith.constant 0 : i32
      %lt3A_458 = vector.broadcast %lt3A_457 : i32 to vector<16xi32>
      %lt3A_459 = arith.cmpi slt, %sub3A_456, %lt3A_458 : vector<16xi32>
      %ge3A_460 = arith.constant 5000 : i32
      %ge3A_461 = vector.broadcast %ge3A_460 : i32 to vector<16xi32>
      %ge3A_462 = arith.cmpi sge, %sub3A_456, %ge3A_461 : vector<16xi32>
      %or3A_463 = arith.ori %lt3A_459, %ge3A_462 : vector<16xi1>
      %select_n3A_464 = arith.select %or3A_463, %add3A_417, %sub3A_456 : vector<16xi1>, vector<16xi32>
      %swap3A_465 = arith.constant 32 : index
      %swap3A_466 = tpu.vector_load %arg16[%swap3A_465] {strides = array<i32>} : memref<128xi32, #tpu.memory_space<vmem>>, vector<16xi32>,
      %swap3A_467 = vector.shape_cast %swap3A_466 : vector<16xi32> to vector<16xi32>
      %swap3A_468 = vector.shape_cast %select_n3A_464 : vector<16xi32> to vector<16xi32>
      tpu.vector_store %arg16[%swap3A_465], %swap3A_468 {strides = array<i32>} : memref<128xi32, #tpu.memory_space<vmem>>, vector<16xi32>,
      %get3A_469 = arith.constant 48 : index
      %get3A_470 = tpu.vector_load %arg16[%get3A_469] {strides = array<i32>} : memref<128xi32, #tpu.memory_space<vmem>>, vector<16xi32>,
      %get3A_471 = vector.shape_cast %get3A_470 : vector<16xi32> to vector<16xi32>
      %sub3A_472 = vector.broadcast %mul3A_0 : i32 to vector<16xi32>
      %sub3A_473 = arith.subi %get3A_471, %sub3A_472 : vector<16xi32>
      %lt3A_474 = arith.constant 0 : i32
      %lt3A_475 = vector.broadcast %lt3A_474 : i32 to vector<16xi32>
      %lt3A_476 = arith.cmpi slt, %sub3A_473, %lt3A_475 : vector<16xi32>
      %ge3A_477 = arith.constant 5000 : i32
      %ge3A_478 = vector.broadcast %ge3A_477 : i32 to vector<16xi32>
      %ge3A_479 = arith.cmpi sge, %sub3A_473, %ge3A_478 : vector<16xi32>
      %or3A_480 = arith.ori %lt3A_476, %ge3A_479 : vector<16xi1>
      %select_n3A_481 = arith.select %or3A_480, %add3A_417, %sub3A_473 : vector<16xi1>, vector<16xi32>
      %swap3A_482 = arith.constant 48 : index
      %swap3A_483 = tpu.vector_load %arg16[%swap3A_482] {strides = array<i32>} : memref<128xi32, #tpu.memory_space<vmem>>, vector<16xi32>,
      %swap3A_484 = vector.shape_cast %swap3A_483 : vector<16xi32> to vector<16xi32>
      %swap3A_485 = vector.shape_cast %select_n3A_481 : vector<16xi32> to vector<16xi32>
      tpu.vector_store %arg16[%swap3A_482], %swap3A_485 {strides = array<i32>} : memref<128xi32, #tpu.memory_space<vmem>>, vector<16xi32>,
      %get3A_486 = arith.constant 64 : index
      %get3A_487 = tpu.vector_load %arg16[%get3A_486] {strides = array<i32>} : memref<128xi32, #tpu.memory_space<vmem>>, vector<16xi32>,
      %get3A_488 = vector.shape_cast %get3A_487 : vector<16xi32> to vector<16xi32>
      %sub3A_489 = vector.broadcast %mul3A_0 : i32 to vector<16xi32>
      %sub3A_490 = arith.subi %get3A_488, %sub3A_489 : vector<16xi32>
      %lt3A_491 = arith.constant 0 : i32
      %lt3A_492 = vector.broadcast %lt3A_491 : i32 to vector<16xi32>
      %lt3A_493 = arith.cmpi slt, %sub3A_490, %lt3A_492 : vector<16xi32>
      %ge3A_494 = arith.constant 5000 : i32
      %ge3A_495 = vector.broadcast %ge3A_494 : i32 to vector<16xi32>
      %ge3A_496 = arith.cmpi sge, %sub3A_490, %ge3A_495 : vector<16xi32>
      %or3A_497 = arith.ori %lt3A_493, %ge3A_496 : vector<16xi1>
      %select_n3A_498 = arith.select %or3A_497, %add3A_417, %sub3A_490 : vector<16xi1>, vector<16xi32>
      %swap3A_499 = arith.constant 64 : index
      %swap3A_500 = tpu.vector_load %arg16[%swap3A_499] {strides = array<i32>} : memref<128xi32, #tpu.memory_space<vmem>>, vector<16xi32>,
      %swap3A_501 = vector.shape_cast %swap3A_500 : vector<16xi32> to vector<16xi32>
      %swap3A_502 = vector.shape_cast %select_n3A_498 : vector<16xi32> to vector<16xi32>
      tpu.vector_store %arg16[%swap3A_499], %swap3A_502 {strides = array<i32>} : memref<128xi32, #tpu.memory_space<vmem>>, vector<16xi32>,
      %get3A_503 = arith.constant 80 : index
      %get3A_504 = tpu.vector_load %arg16[%get3A_503] {strides = array<i32>} : memref<128xi32, #tpu.memory_space<vmem>>, vector<16xi32>,
      %get3A_505 = vector.shape_cast %get3A_504 : vector<16xi32> to vector<16xi32>
      %sub3A_506 = vector.broadcast %mul3A_0 : i32 to vector<16xi32>
      %sub3A_507 = arith.subi %get3A_505, %sub3A_506 : vector<16xi32>
      %lt3A_508 = arith.constant 0 : i32
      %lt3A_509 = vector.broadcast %lt3A_508 : i32 to vector<16xi32>
      %lt3A_510 = arith.cmpi slt, %sub3A_507, %lt3A_509 : vector<16xi32>
      %ge3A_511 = arith.constant 5000 : i32
      %ge3A_512 = vector.broadcast %ge3A_511 : i32 to vector<16xi32>
      %ge3A_513 = arith.cmpi sge, %sub3A_507, %ge3A_512 : vector<16xi32>
      %or3A_514 = arith.ori %lt3A_510, %ge3A_513 : vector<16xi1>
      %select_n3A_515 = arith.select %or3A_514, %add3A_417, %sub3A_507 : vector<16xi1>, vector<16xi32>
      %swap3A_516 = arith.constant 80 : index
      %swap3A_517 = tpu.vector_load %arg16[%swap3A_516] {strides = array<i32>} : memref<128xi32, #tpu.memory_space<vmem>>, vector<16xi32>,
      %swap3A_518 = vector.shape_cast %swap3A_517 : vector<16xi32> to vector<16xi32>
      %swap3A_519 = vector.shape_cast %select_n3A_515 : vector<16xi32> to vector<16xi32>
      tpu.vector_store %arg16[%swap3A_516], %swap3A_519 {strides = array<i32>} : memref<128xi32, #tpu.memory_space<vmem>>, vector<16xi32>,
      %get3A_520 = arith.constant 96 : index
      %get3A_521 = tpu.vector_load %arg16[%get3A_520] {strides = array<i32>} : memref<128xi32, #tpu.memory_space<vmem>>, vector<16xi32>,
      %get3A_522 = vector.shape_cast %get3A_521 : vector<16xi32> to vector<16xi32>
      %sub3A_523 = vector.broadcast %mul3A_0 : i32 to vector<16xi32>
      %sub3A_524 = arith.subi %get3A_522, %sub3A_523 : vector<16xi32>
      %lt3A_525 = arith.constant 0 : i32
      %lt3A_526 = vector.broadcast %lt3A_525 : i32 to vector<16xi32>
      %lt3A_527 = arith.cmpi slt, %sub3A_524, %lt3A_526 : vector<16xi32>
      %ge3A_528 = arith.constant 5000 : i32
      %ge3A_529 = vector.broadcast %ge3A_528 : i32 to vector<16xi32>
      %ge3A_530 = arith.cmpi sge, %sub3A_524, %ge3A_529 : vector<16xi32>
      %or3A_531 = arith.ori %lt3A_527, %ge3A_530 : vector<16xi1>
      %select_n3A_532 = arith.select %or3A_531, %add3A_417, %sub3A_524 : vector<16xi1>, vector<16xi32>
      %swap3A_533 = arith.constant 96 : index
      %swap3A_534 = tpu.vector_load %arg16[%swap3A_533] {strides = array<i32>} : memref<128xi32, #tpu.memory_space<vmem>>, vector<16xi32>,
      %swap3A_535 = vector.shape_cast %swap3A_534 : vector<16xi32> to vector<16xi32>
      %swap3A_536 = vector.shape_cast %select_n3A_532 : vector<16xi32> to vector<16xi32>
      tpu.vector_store %arg16[%swap3A_533], %swap3A_536 {strides = array<i32>} : memref<128xi32, #tpu.memory_space<vmem>>, vector<16xi32>,
      %get3A_537 = arith.constant 112 : index
      %get3A_538 = tpu.vector_load %arg16[%get3A_537] {strides = array<i32>} : memref<128xi32, #tpu.memory_space<vmem>>, vector<16xi32>,
      %get3A_539 = vector.shape_cast %get3A_538 : vector<16xi32> to vector<16xi32>
      %sub3A_540 = vector.broadcast %mul3A_0 : i32 to vector<16xi32>
      %sub3A_541 = arith.subi %get3A_539, %sub3A_540 : vector<16xi32>
      %lt3A_542 = arith.constant 0 : i32
      %lt3A_543 = vector.broadcast %lt3A_542 : i32 to vector<16xi32>
      %lt3A_544 = arith.cmpi slt, %sub3A_541, %lt3A_543 : vector<16xi32>
      %ge3A_545 = arith.constant 5000 : i32
      %ge3A_546 = vector.broadcast %ge3A_545 : i32 to vector<16xi32>
      %ge3A_547 = arith.cmpi sge, %sub3A_541, %ge3A_546 : vector<16xi32>
      %or3A_548 = arith.ori %lt3A_544, %ge3A_547 : vector<16xi1>
      %select_n3A_549 = arith.select %or3A_548, %add3A_417, %sub3A_541 : vector<16xi1>, vector<16xi32>
      %swap3A_550 = arith.constant 112 : index
      %swap3A_551 = tpu.vector_load %arg16[%swap3A_550] {strides = array<i32>} : memref<128xi32, #tpu.memory_space<vmem>>, vector<16xi32>,
      %swap3A_552 = vector.shape_cast %swap3A_551 : vector<16xi32> to vector<16xi32>
      %swap3A_553 = vector.shape_cast %select_n3A_549 : vector<16xi32> to vector<16xi32>
      tpu.vector_store %arg16[%swap3A_550], %swap3A_553 {strides = array<i32>} : memref<128xi32, #tpu.memory_space<vmem>>, vector<16xi32>,
      %get3A_554 = arith.constant 0 : index
      %get3A_555 = tpu.vector_load %arg17[%get3A_554] {strides = array<i32>} : memref<128xi32, #tpu.memory_space<vmem>>, vector<16xi32>,
      %get3A_556 = vector.shape_cast %get3A_555 : vector<16xi32> to vector<16xi32>
      %sub3A_557 = vector.broadcast %mul3A_0 : i32 to vector<16xi32>
      %sub3A_558 = arith.subi %get3A_556, %sub3A_557 : vector<16xi32>
      %lt3A_559 = arith.constant 0 : i32
      %lt3A_560 = vector.broadcast %lt3A_559 : i32 to vector<16xi32>
      %lt3A_561 = arith.cmpi slt, %sub3A_558, %lt3A_560 : vector<16xi32>
      %ge3A_562 = arith.constant 5000 : i32
      %ge3A_563 = vector.broadcast %ge3A_562 : i32 to vector<16xi32>
      %ge3A_564 = arith.cmpi sge, %sub3A_558, %ge3A_563 : vector<16xi32>
      %or3A_565 = arith.ori %lt3A_561, %ge3A_564 : vector<16xi1>
      %select_n3A_566 = arith.select %or3A_565, %add3A_417, %sub3A_558 : vector<16xi1>, vector<16xi32>
      %swap3A_567 = arith.constant 0 : index
      %swap3A_568 = tpu.vector_load %arg17[%swap3A_567] {strides = array<i32>} : memref<128xi32, #tpu.memory_space<vmem>>, vector<16xi32>,
      %swap3A_569 = vector.shape_cast %swap3A_568 : vector<16xi32> to vector<16xi32>
      %swap3A_570 = vector.shape_cast %select_n3A_566 : vector<16xi32> to vector<16xi32>
      tpu.vector_store %arg17[%swap3A_567], %swap3A_570 {strides = array<i32>} : memref<128xi32, #tpu.memory_space<vmem>>, vector<16xi32>,
      %get3A_571 = arith.constant 16 : index
      %get3A_572 = tpu.vector_load %arg17[%get3A_571] {strides = array<i32>} : memref<128xi32, #tpu.memory_space<vmem>>, vector<16xi32>,
      %get3A_573 = vector.shape_cast %get3A_572 : vector<16xi32> to vector<16xi32>
      %sub3A_574 = vector.broadcast %mul3A_0 : i32 to vector<16xi32>
      %sub3A_575 = arith.subi %get3A_573, %sub3A_574 : vector<16xi32>
      %lt3A_576 = arith.constant 0 : i32
      %lt3A_577 = vector.broadcast %lt3A_576 : i32 to vector<16xi32>
      %lt3A_578 = arith.cmpi slt, %sub3A_575, %lt3A_577 : vector<16xi32>
      %ge3A_579 = arith.constant 5000 : i32
      %ge3A_580 = vector.broadcast %ge3A_579 : i32 to vector<16xi32>
      %ge3A_581 = arith.cmpi sge, %sub3A_575, %ge3A_580 : vector<16xi32>
      %or3A_582 = arith.ori %lt3A_578, %ge3A_581 : vector<16xi1>
      %select_n3A_583 = arith.select %or3A_582, %add3A_417, %sub3A_575 : vector<16xi1>, vector<16xi32>
      %swap3A_584 = arith.constant 16 : index
      %swap3A_585 = tpu.vector_load %arg17[%swap3A_584] {strides = array<i32>} : memref<128xi32, #tpu.memory_space<vmem>>, vector<16xi32>,
      %swap3A_586 = vector.shape_cast %swap3A_585 : vector<16xi32> to vector<16xi32>
      %swap3A_587 = vector.shape_cast %select_n3A_583 : vector<16xi32> to vector<16xi32>
      tpu.vector_store %arg17[%swap3A_584], %swap3A_587 {strides = array<i32>} : memref<128xi32, #tpu.memory_space<vmem>>, vector<16xi32>,
      %get3A_588 = arith.constant 32 : index
      %get3A_589 = tpu.vector_load %arg17[%get3A_588] {strides = array<i32>} : memref<128xi32, #tpu.memory_space<vmem>>, vector<16xi32>,
      %get3A_590 = vector.shape_cast %get3A_589 : vector<16xi32> to vector<16xi32>
      %sub3A_591 = vector.broadcast %mul3A_0 : i32 to vector<16xi32>
      %sub3A_592 = arith.subi %get3A_590, %sub3A_591 : vector<16xi32>
      %lt3A_593 = arith.constant 0 : i32
      %lt3A_594 = vector.broadcast %lt3A_593 : i32 to vector<16xi32>
      %lt3A_595 = arith.cmpi slt, %sub3A_592, %lt3A_594 : vector<16xi32>
      %ge3A_596 = arith.constant 5000 : i32
      %ge3A_597 = vector.broadcast %ge3A_596 : i32 to vector<16xi32>
      %ge3A_598 = arith.cmpi sge, %sub3A_592, %ge3A_597 : vector<16xi32>
      %or3A_599 = arith.ori %lt3A_595, %ge3A_598 : vector<16xi1>
      %select_n3A_600 = arith.select %or3A_599, %add3A_417, %sub3A_592 : vector<16xi1>, vector<16xi32>
      %swap3A_601 = arith.constant 32 : index
      %swap3A_602 = tpu.vector_load %arg17[%swap3A_601] {strides = array<i32>} : memref<128xi32, #tpu.memory_space<vmem>>, vector<16xi32>,
      %swap3A_603 = vector.shape_cast %swap3A_602 : vector<16xi32> to vector<16xi32>
      %swap3A_604 = vector.shape_cast %select_n3A_600 : vector<16xi32> to vector<16xi32>
      tpu.vector_store %arg17[%swap3A_601], %swap3A_604 {strides = array<i32>} : memref<128xi32, #tpu.memory_space<vmem>>, vector<16xi32>,
      %get3A_605 = arith.constant 48 : index
      %get3A_606 = tpu.vector_load %arg17[%get3A_605] {strides = array<i32>} : memref<128xi32, #tpu.memory_space<vmem>>, vector<16xi32>,
      %get3A_607 = vector.shape_cast %get3A_606 : vector<16xi32> to vector<16xi32>
      %sub3A_608 = vector.broadcast %mul3A_0 : i32 to vector<16xi32>
      %sub3A_609 = arith.subi %get3A_607, %sub3A_608 : vector<16xi32>
      %lt3A_610 = arith.constant 0 : i32
      %lt3A_611 = vector.broadcast %lt3A_610 : i32 to vector<16xi32>
      %lt3A_612 = arith.cmpi slt, %sub3A_609, %lt3A_611 : vector<16xi32>
      %ge3A_613 = arith.constant 5000 : i32
      %ge3A_614 = vector.broadcast %ge3A_613 : i32 to vector<16xi32>
      %ge3A_615 = arith.cmpi sge, %sub3A_609, %ge3A_614 : vector<16xi32>
      %or3A_616 = arith.ori %lt3A_612, %ge3A_615 : vector<16xi1>
      %select_n3A_617 = arith.select %or3A_616, %add3A_417, %sub3A_609 : vector<16xi1>, vector<16xi32>
      %swap3A_618 = arith.constant 48 : index
      %swap3A_619 = tpu.vector_load %arg17[%swap3A_618] {strides = array<i32>} : memref<128xi32, #tpu.memory_space<vmem>>, vector<16xi32>,
      %swap3A_620 = vector.shape_cast %swap3A_619 : vector<16xi32> to vector<16xi32>
      %swap3A_621 = vector.shape_cast %select_n3A_617 : vector<16xi32> to vector<16xi32>
      tpu.vector_store %arg17[%swap3A_618], %swap3A_621 {strides = array<i32>} : memref<128xi32, #tpu.memory_space<vmem>>, vector<16xi32>,
      %get3A_622 = arith.constant 64 : index
      %get3A_623 = tpu.vector_load %arg17[%get3A_622] {strides = array<i32>} : memref<128xi32, #tpu.memory_space<vmem>>, vector<16xi32>,
      %get3A_624 = vector.shape_cast %get3A_623 : vector<16xi32> to vector<16xi32>
      %sub3A_625 = vector.broadcast %mul3A_0 : i32 to vector<16xi32>
      %sub3A_626 = arith.subi %get3A_624, %sub3A_625 : vector<16xi32>
      %lt3A_627 = arith.constant 0 : i32
      %lt3A_628 = vector.broadcast %lt3A_627 : i32 to vector<16xi32>
      %lt3A_629 = arith.cmpi slt, %sub3A_626, %lt3A_628 : vector<16xi32>
      %ge3A_630 = arith.constant 5000 : i32
      %ge3A_631 = vector.broadcast %ge3A_630 : i32 to vector<16xi32>
      %ge3A_632 = arith.cmpi sge, %sub3A_626, %ge3A_631 : vector<16xi32>
      %or3A_633 = arith.ori %lt3A_629, %ge3A_632 : vector<16xi1>
      %select_n3A_634 = arith.select %or3A_633, %add3A_417, %sub3A_626 : vector<16xi1>, vector<16xi32>
      %swap3A_635 = arith.constant 64 : index
      %swap3A_636 = tpu.vector_load %arg17[%swap3A_635] {strides = array<i32>} : memref<128xi32, #tpu.memory_space<vmem>>, vector<16xi32>,
      %swap3A_637 = vector.shape_cast %swap3A_636 : vector<16xi32> to vector<16xi32>
      %swap3A_638 = vector.shape_cast %select_n3A_634 : vector<16xi32> to vector<16xi32>
      tpu.vector_store %arg17[%swap3A_635], %swap3A_638 {strides = array<i32>} : memref<128xi32, #tpu.memory_space<vmem>>, vector<16xi32>,
      %get3A_639 = arith.constant 80 : index
      %get3A_640 = tpu.vector_load %arg17[%get3A_639] {strides = array<i32>} : memref<128xi32, #tpu.memory_space<vmem>>, vector<16xi32>,
      %get3A_641 = vector.shape_cast %get3A_640 : vector<16xi32> to vector<16xi32>
      %sub3A_642 = vector.broadcast %mul3A_0 : i32 to vector<16xi32>
      %sub3A_643 = arith.subi %get3A_641, %sub3A_642 : vector<16xi32>
      %lt3A_644 = arith.constant 0 : i32
      %lt3A_645 = vector.broadcast %lt3A_644 : i32 to vector<16xi32>
      %lt3A_646 = arith.cmpi slt, %sub3A_643, %lt3A_645 : vector<16xi32>
      %ge3A_647 = arith.constant 5000 : i32
      %ge3A_648 = vector.broadcast %ge3A_647 : i32 to vector<16xi32>
      %ge3A_649 = arith.cmpi sge, %sub3A_643, %ge3A_648 : vector<16xi32>
      %or3A_650 = arith.ori %lt3A_646, %ge3A_649 : vector<16xi1>
      %select_n3A_651 = arith.select %or3A_650, %add3A_417, %sub3A_643 : vector<16xi1>, vector<16xi32>
      %swap3A_652 = arith.constant 80 : index
      %swap3A_653 = tpu.vector_load %arg17[%swap3A_652] {strides = array<i32>} : memref<128xi32, #tpu.memory_space<vmem>>, vector<16xi32>,
      %swap3A_654 = vector.shape_cast %swap3A_653 : vector<16xi32> to vector<16xi32>
      %swap3A_655 = vector.shape_cast %select_n3A_651 : vector<16xi32> to vector<16xi32>
      tpu.vector_store %arg17[%swap3A_652], %swap3A_655 {strides = array<i32>} : memref<128xi32, #tpu.memory_space<vmem>>, vector<16xi32>,
      %get3A_656 = arith.constant 96 : index
      %get3A_657 = tpu.vector_load %arg17[%get3A_656] {strides = array<i32>} : memref<128xi32, #tpu.memory_space<vmem>>, vector<16xi32>,
      %get3A_658 = vector.shape_cast %get3A_657 : vector<16xi32> to vector<16xi32>
      %sub3A_659 = vector.broadcast %mul3A_0 : i32 to vector<16xi32>
      %sub3A_660 = arith.subi %get3A_658, %sub3A_659 : vector<16xi32>
      %lt3A_661 = arith.constant 0 : i32
      %lt3A_662 = vector.broadcast %lt3A_661 : i32 to vector<16xi32>
      %lt3A_663 = arith.cmpi slt, %sub3A_660, %lt3A_662 : vector<16xi32>
      %ge3A_664 = arith.constant 5000 : i32
      %ge3A_665 = vector.broadcast %ge3A_664 : i32 to vector<16xi32>
      %ge3A_666 = arith.cmpi sge, %sub3A_660, %ge3A_665 : vector<16xi32>
      %or3A_667 = arith.ori %lt3A_663, %ge3A_666 : vector<16xi1>
      %select_n3A_668 = arith.select %or3A_667, %add3A_417, %sub3A_660 : vector<16xi1>, vector<16xi32>
      %swap3A_669 = arith.constant 96 : index
      %swap3A_670 = tpu.vector_load %arg17[%swap3A_669] {strides = array<i32>} : memref<128xi32, #tpu.memory_space<vmem>>, vector<16xi32>,
      %swap3A_671 = vector.shape_cast %swap3A_670 : vector<16xi32> to vector<16xi32>
      %swap3A_672 = vector.shape_cast %select_n3A_668 : vector<16xi32> to vector<16xi32>
      tpu.vector_store %arg17[%swap3A_669], %swap3A_672 {strides = array<i32>} : memref<128xi32, #tpu.memory_space<vmem>>, vector<16xi32>,
      %get3A_673 = arith.constant 112 : index
      %get3A_674 = tpu.vector_load %arg17[%get3A_673] {strides = array<i32>} : memref<128xi32, #tpu.memory_space<vmem>>, vector<16xi32>,
      %get3A_675 = vector.shape_cast %get3A_674 : vector<16xi32> to vector<16xi32>
      %sub3A_676 = vector.broadcast %mul3A_0 : i32 to vector<16xi32>
      %sub3A_677 = arith.subi %get3A_675, %sub3A_676 : vector<16xi32>
      %lt3A_678 = arith.constant 0 : i32
      %lt3A_679 = vector.broadcast %lt3A_678 : i32 to vector<16xi32>
      %lt3A_680 = arith.cmpi slt, %sub3A_677, %lt3A_679 : vector<16xi32>
      %ge3A_681 = arith.constant 5000 : i32
      %ge3A_682 = vector.broadcast %ge3A_681 : i32 to vector<16xi32>
      %ge3A_683 = arith.cmpi sge, %sub3A_677, %ge3A_682 : vector<16xi32>
      %or3A_684 = arith.ori %lt3A_680, %ge3A_683 : vector<16xi1>
      %select_n3A_685 = arith.select %or3A_684, %add3A_417, %sub3A_677 : vector<16xi1>, vector<16xi32>
      %swap3A_686 = arith.constant 112 : index
      %swap3A_687 = tpu.vector_load %arg17[%swap3A_686] {strides = array<i32>} : memref<128xi32, #tpu.memory_space<vmem>>, vector<16xi32>,
      %swap3A_688 = vector.shape_cast %swap3A_687 : vector<16xi32> to vector<16xi32>
      %swap3A_689 = vector.shape_cast %select_n3A_685 : vector<16xi32> to vector<16xi32>
      tpu.vector_store %arg17[%swap3A_686], %swap3A_689 {strides = array<i32>} : memref<128xi32, #tpu.memory_space<vmem>>, vector<16xi32>,
      %gt3A_690 = arith.constant 0 : i32
      %gt3A_691 = arith.cmpi sgt, %squeeze3A, %gt3A_690 : i32
      %convert_element_type3A_692 = arith.extui %gt3A_691 : i1 to i32
      %cond3A_693 = arith.constant 0 : i32
      %cond3A_694 = arith.cmpi ne, %convert_element_type3A_692, %cond3A_693 : i32
      scf.if %cond3A_694 {
        %dma_wait3A = arith.constant 0 : i32
        %dma_wait3A_700 = arith.constant 0 : i32
        %dma_wait3A_701 = tpu.memref_slice %arg4[%dma_wait3A, %dma_wait3A_700] : memref<10000x128xf32, #tpu.memory_space<hbm>> -> memref<10000x128xf32, #tpu.memory_space<hbm>>
        tpu.wait_indirect_dma semaphore(%arg23 : memref<!tpu.dma_semaphore, #tpu.memory_space<semaphore_mem>>) src(%dma_wait3A_701 : memref<10000x128xf32, #tpu.memory_space<hbm>>) dst(%arg18 : memref<128x128xf32, #tpu.memory_space<vmem>>)
        %dma_wait3A_702 = arith.constant 0 : i32
        %dma_wait3A_703 = arith.constant 0 : i32
        %dma_wait3A_704 = tpu.memref_slice %arg4[%dma_wait3A_702, %dma_wait3A_703] : memref<10000x128xf32, #tpu.memory_space<hbm>> -> memref<10000x128xf32, #tpu.memory_space<hbm>>
        tpu.wait_indirect_dma semaphore(%arg23 : memref<!tpu.dma_semaphore, #tpu.memory_space<semaphore_mem>>) src(%dma_wait3A_704 : memref<10000x128xf32, #tpu.memory_space<hbm>>) dst(%arg19 : memref<128x128xf32, #tpu.memory_space<vmem>>)
        %dma_start3A = arith.constant 0 : i32
        %dma_start3A_705 = arith.constant 0 : i32
        %dma_start3A_706 = tpu.memref_slice %arg21[%dma_start3A, %dma_start3A_705] : memref<5008x128xf32, #tpu.memory_space<vmem_shared>> -> memref<5008x128xf32, #tpu.memory_space<vmem_shared>>
        tpu.enqueue_indirect_dma source(%arg18 : memref<128x128xf32, #tpu.memory_space<vmem>>) target(%dma_start3A_706 : memref<5008x128xf32, #tpu.memory_space<vmem_shared>>) offsets(%arg16 : memref<128xi32, #tpu.memory_space<vmem>>) semaphore(%arg25 : memref<!tpu.dma_semaphore, #tpu.memory_space<semaphore_mem>>) {add = true}
        %dma_start3A_707 = arith.constant 0 : i32
        %dma_start3A_708 = arith.constant 0 : i32
        %dma_start3A_709 = tpu.memref_slice %arg21[%dma_start3A_707, %dma_start3A_708] : memref<5008x128xf32, #tpu.memory_space<vmem_shared>> -> memref<5008x128xf32, #tpu.memory_space<vmem_shared>>
        tpu.enqueue_indirect_dma source(%arg19 : memref<128x128xf32, #tpu.memory_space<vmem>>) target(%dma_start3A_709 : memref<5008x128xf32, #tpu.memory_space<vmem_shared>>) offsets(%arg17 : memref<128xi32, #tpu.memory_space<vmem>>) semaphore(%arg25 : memref<!tpu.dma_semaphore, #tpu.memory_space<semaphore_mem>>) {add = true}
      } else {
      }
      %eq3A_695 = arith.constant 0 : i32
      %eq3A_696 = arith.cmpi eq, %squeeze3A, %eq3A_695 : i32
      %convert_element_type3A_697 = arith.extui %eq3A_696 : i1 to i32
      %cond3A_698 = arith.constant 0 : i32
      %cond3A_699 = arith.cmpi ne, %convert_element_type3A_697, %cond3A_698 : i32
      scf.if %cond3A_699 {
        %dma_start3A = arith.constant 0 : i32
        %dma_start3A_700 = arith.constant 0 : i32
        %dma_start3A_701 = tpu.memref_slice %arg21[%dma_start3A, %dma_start3A_700] : memref<5008x128xf32, #tpu.memory_space<vmem_shared>> -> memref<5008x128xf32, #tpu.memory_space<vmem_shared>>
        tpu.enqueue_indirect_dma source(%arg12 : memref<128x128xf32, #tpu.memory_space<vmem>>) target(%dma_start3A_701 : memref<5008x128xf32, #tpu.memory_space<vmem_shared>>) offsets(%arg16 : memref<128xi32, #tpu.memory_space<vmem>>) semaphore(%arg25 : memref<!tpu.dma_semaphore, #tpu.memory_space<semaphore_mem>>) {add = true}
        %dma_start3A_702 = arith.constant 0 : i32
        %dma_start3A_703 = arith.constant 0 : i32
        %dma_start3A_704 = tpu.memref_slice %arg21[%dma_start3A_702, %dma_start3A_703] : memref<5008x128xf32, #tpu.memory_space<vmem_shared>> -> memref<5008x128xf32, #tpu.memory_space<vmem_shared>>
        tpu.enqueue_indirect_dma source(%arg12 : memref<128x128xf32, #tpu.memory_space<vmem>>) target(%dma_start3A_704 : memref<5008x128xf32, #tpu.memory_space<vmem_shared>>) offsets(%arg17 : memref<128xi32, #tpu.memory_space<vmem>>) semaphore(%arg25 : memref<!tpu.dma_semaphore, #tpu.memory_space<semaphore_mem>>) {add = true}
      } else {
      }
    }
    %gt3A = arith.constant 0 : i32
    %gt3A_45 = arith.cmpi sgt, %select_n3A_35, %gt3A : i32
    %convert_element_type3A_46 = arith.extui %gt3A_45 : i1 to i32
    %cond3A_47 = arith.constant 0 : i32
    %cond3A_48 = arith.cmpi ne, %convert_element_type3A_46, %cond3A_47 : i32
    scf.if %cond3A_48 {
      %gt3A_81 = arith.constant 0 : i32
      %gt3A_82 = arith.cmpi sgt, %squeeze3A, %gt3A_81 : i32
      %convert_element_type3A_83 = arith.extui %gt3A_82 : i1 to i32
      %cond3A_84 = arith.constant 0 : i32
      %cond3A_85 = arith.cmpi ne, %convert_element_type3A_83, %cond3A_84 : i32
      scf.if %cond3A_85 {
        %dma_wait3A = arith.constant 0 : i32
        %dma_wait3A_101 = arith.constant 0 : i32
        %dma_wait3A_102 = tpu.memref_slice %arg21[%dma_wait3A, %dma_wait3A_101] : memref<5008x128xf32, #tpu.memory_space<vmem_shared>> -> memref<5008x128xf32, #tpu.memory_space<vmem_shared>>
        tpu.wait_indirect_dma semaphore(%arg24 : memref<!tpu.dma_semaphore, #tpu.memory_space<semaphore_mem>>) src(%arg12 : memref<128x128xf32, #tpu.memory_space<vmem>>) dst(%dma_wait3A_102 : memref<5008x128xf32, #tpu.memory_space<vmem_shared>>)
        %dma_wait3A_103 = arith.constant 0 : i32
        %dma_wait3A_104 = arith.constant 0 : i32
        %dma_wait3A_105 = tpu.memref_slice %arg21[%dma_wait3A_103, %dma_wait3A_104] : memref<5008x128xf32, #tpu.memory_space<vmem_shared>> -> memref<5008x128xf32, #tpu.memory_space<vmem_shared>>
        tpu.wait_indirect_dma semaphore(%arg24 : memref<!tpu.dma_semaphore, #tpu.memory_space<semaphore_mem>>) src(%arg13 : memref<128x128xf32, #tpu.memory_space<vmem>>) dst(%dma_wait3A_105 : memref<5008x128xf32, #tpu.memory_space<vmem_shared>>)
      } else {
      }
      %eq3A_86 = arith.constant 0 : i32
      %eq3A_87 = arith.cmpi eq, %squeeze3A, %eq3A_86 : i32
      %convert_element_type3A_88 = arith.extui %eq3A_87 : i1 to i32
      %cond3A_89 = arith.constant 0 : i32
      %cond3A_90 = arith.cmpi ne, %convert_element_type3A_88, %cond3A_89 : i32
      scf.if %cond3A_90 {
        %dma_wait3A = arith.constant 0 : i32
        %dma_wait3A_101 = arith.constant 0 : i32
        %dma_wait3A_102 = tpu.memref_slice %arg21[%dma_wait3A, %dma_wait3A_101] : memref<5008x128xf32, #tpu.memory_space<vmem_shared>> -> memref<5008x128xf32, #tpu.memory_space<vmem_shared>>
        tpu.wait_indirect_dma semaphore(%arg24 : memref<!tpu.dma_semaphore, #tpu.memory_space<semaphore_mem>>) src(%arg12 : memref<128x128xf32, #tpu.memory_space<vmem>>) dst(%dma_wait3A_102 : memref<5008x128xf32, #tpu.memory_space<vmem_shared>>)
        %dma_wait3A_103 = arith.constant 0 : i32
        %dma_wait3A_104 = arith.constant 0 : i32
        %dma_wait3A_105 = tpu.memref_slice %arg21[%dma_wait3A_103, %dma_wait3A_104] : memref<5008x128xf32, #tpu.memory_space<vmem_shared>> -> memref<5008x128xf32, #tpu.memory_space<vmem_shared>>
        tpu.wait_indirect_dma semaphore(%arg24 : memref<!tpu.dma_semaphore, #tpu.memory_space<semaphore_mem>>) src(%arg12 : memref<128x128xf32, #tpu.memory_space<vmem>>) dst(%dma_wait3A_105 : memref<5008x128xf32, #tpu.memory_space<vmem_shared>>)
      } else {
      }
      %gt3A_91 = arith.constant 0 : i32
      %gt3A_92 = arith.cmpi sgt, %squeeze3A, %gt3A_91 : i32
      %convert_element_type3A_93 = arith.extui %gt3A_92 : i1 to i32
      %cond3A_94 = arith.constant 0 : i32
      %cond3A_95 = arith.cmpi ne, %convert_element_type3A_93, %cond3A_94 : i32
      scf.if %cond3A_95 {
        %dma_wait3A = arith.constant 0 : i32
        %dma_wait3A_101 = arith.constant 0 : i32
        %dma_wait3A_102 = tpu.memref_slice %arg21[%dma_wait3A, %dma_wait3A_101] : memref<5008x128xf32, #tpu.memory_space<vmem_shared>> -> memref<5008x128xf32, #tpu.memory_space<vmem_shared>>
        tpu.wait_indirect_dma semaphore(%arg25 : memref<!tpu.dma_semaphore, #tpu.memory_space<semaphore_mem>>) src(%arg18 : memref<128x128xf32, #tpu.memory_space<vmem>>) dst(%dma_wait3A_102 : memref<5008x128xf32, #tpu.memory_space<vmem_shared>>)
        %dma_wait3A_103 = arith.constant 0 : i32
        %dma_wait3A_104 = arith.constant 0 : i32
        %dma_wait3A_105 = tpu.memref_slice %arg21[%dma_wait3A_103, %dma_wait3A_104] : memref<5008x128xf32, #tpu.memory_space<vmem_shared>> -> memref<5008x128xf32, #tpu.memory_space<vmem_shared>>
        tpu.wait_indirect_dma semaphore(%arg25 : memref<!tpu.dma_semaphore, #tpu.memory_space<semaphore_mem>>) src(%arg19 : memref<128x128xf32, #tpu.memory_space<vmem>>) dst(%dma_wait3A_105 : memref<5008x128xf32, #tpu.memory_space<vmem_shared>>)
      } else {
      }
      %eq3A_96 = arith.constant 0 : i32
      %eq3A_97 = arith.cmpi eq, %squeeze3A, %eq3A_96 : i32
      %convert_element_type3A_98 = arith.extui %eq3A_97 : i1 to i32
      %cond3A_99 = arith.constant 0 : i32
      %cond3A_100 = arith.cmpi ne, %convert_element_type3A_98, %cond3A_99 : i32
      scf.if %cond3A_100 {
        %dma_wait3A = arith.constant 0 : i32
        %dma_wait3A_101 = arith.constant 0 : i32
        %dma_wait3A_102 = tpu.memref_slice %arg21[%dma_wait3A, %dma_wait3A_101] : memref<5008x128xf32, #tpu.memory_space<vmem_shared>> -> memref<5008x128xf32, #tpu.memory_space<vmem_shared>>
        tpu.wait_indirect_dma semaphore(%arg25 : memref<!tpu.dma_semaphore, #tpu.memory_space<semaphore_mem>>) src(%arg12 : memref<128x128xf32, #tpu.memory_space<vmem>>) dst(%dma_wait3A_102 : memref<5008x128xf32, #tpu.memory_space<vmem_shared>>)
        %dma_wait3A_103 = arith.constant 0 : i32
        %dma_wait3A_104 = arith.constant 0 : i32
        %dma_wait3A_105 = tpu.memref_slice %arg21[%dma_wait3A_103, %dma_wait3A_104] : memref<5008x128xf32, #tpu.memory_space<vmem_shared>> -> memref<5008x128xf32, #tpu.memory_space<vmem_shared>>
        tpu.wait_indirect_dma semaphore(%arg25 : memref<!tpu.dma_semaphore, #tpu.memory_space<semaphore_mem>>) src(%arg12 : memref<128x128xf32, #tpu.memory_space<vmem>>) dst(%dma_wait3A_105 : memref<5008x128xf32, #tpu.memory_space<vmem_shared>>)
      } else {
      }
    } else {
    }
    %jit3A_49 = arith.constant 2 : i32
    %eq3A_50 = arith.constant 0 : i32
    %eq3A_51 = arith.cmpi eq, %jit3A_49, %eq3A_50 : i32
    %jit3A_52 = arith.constant 1 : i32
    %select_n3A_53 = arith.select %eq3A_51, %jit3A_52, %jit3A_49 : i32
    %rem3A_54 = arith.remsi %add3A_17, %select_n3A_53 : i32
    %ne3A_55 = arith.constant 0 : i32
    %ne3A_56 = arith.cmpi ne, %rem3A_54, %ne3A_55 : i32
    %lt3A_57 = arith.constant 0 : i32
    %lt3A_58 = arith.cmpi slt, %rem3A_54, %lt3A_57 : i32
    %lt3A_59 = arith.constant 0 : i32
    %lt3A_60 = arith.cmpi slt, %select_n3A_53, %lt3A_59 : i32
    %ne3A_61 = arith.xori %lt3A_58, %lt3A_60 : i1
    %and3A_62 = arith.andi %ne3A_61, %ne3A_56 : i1
    %add3A_63 = arith.addi %rem3A_54, %select_n3A_53 : i32
    %select_n3A_64 = arith.select %and3A_62, %add3A_63, %rem3A_54 : i32
    %eq3A_65 = arith.constant 1 : i32
    %eq3A_66 = arith.cmpi eq, %select_n3A_64, %eq3A_65 : i32
    %convert_element_type3A_67 = arith.extui %eq3A_66 : i1 to i32
    %cond3A_68 = arith.constant 0 : i32
    %cond3A_69 = arith.cmpi ne, %convert_element_type3A_67, %cond3A_68 : i32
    scf.if %cond3A_69 {
      %sub3A_81 = arith.constant 1 : i32
      %sub3A_82 = arith.subi %add3A_17, %sub3A_81 : i32
      %mul3A_83 = arith.constant 16 : i32
      %mul3A_84 = arith.muli %sub3A_82, %mul3A_83 : i32
      %add3A_85 = arith.addi %mul3A_84, %arg1 : i32
      %mul3A_86 = arith.constant 2 : i32
      %mul3A_87 = arith.muli %add3A_85, %mul3A_86 : i32
      %add3A_88 = arith.constant 0 : i32
      %add3A_89 = arith.addi %mul3A_87, %add3A_88 : i32
      "tpu.region"() ({
        %run_scoped3A = tpu.sem_alloc : memref<!tpu.dma_semaphore, #tpu.memory_space<semaphore_mem>>
        %dma_start3A = arith.constant 0 : i32
        %dma_start3A_382 = tpu.memref_slice %arg3[%add3A_89, %dma_start3A] : memref<2500x128xi32, #tpu.memory_space<hbm>> -> memref<1x128xi32, #tpu.memory_space<hbm>>
        %dma_start3A_383 = tpu.memref_squeeze %dma_start3A_382 : memref<1x128xi32, #tpu.memory_space<hbm>> -> memref<128xi32, #tpu.memory_space<hbm>>
        %dma_start3A_384 = arith.constant 0 : i32
        %dma_start3A_385 = tpu.memref_slice %arg3[%add3A_89, %dma_start3A_384] : memref<2500x128xi32, #tpu.memory_space<hbm>> -> memref<1x128xi32, #tpu.memory_space<hbm>>
        %dma_start3A_386 = tpu.memref_squeeze %dma_start3A_385 : memref<1x128xi32, #tpu.memory_space<hbm>> -> memref<128xi32, #tpu.memory_space<hbm>>
        tpu.enqueue_dma source(%dma_start3A_386 : memref<128xi32, #tpu.memory_space<hbm>>) target(%arg10 : memref<128xi32, #tpu.memory_space<vmem>>) target_semaphore(%run_scoped3A : memref<!tpu.dma_semaphore, #tpu.memory_space<semaphore_mem>>)
        %dma_wait3A = arith.constant 0 : i32
        %dma_wait3A_387 = tpu.memref_slice %arg3[%add3A_89, %dma_wait3A] : memref<2500x128xi32, #tpu.memory_space<hbm>> -> memref<1x128xi32, #tpu.memory_space<hbm>>
        %dma_wait3A_388 = tpu.memref_squeeze %dma_wait3A_387 : memref<1x128xi32, #tpu.memory_space<hbm>> -> memref<128xi32, #tpu.memory_space<hbm>>
        %dma_wait3A_389 = arith.constant 0 : i32
        %dma_wait3A_390 = tpu.memref_slice %arg3[%add3A_89, %dma_wait3A_389] : memref<2500x128xi32, #tpu.memory_space<hbm>> -> memref<1x128xi32, #tpu.memory_space<hbm>>
        %dma_wait3A_391 = tpu.memref_squeeze %dma_wait3A_390 : memref<1x128xi32, #tpu.memory_space<hbm>> -> memref<128xi32, #tpu.memory_space<hbm>>
        tpu.wait_dma2 semaphore(%run_scoped3A : memref<!tpu.dma_semaphore, #tpu.memory_space<semaphore_mem>>) src(%dma_wait3A_391 : memref<128xi32, #tpu.memory_space<hbm>>) dst(%arg10 : memref<128xi32, #tpu.memory_space<vmem>>)
        tpu.yield
      }) : () -> ()
      %add3A_90 = arith.constant 1 : i32
      %add3A_91 = arith.addi %mul3A_87, %add3A_90 : i32
      "tpu.region"() ({
        %run_scoped3A = tpu.sem_alloc : memref<!tpu.dma_semaphore, #tpu.memory_space<semaphore_mem>>
        %dma_start3A = arith.constant 0 : i32
        %dma_start3A_382 = tpu.memref_slice %arg3[%add3A_91, %dma_start3A] : memref<2500x128xi32, #tpu.memory_space<hbm>> -> memref<1x128xi32, #tpu.memory_space<hbm>>
        %dma_start3A_383 = tpu.memref_squeeze %dma_start3A_382 : memref<1x128xi32, #tpu.memory_space<hbm>> -> memref<128xi32, #tpu.memory_space<hbm>>
        %dma_start3A_384 = arith.constant 0 : i32
        %dma_start3A_385 = tpu.memref_slice %arg3[%add3A_91, %dma_start3A_384] : memref<2500x128xi32, #tpu.memory_space<hbm>> -> memref<1x128xi32, #tpu.memory_space<hbm>>
        %dma_start3A_386 = tpu.memref_squeeze %dma_start3A_385 : memref<1x128xi32, #tpu.memory_space<hbm>> -> memref<128xi32, #tpu.memory_space<hbm>>
        tpu.enqueue_dma source(%dma_start3A_386 : memref<128xi32, #tpu.memory_space<hbm>>) target(%arg11 : memref<128xi32, #tpu.memory_space<vmem>>) target_semaphore(%run_scoped3A : memref<!tpu.dma_semaphore, #tpu.memory_space<semaphore_mem>>)
        %dma_wait3A = arith.constant 0 : i32
        %dma_wait3A_387 = tpu.memref_slice %arg3[%add3A_91, %dma_wait3A] : memref<2500x128xi32, #tpu.memory_space<hbm>> -> memref<1x128xi32, #tpu.memory_space<hbm>>
        %dma_wait3A_388 = tpu.memref_squeeze %dma_wait3A_387 : memref<1x128xi32, #tpu.memory_space<hbm>> -> memref<128xi32, #tpu.memory_space<hbm>>
        %dma_wait3A_389 = arith.constant 0 : i32
        %dma_wait3A_390 = tpu.memref_slice %arg3[%add3A_91, %dma_wait3A_389] : memref<2500x128xi32, #tpu.memory_space<hbm>> -> memref<1x128xi32, #tpu.memory_space<hbm>>
        %dma_wait3A_391 = tpu.memref_squeeze %dma_wait3A_390 : memref<1x128xi32, #tpu.memory_space<hbm>> -> memref<128xi32, #tpu.memory_space<hbm>>
        tpu.wait_dma2 semaphore(%run_scoped3A : memref<!tpu.dma_semaphore, #tpu.memory_space<semaphore_mem>>) src(%dma_wait3A_391 : memref<128xi32, #tpu.memory_space<hbm>>) dst(%arg11 : memref<128xi32, #tpu.memory_space<vmem>>)
        tpu.yield
      }) : () -> ()
      %gt3A_92 = arith.constant 0 : i32
      %gt3A_93 = arith.cmpi sgt, %squeeze3A, %gt3A_92 : i32
      %convert_element_type3A_94 = arith.extui %gt3A_93 : i1 to i32
      %cond3A_95 = arith.constant 0 : i32
      %cond3A_96 = arith.cmpi ne, %convert_element_type3A_94, %cond3A_95 : i32
      scf.if %cond3A_96 {
        %add3A_382 = arith.constant 0 : i32
        %add3A_383 = arith.addi %mul3A_87, %add3A_382 : i32
        "tpu.region"() ({
          %run_scoped3A = tpu.sem_alloc : memref<!tpu.dma_semaphore, #tpu.memory_space<semaphore_mem>>
          %dma_start3A_391 = arith.constant 0 : i32
          %dma_start3A_392 = tpu.memref_slice %arg2[%add3A_383, %dma_start3A_391] : memref<2500x128xi32, #tpu.memory_space<hbm>> -> memref<1x128xi32, #tpu.memory_space<hbm>>
          %dma_start3A_393 = tpu.memref_squeeze %dma_start3A_392 : memref<1x128xi32, #tpu.memory_space<hbm>> -> memref<128xi32, #tpu.memory_space<hbm>>
          %dma_start3A_394 = arith.constant 0 : i32
          %dma_start3A_395 = tpu.memref_slice %arg2[%add3A_383, %dma_start3A_394] : memref<2500x128xi32, #tpu.memory_space<hbm>> -> memref<1x128xi32, #tpu.memory_space<hbm>>
          %dma_start3A_396 = tpu.memref_squeeze %dma_start3A_395 : memref<1x128xi32, #tpu.memory_space<hbm>> -> memref<128xi32, #tpu.memory_space<hbm>>
          tpu.enqueue_dma source(%dma_start3A_396 : memref<128xi32, #tpu.memory_space<hbm>>) target(%arg8 : memref<128xi32, #tpu.memory_space<vmem>>) target_semaphore(%run_scoped3A : memref<!tpu.dma_semaphore, #tpu.memory_space<semaphore_mem>>)
          %dma_wait3A = arith.constant 0 : i32
          %dma_wait3A_397 = tpu.memref_slice %arg2[%add3A_383, %dma_wait3A] : memref<2500x128xi32, #tpu.memory_space<hbm>> -> memref<1x128xi32, #tpu.memory_space<hbm>>
          %dma_wait3A_398 = tpu.memref_squeeze %dma_wait3A_397 : memref<1x128xi32, #tpu.memory_space<hbm>> -> memref<128xi32, #tpu.memory_space<hbm>>
          %dma_wait3A_399 = arith.constant 0 : i32
          %dma_wait3A_400 = tpu.memref_slice %arg2[%add3A_383, %dma_wait3A_399] : memref<2500x128xi32, #tpu.memory_space<hbm>> -> memref<1x128xi32, #tpu.memory_space<hbm>>
          %dma_wait3A_401 = tpu.memref_squeeze %dma_wait3A_400 : memref<1x128xi32, #tpu.memory_space<hbm>> -> memref<128xi32, #tpu.memory_space<hbm>>
          tpu.wait_dma2 semaphore(%run_scoped3A : memref<!tpu.dma_semaphore, #tpu.memory_space<semaphore_mem>>) src(%dma_wait3A_401 : memref<128xi32, #tpu.memory_space<hbm>>) dst(%arg8 : memref<128xi32, #tpu.memory_space<vmem>>)
          tpu.yield
        }) : () -> ()
        %add3A_384 = arith.constant 1 : i32
        %add3A_385 = arith.addi %mul3A_87, %add3A_384 : i32
        "tpu.region"() ({
          %run_scoped3A = tpu.sem_alloc : memref<!tpu.dma_semaphore, #tpu.memory_space<semaphore_mem>>
          %dma_start3A_391 = arith.constant 0 : i32
          %dma_start3A_392 = tpu.memref_slice %arg2[%add3A_385, %dma_start3A_391] : memref<2500x128xi32, #tpu.memory_space<hbm>> -> memref<1x128xi32, #tpu.memory_space<hbm>>
          %dma_start3A_393 = tpu.memref_squeeze %dma_start3A_392 : memref<1x128xi32, #tpu.memory_space<hbm>> -> memref<128xi32, #tpu.memory_space<hbm>>
          %dma_start3A_394 = arith.constant 0 : i32
          %dma_start3A_395 = tpu.memref_slice %arg2[%add3A_385, %dma_start3A_394] : memref<2500x128xi32, #tpu.memory_space<hbm>> -> memref<1x128xi32, #tpu.memory_space<hbm>>
          %dma_start3A_396 = tpu.memref_squeeze %dma_start3A_395 : memref<1x128xi32, #tpu.memory_space<hbm>> -> memref<128xi32, #tpu.memory_space<hbm>>
          tpu.enqueue_dma source(%dma_start3A_396 : memref<128xi32, #tpu.memory_space<hbm>>) target(%arg9 : memref<128xi32, #tpu.memory_space<vmem>>) target_semaphore(%run_scoped3A : memref<!tpu.dma_semaphore, #tpu.memory_space<semaphore_mem>>)
          %dma_wait3A = arith.constant 0 : i32
          %dma_wait3A_397 = tpu.memref_slice %arg2[%add3A_385, %dma_wait3A] : memref<2500x128xi32, #tpu.memory_space<hbm>> -> memref<1x128xi32, #tpu.memory_space<hbm>>
          %dma_wait3A_398 = tpu.memref_squeeze %dma_wait3A_397 : memref<1x128xi32, #tpu.memory_space<hbm>> -> memref<128xi32, #tpu.memory_space<hbm>>
          %dma_wait3A_399 = arith.constant 0 : i32
          %dma_wait3A_400 = tpu.memref_slice %arg2[%add3A_385, %dma_wait3A_399] : memref<2500x128xi32, #tpu.memory_space<hbm>> -> memref<1x128xi32, #tpu.memory_space<hbm>>
          %dma_wait3A_401 = tpu.memref_squeeze %dma_wait3A_400 : memref<1x128xi32, #tpu.memory_space<hbm>> -> memref<128xi32, #tpu.memory_space<hbm>>
          tpu.wait_dma2 semaphore(%run_scoped3A : memref<!tpu.dma_semaphore, #tpu.memory_space<semaphore_mem>>) src(%dma_wait3A_401 : memref<128xi32, #tpu.memory_space<hbm>>) dst(%arg9 : memref<128xi32, #tpu.memory_space<vmem>>)
          tpu.yield
        }) : () -> ()
        %dma_start3A = arith.constant 0 : i32
        %dma_start3A_386 = arith.constant 0 : i32
        %dma_start3A_387 = tpu.memref_slice %arg4[%dma_start3A, %dma_start3A_386] : memref<10000x128xf32, #tpu.memory_space<hbm>> -> memref<10000x128xf32, #tpu.memory_space<hbm>>
        tpu.enqueue_indirect_dma source(%dma_start3A_387 : memref<10000x128xf32, #tpu.memory_space<hbm>>) target(%arg12 : memref<128x128xf32, #tpu.memory_space<vmem>>) offsets(%arg8 : memref<128xi32, #tpu.memory_space<vmem>>) semaphore(%arg22 : memref<!tpu.dma_semaphore, #tpu.memory_space<semaphore_mem>>)
        %dma_start3A_388 = arith.constant 0 : i32
        %dma_start3A_389 = arith.constant 0 : i32
        %dma_start3A_390 = tpu.memref_slice %arg4[%dma_start3A_388, %dma_start3A_389] : memref<10000x128xf32, #tpu.memory_space<hbm>> -> memref<10000x128xf32, #tpu.memory_space<hbm>>
        tpu.enqueue_indirect_dma source(%dma_start3A_390 : memref<10000x128xf32, #tpu.memory_space<hbm>>) target(%arg13 : memref<128x128xf32, #tpu.memory_space<vmem>>) offsets(%arg9 : memref<128xi32, #tpu.memory_space<vmem>>) semaphore(%arg22 : memref<!tpu.dma_semaphore, #tpu.memory_space<semaphore_mem>>)
      } else {
      }
      %iota3A = tpu.iota {dimensions = array<i32: 0>} : vector<16xi32>
      %and3A_97 = arith.constant 7 : i32
      %and3A_98 = vector.broadcast %and3A_97 : i32 to vector<16xi32>
      %and3A_99 = arith.andi %iota3A, %and3A_98 : vector<16xi32>
      %add3A_100 = arith.constant 5000 : i32
      %add3A_101 = vector.broadcast %add3A_100 : i32 to vector<16xi32>
      %add3A_102 = arith.addi %add3A_101, %and3A_99 : vector<16xi32>
      %get3A_103 = arith.constant 0 : index
      %get3A_104 = tpu.vector_load %arg10[%get3A_103] {strides = array<i32>} : memref<128xi32, #tpu.memory_space<vmem>>, vector<16xi32>,
      %get3A_105 = vector.shape_cast %get3A_104 : vector<16xi32> to vector<16xi32>
      %sub3A_106 = vector.broadcast %mul3A_0 : i32 to vector<16xi32>
      %sub3A_107 = arith.subi %get3A_105, %sub3A_106 : vector<16xi32>
      %lt3A_108 = arith.constant 0 : i32
      %lt3A_109 = vector.broadcast %lt3A_108 : i32 to vector<16xi32>
      %lt3A_110 = arith.cmpi slt, %sub3A_107, %lt3A_109 : vector<16xi32>
      %ge3A = arith.constant 5000 : i32
      %ge3A_111 = vector.broadcast %ge3A : i32 to vector<16xi32>
      %ge3A_112 = arith.cmpi sge, %sub3A_107, %ge3A_111 : vector<16xi32>
      %or3A = arith.ori %lt3A_110, %ge3A_112 : vector<16xi1>
      %select_n3A_113 = arith.select %or3A, %add3A_102, %sub3A_107 : vector<16xi1>, vector<16xi32>
      %swap3A = arith.constant 0 : index
      %swap3A_114 = tpu.vector_load %arg10[%swap3A] {strides = array<i32>} : memref<128xi32, #tpu.memory_space<vmem>>, vector<16xi32>,
      %swap3A_115 = vector.shape_cast %swap3A_114 : vector<16xi32> to vector<16xi32>
      %swap3A_116 = vector.shape_cast %select_n3A_113 : vector<16xi32> to vector<16xi32>
      tpu.vector_store %arg10[%swap3A], %swap3A_116 {strides = array<i32>} : memref<128xi32, #tpu.memory_space<vmem>>, vector<16xi32>,
      %get3A_117 = arith.constant 16 : index
      %get3A_118 = tpu.vector_load %arg10[%get3A_117] {strides = array<i32>} : memref<128xi32, #tpu.memory_space<vmem>>, vector<16xi32>,
      %get3A_119 = vector.shape_cast %get3A_118 : vector<16xi32> to vector<16xi32>
      %sub3A_120 = vector.broadcast %mul3A_0 : i32 to vector<16xi32>
      %sub3A_121 = arith.subi %get3A_119, %sub3A_120 : vector<16xi32>
      %lt3A_122 = arith.constant 0 : i32
      %lt3A_123 = vector.broadcast %lt3A_122 : i32 to vector<16xi32>
      %lt3A_124 = arith.cmpi slt, %sub3A_121, %lt3A_123 : vector<16xi32>
      %ge3A_125 = arith.constant 5000 : i32
      %ge3A_126 = vector.broadcast %ge3A_125 : i32 to vector<16xi32>
      %ge3A_127 = arith.cmpi sge, %sub3A_121, %ge3A_126 : vector<16xi32>
      %or3A_128 = arith.ori %lt3A_124, %ge3A_127 : vector<16xi1>
      %select_n3A_129 = arith.select %or3A_128, %add3A_102, %sub3A_121 : vector<16xi1>, vector<16xi32>
      %swap3A_130 = arith.constant 16 : index
      %swap3A_131 = tpu.vector_load %arg10[%swap3A_130] {strides = array<i32>} : memref<128xi32, #tpu.memory_space<vmem>>, vector<16xi32>,
      %swap3A_132 = vector.shape_cast %swap3A_131 : vector<16xi32> to vector<16xi32>
      %swap3A_133 = vector.shape_cast %select_n3A_129 : vector<16xi32> to vector<16xi32>
      tpu.vector_store %arg10[%swap3A_130], %swap3A_133 {strides = array<i32>} : memref<128xi32, #tpu.memory_space<vmem>>, vector<16xi32>,
      %get3A_134 = arith.constant 32 : index
      %get3A_135 = tpu.vector_load %arg10[%get3A_134] {strides = array<i32>} : memref<128xi32, #tpu.memory_space<vmem>>, vector<16xi32>,
      %get3A_136 = vector.shape_cast %get3A_135 : vector<16xi32> to vector<16xi32>
      %sub3A_137 = vector.broadcast %mul3A_0 : i32 to vector<16xi32>
      %sub3A_138 = arith.subi %get3A_136, %sub3A_137 : vector<16xi32>
      %lt3A_139 = arith.constant 0 : i32
      %lt3A_140 = vector.broadcast %lt3A_139 : i32 to vector<16xi32>
      %lt3A_141 = arith.cmpi slt, %sub3A_138, %lt3A_140 : vector<16xi32>
      %ge3A_142 = arith.constant 5000 : i32
      %ge3A_143 = vector.broadcast %ge3A_142 : i32 to vector<16xi32>
      %ge3A_144 = arith.cmpi sge, %sub3A_138, %ge3A_143 : vector<16xi32>
      %or3A_145 = arith.ori %lt3A_141, %ge3A_144 : vector<16xi1>
      %select_n3A_146 = arith.select %or3A_145, %add3A_102, %sub3A_138 : vector<16xi1>, vector<16xi32>
      %swap3A_147 = arith.constant 32 : index
      %swap3A_148 = tpu.vector_load %arg10[%swap3A_147] {strides = array<i32>} : memref<128xi32, #tpu.memory_space<vmem>>, vector<16xi32>,
      %swap3A_149 = vector.shape_cast %swap3A_148 : vector<16xi32> to vector<16xi32>
      %swap3A_150 = vector.shape_cast %select_n3A_146 : vector<16xi32> to vector<16xi32>
      tpu.vector_store %arg10[%swap3A_147], %swap3A_150 {strides = array<i32>} : memref<128xi32, #tpu.memory_space<vmem>>, vector<16xi32>,
      %get3A_151 = arith.constant 48 : index
      %get3A_152 = tpu.vector_load %arg10[%get3A_151] {strides = array<i32>} : memref<128xi32, #tpu.memory_space<vmem>>, vector<16xi32>,
      %get3A_153 = vector.shape_cast %get3A_152 : vector<16xi32> to vector<16xi32>
      %sub3A_154 = vector.broadcast %mul3A_0 : i32 to vector<16xi32>
      %sub3A_155 = arith.subi %get3A_153, %sub3A_154 : vector<16xi32>
      %lt3A_156 = arith.constant 0 : i32
      %lt3A_157 = vector.broadcast %lt3A_156 : i32 to vector<16xi32>
      %lt3A_158 = arith.cmpi slt, %sub3A_155, %lt3A_157 : vector<16xi32>
      %ge3A_159 = arith.constant 5000 : i32
      %ge3A_160 = vector.broadcast %ge3A_159 : i32 to vector<16xi32>
      %ge3A_161 = arith.cmpi sge, %sub3A_155, %ge3A_160 : vector<16xi32>
      %or3A_162 = arith.ori %lt3A_158, %ge3A_161 : vector<16xi1>
      %select_n3A_163 = arith.select %or3A_162, %add3A_102, %sub3A_155 : vector<16xi1>, vector<16xi32>
      %swap3A_164 = arith.constant 48 : index
      %swap3A_165 = tpu.vector_load %arg10[%swap3A_164] {strides = array<i32>} : memref<128xi32, #tpu.memory_space<vmem>>, vector<16xi32>,
      %swap3A_166 = vector.shape_cast %swap3A_165 : vector<16xi32> to vector<16xi32>
      %swap3A_167 = vector.shape_cast %select_n3A_163 : vector<16xi32> to vector<16xi32>
      tpu.vector_store %arg10[%swap3A_164], %swap3A_167 {strides = array<i32>} : memref<128xi32, #tpu.memory_space<vmem>>, vector<16xi32>,
      %get3A_168 = arith.constant 64 : index
      %get3A_169 = tpu.vector_load %arg10[%get3A_168] {strides = array<i32>} : memref<128xi32, #tpu.memory_space<vmem>>, vector<16xi32>,
      %get3A_170 = vector.shape_cast %get3A_169 : vector<16xi32> to vector<16xi32>
      %sub3A_171 = vector.broadcast %mul3A_0 : i32 to vector<16xi32>
      %sub3A_172 = arith.subi %get3A_170, %sub3A_171 : vector<16xi32>
      %lt3A_173 = arith.constant 0 : i32
      %lt3A_174 = vector.broadcast %lt3A_173 : i32 to vector<16xi32>
      %lt3A_175 = arith.cmpi slt, %sub3A_172, %lt3A_174 : vector<16xi32>
      %ge3A_176 = arith.constant 5000 : i32
      %ge3A_177 = vector.broadcast %ge3A_176 : i32 to vector<16xi32>
      %ge3A_178 = arith.cmpi sge, %sub3A_172, %ge3A_177 : vector<16xi32>
      %or3A_179 = arith.ori %lt3A_175, %ge3A_178 : vector<16xi1>
      %select_n3A_180 = arith.select %or3A_179, %add3A_102, %sub3A_172 : vector<16xi1>, vector<16xi32>
      %swap3A_181 = arith.constant 64 : index
      %swap3A_182 = tpu.vector_load %arg10[%swap3A_181] {strides = array<i32>} : memref<128xi32, #tpu.memory_space<vmem>>, vector<16xi32>,
      %swap3A_183 = vector.shape_cast %swap3A_182 : vector<16xi32> to vector<16xi32>
      %swap3A_184 = vector.shape_cast %select_n3A_180 : vector<16xi32> to vector<16xi32>
      tpu.vector_store %arg10[%swap3A_181], %swap3A_184 {strides = array<i32>} : memref<128xi32, #tpu.memory_space<vmem>>, vector<16xi32>,
      %get3A_185 = arith.constant 80 : index
      %get3A_186 = tpu.vector_load %arg10[%get3A_185] {strides = array<i32>} : memref<128xi32, #tpu.memory_space<vmem>>, vector<16xi32>,
      %get3A_187 = vector.shape_cast %get3A_186 : vector<16xi32> to vector<16xi32>
      %sub3A_188 = vector.broadcast %mul3A_0 : i32 to vector<16xi32>
      %sub3A_189 = arith.subi %get3A_187, %sub3A_188 : vector<16xi32>
      %lt3A_190 = arith.constant 0 : i32
      %lt3A_191 = vector.broadcast %lt3A_190 : i32 to vector<16xi32>
      %lt3A_192 = arith.cmpi slt, %sub3A_189, %lt3A_191 : vector<16xi32>
      %ge3A_193 = arith.constant 5000 : i32
      %ge3A_194 = vector.broadcast %ge3A_193 : i32 to vector<16xi32>
      %ge3A_195 = arith.cmpi sge, %sub3A_189, %ge3A_194 : vector<16xi32>
      %or3A_196 = arith.ori %lt3A_192, %ge3A_195 : vector<16xi1>
      %select_n3A_197 = arith.select %or3A_196, %add3A_102, %sub3A_189 : vector<16xi1>, vector<16xi32>
      %swap3A_198 = arith.constant 80 : index
      %swap3A_199 = tpu.vector_load %arg10[%swap3A_198] {strides = array<i32>} : memref<128xi32, #tpu.memory_space<vmem>>, vector<16xi32>,
      %swap3A_200 = vector.shape_cast %swap3A_199 : vector<16xi32> to vector<16xi32>
      %swap3A_201 = vector.shape_cast %select_n3A_197 : vector<16xi32> to vector<16xi32>
      tpu.vector_store %arg10[%swap3A_198], %swap3A_201 {strides = array<i32>} : memref<128xi32, #tpu.memory_space<vmem>>, vector<16xi32>,
      %get3A_202 = arith.constant 96 : index
      %get3A_203 = tpu.vector_load %arg10[%get3A_202] {strides = array<i32>} : memref<128xi32, #tpu.memory_space<vmem>>, vector<16xi32>,
      %get3A_204 = vector.shape_cast %get3A_203 : vector<16xi32> to vector<16xi32>
      %sub3A_205 = vector.broadcast %mul3A_0 : i32 to vector<16xi32>
      %sub3A_206 = arith.subi %get3A_204, %sub3A_205 : vector<16xi32>
      %lt3A_207 = arith.constant 0 : i32
      %lt3A_208 = vector.broadcast %lt3A_207 : i32 to vector<16xi32>
      %lt3A_209 = arith.cmpi slt, %sub3A_206, %lt3A_208 : vector<16xi32>
      %ge3A_210 = arith.constant 5000 : i32
      %ge3A_211 = vector.broadcast %ge3A_210 : i32 to vector<16xi32>
      %ge3A_212 = arith.cmpi sge, %sub3A_206, %ge3A_211 : vector<16xi32>
      %or3A_213 = arith.ori %lt3A_209, %ge3A_212 : vector<16xi1>
      %select_n3A_214 = arith.select %or3A_213, %add3A_102, %sub3A_206 : vector<16xi1>, vector<16xi32>
      %swap3A_215 = arith.constant 96 : index
      %swap3A_216 = tpu.vector_load %arg10[%swap3A_215] {strides = array<i32>} : memref<128xi32, #tpu.memory_space<vmem>>, vector<16xi32>,
      %swap3A_217 = vector.shape_cast %swap3A_216 : vector<16xi32> to vector<16xi32>
      %swap3A_218 = vector.shape_cast %select_n3A_214 : vector<16xi32> to vector<16xi32>
      tpu.vector_store %arg10[%swap3A_215], %swap3A_218 {strides = array<i32>} : memref<128xi32, #tpu.memory_space<vmem>>, vector<16xi32>,
      %get3A_219 = arith.constant 112 : index
      %get3A_220 = tpu.vector_load %arg10[%get3A_219] {strides = array<i32>} : memref<128xi32, #tpu.memory_space<vmem>>, vector<16xi32>,
      %get3A_221 = vector.shape_cast %get3A_220 : vector<16xi32> to vector<16xi32>
      %sub3A_222 = vector.broadcast %mul3A_0 : i32 to vector<16xi32>
      %sub3A_223 = arith.subi %get3A_221, %sub3A_222 : vector<16xi32>
      %lt3A_224 = arith.constant 0 : i32
      %lt3A_225 = vector.broadcast %lt3A_224 : i32 to vector<16xi32>
      %lt3A_226 = arith.cmpi slt, %sub3A_223, %lt3A_225 : vector<16xi32>
      %ge3A_227 = arith.constant 5000 : i32
      %ge3A_228 = vector.broadcast %ge3A_227 : i32 to vector<16xi32>
      %ge3A_229 = arith.cmpi sge, %sub3A_223, %ge3A_228 : vector<16xi32>
      %or3A_230 = arith.ori %lt3A_226, %ge3A_229 : vector<16xi1>
      %select_n3A_231 = arith.select %or3A_230, %add3A_102, %sub3A_223 : vector<16xi1>, vector<16xi32>
      %swap3A_232 = arith.constant 112 : index
      %swap3A_233 = tpu.vector_load %arg10[%swap3A_232] {strides = array<i32>} : memref<128xi32, #tpu.memory_space<vmem>>, vector<16xi32>,
      %swap3A_234 = vector.shape_cast %swap3A_233 : vector<16xi32> to vector<16xi32>
      %swap3A_235 = vector.shape_cast %select_n3A_231 : vector<16xi32> to vector<16xi32>
      tpu.vector_store %arg10[%swap3A_232], %swap3A_235 {strides = array<i32>} : memref<128xi32, #tpu.memory_space<vmem>>, vector<16xi32>,
      %get3A_236 = arith.constant 0 : index
      %get3A_237 = tpu.vector_load %arg11[%get3A_236] {strides = array<i32>} : memref<128xi32, #tpu.memory_space<vmem>>, vector<16xi32>,
      %get3A_238 = vector.shape_cast %get3A_237 : vector<16xi32> to vector<16xi32>
      %sub3A_239 = vector.broadcast %mul3A_0 : i32 to vector<16xi32>
      %sub3A_240 = arith.subi %get3A_238, %sub3A_239 : vector<16xi32>
      %lt3A_241 = arith.constant 0 : i32
      %lt3A_242 = vector.broadcast %lt3A_241 : i32 to vector<16xi32>
      %lt3A_243 = arith.cmpi slt, %sub3A_240, %lt3A_242 : vector<16xi32>
      %ge3A_244 = arith.constant 5000 : i32
      %ge3A_245 = vector.broadcast %ge3A_244 : i32 to vector<16xi32>
      %ge3A_246 = arith.cmpi sge, %sub3A_240, %ge3A_245 : vector<16xi32>
      %or3A_247 = arith.ori %lt3A_243, %ge3A_246 : vector<16xi1>
      %select_n3A_248 = arith.select %or3A_247, %add3A_102, %sub3A_240 : vector<16xi1>, vector<16xi32>
      %swap3A_249 = arith.constant 0 : index
      %swap3A_250 = tpu.vector_load %arg11[%swap3A_249] {strides = array<i32>} : memref<128xi32, #tpu.memory_space<vmem>>, vector<16xi32>,
      %swap3A_251 = vector.shape_cast %swap3A_250 : vector<16xi32> to vector<16xi32>
      %swap3A_252 = vector.shape_cast %select_n3A_248 : vector<16xi32> to vector<16xi32>
      tpu.vector_store %arg11[%swap3A_249], %swap3A_252 {strides = array<i32>} : memref<128xi32, #tpu.memory_space<vmem>>, vector<16xi32>,
      %get3A_253 = arith.constant 16 : index
      %get3A_254 = tpu.vector_load %arg11[%get3A_253] {strides = array<i32>} : memref<128xi32, #tpu.memory_space<vmem>>, vector<16xi32>,
      %get3A_255 = vector.shape_cast %get3A_254 : vector<16xi32> to vector<16xi32>
      %sub3A_256 = vector.broadcast %mul3A_0 : i32 to vector<16xi32>
      %sub3A_257 = arith.subi %get3A_255, %sub3A_256 : vector<16xi32>
      %lt3A_258 = arith.constant 0 : i32
      %lt3A_259 = vector.broadcast %lt3A_258 : i32 to vector<16xi32>
      %lt3A_260 = arith.cmpi slt, %sub3A_257, %lt3A_259 : vector<16xi32>
      %ge3A_261 = arith.constant 5000 : i32
      %ge3A_262 = vector.broadcast %ge3A_261 : i32 to vector<16xi32>
      %ge3A_263 = arith.cmpi sge, %sub3A_257, %ge3A_262 : vector<16xi32>
      %or3A_264 = arith.ori %lt3A_260, %ge3A_263 : vector<16xi1>
      %select_n3A_265 = arith.select %or3A_264, %add3A_102, %sub3A_257 : vector<16xi1>, vector<16xi32>
      %swap3A_266 = arith.constant 16 : index
      %swap3A_267 = tpu.vector_load %arg11[%swap3A_266] {strides = array<i32>} : memref<128xi32, #tpu.memory_space<vmem>>, vector<16xi32>,
      %swap3A_268 = vector.shape_cast %swap3A_267 : vector<16xi32> to vector<16xi32>
      %swap3A_269 = vector.shape_cast %select_n3A_265 : vector<16xi32> to vector<16xi32>
      tpu.vector_store %arg11[%swap3A_266], %swap3A_269 {strides = array<i32>} : memref<128xi32, #tpu.memory_space<vmem>>, vector<16xi32>,
      %get3A_270 = arith.constant 32 : index
      %get3A_271 = tpu.vector_load %arg11[%get3A_270] {strides = array<i32>} : memref<128xi32, #tpu.memory_space<vmem>>, vector<16xi32>,
      %get3A_272 = vector.shape_cast %get3A_271 : vector<16xi32> to vector<16xi32>
      %sub3A_273 = vector.broadcast %mul3A_0 : i32 to vector<16xi32>
      %sub3A_274 = arith.subi %get3A_272, %sub3A_273 : vector<16xi32>
      %lt3A_275 = arith.constant 0 : i32
      %lt3A_276 = vector.broadcast %lt3A_275 : i32 to vector<16xi32>
      %lt3A_277 = arith.cmpi slt, %sub3A_274, %lt3A_276 : vector<16xi32>
      %ge3A_278 = arith.constant 5000 : i32
      %ge3A_279 = vector.broadcast %ge3A_278 : i32 to vector<16xi32>
      %ge3A_280 = arith.cmpi sge, %sub3A_274, %ge3A_279 : vector<16xi32>
      %or3A_281 = arith.ori %lt3A_277, %ge3A_280 : vector<16xi1>
      %select_n3A_282 = arith.select %or3A_281, %add3A_102, %sub3A_274 : vector<16xi1>, vector<16xi32>
      %swap3A_283 = arith.constant 32 : index
      %swap3A_284 = tpu.vector_load %arg11[%swap3A_283] {strides = array<i32>} : memref<128xi32, #tpu.memory_space<vmem>>, vector<16xi32>,
      %swap3A_285 = vector.shape_cast %swap3A_284 : vector<16xi32> to vector<16xi32>
      %swap3A_286 = vector.shape_cast %select_n3A_282 : vector<16xi32> to vector<16xi32>
      tpu.vector_store %arg11[%swap3A_283], %swap3A_286 {strides = array<i32>} : memref<128xi32, #tpu.memory_space<vmem>>, vector<16xi32>,
      %get3A_287 = arith.constant 48 : index
      %get3A_288 = tpu.vector_load %arg11[%get3A_287] {strides = array<i32>} : memref<128xi32, #tpu.memory_space<vmem>>, vector<16xi32>,
      %get3A_289 = vector.shape_cast %get3A_288 : vector<16xi32> to vector<16xi32>
      %sub3A_290 = vector.broadcast %mul3A_0 : i32 to vector<16xi32>
      %sub3A_291 = arith.subi %get3A_289, %sub3A_290 : vector<16xi32>
      %lt3A_292 = arith.constant 0 : i32
      %lt3A_293 = vector.broadcast %lt3A_292 : i32 to vector<16xi32>
      %lt3A_294 = arith.cmpi slt, %sub3A_291, %lt3A_293 : vector<16xi32>
      %ge3A_295 = arith.constant 5000 : i32
      %ge3A_296 = vector.broadcast %ge3A_295 : i32 to vector<16xi32>
      %ge3A_297 = arith.cmpi sge, %sub3A_291, %ge3A_296 : vector<16xi32>
      %or3A_298 = arith.ori %lt3A_294, %ge3A_297 : vector<16xi1>
      %select_n3A_299 = arith.select %or3A_298, %add3A_102, %sub3A_291 : vector<16xi1>, vector<16xi32>
      %swap3A_300 = arith.constant 48 : index
      %swap3A_301 = tpu.vector_load %arg11[%swap3A_300] {strides = array<i32>} : memref<128xi32, #tpu.memory_space<vmem>>, vector<16xi32>,
      %swap3A_302 = vector.shape_cast %swap3A_301 : vector<16xi32> to vector<16xi32>
      %swap3A_303 = vector.shape_cast %select_n3A_299 : vector<16xi32> to vector<16xi32>
      tpu.vector_store %arg11[%swap3A_300], %swap3A_303 {strides = array<i32>} : memref<128xi32, #tpu.memory_space<vmem>>, vector<16xi32>,
      %get3A_304 = arith.constant 64 : index
      %get3A_305 = tpu.vector_load %arg11[%get3A_304] {strides = array<i32>} : memref<128xi32, #tpu.memory_space<vmem>>, vector<16xi32>,
      %get3A_306 = vector.shape_cast %get3A_305 : vector<16xi32> to vector<16xi32>
      %sub3A_307 = vector.broadcast %mul3A_0 : i32 to vector<16xi32>
      %sub3A_308 = arith.subi %get3A_306, %sub3A_307 : vector<16xi32>
      %lt3A_309 = arith.constant 0 : i32
      %lt3A_310 = vector.broadcast %lt3A_309 : i32 to vector<16xi32>
      %lt3A_311 = arith.cmpi slt, %sub3A_308, %lt3A_310 : vector<16xi32>
      %ge3A_312 = arith.constant 5000 : i32
      %ge3A_313 = vector.broadcast %ge3A_312 : i32 to vector<16xi32>
      %ge3A_314 = arith.cmpi sge, %sub3A_308, %ge3A_313 : vector<16xi32>
      %or3A_315 = arith.ori %lt3A_311, %ge3A_314 : vector<16xi1>
      %select_n3A_316 = arith.select %or3A_315, %add3A_102, %sub3A_308 : vector<16xi1>, vector<16xi32>
      %swap3A_317 = arith.constant 64 : index
      %swap3A_318 = tpu.vector_load %arg11[%swap3A_317] {strides = array<i32>} : memref<128xi32, #tpu.memory_space<vmem>>, vector<16xi32>,
      %swap3A_319 = vector.shape_cast %swap3A_318 : vector<16xi32> to vector<16xi32>
      %swap3A_320 = vector.shape_cast %select_n3A_316 : vector<16xi32> to vector<16xi32>
      tpu.vector_store %arg11[%swap3A_317], %swap3A_320 {strides = array<i32>} : memref<128xi32, #tpu.memory_space<vmem>>, vector<16xi32>,
      %get3A_321 = arith.constant 80 : index
      %get3A_322 = tpu.vector_load %arg11[%get3A_321] {strides = array<i32>} : memref<128xi32, #tpu.memory_space<vmem>>, vector<16xi32>,
      %get3A_323 = vector.shape_cast %get3A_322 : vector<16xi32> to vector<16xi32>
      %sub3A_324 = vector.broadcast %mul3A_0 : i32 to vector<16xi32>
      %sub3A_325 = arith.subi %get3A_323, %sub3A_324 : vector<16xi32>
      %lt3A_326 = arith.constant 0 : i32
      %lt3A_327 = vector.broadcast %lt3A_326 : i32 to vector<16xi32>
      %lt3A_328 = arith.cmpi slt, %sub3A_325, %lt3A_327 : vector<16xi32>
      %ge3A_329 = arith.constant 5000 : i32
      %ge3A_330 = vector.broadcast %ge3A_329 : i32 to vector<16xi32>
      %ge3A_331 = arith.cmpi sge, %sub3A_325, %ge3A_330 : vector<16xi32>
      %or3A_332 = arith.ori %lt3A_328, %ge3A_331 : vector<16xi1>
      %select_n3A_333 = arith.select %or3A_332, %add3A_102, %sub3A_325 : vector<16xi1>, vector<16xi32>
      %swap3A_334 = arith.constant 80 : index
      %swap3A_335 = tpu.vector_load %arg11[%swap3A_334] {strides = array<i32>} : memref<128xi32, #tpu.memory_space<vmem>>, vector<16xi32>,
      %swap3A_336 = vector.shape_cast %swap3A_335 : vector<16xi32> to vector<16xi32>
      %swap3A_337 = vector.shape_cast %select_n3A_333 : vector<16xi32> to vector<16xi32>
      tpu.vector_store %arg11[%swap3A_334], %swap3A_337 {strides = array<i32>} : memref<128xi32, #tpu.memory_space<vmem>>, vector<16xi32>,
      %get3A_338 = arith.constant 96 : index
      %get3A_339 = tpu.vector_load %arg11[%get3A_338] {strides = array<i32>} : memref<128xi32, #tpu.memory_space<vmem>>, vector<16xi32>,
      %get3A_340 = vector.shape_cast %get3A_339 : vector<16xi32> to vector<16xi32>
      %sub3A_341 = vector.broadcast %mul3A_0 : i32 to vector<16xi32>
      %sub3A_342 = arith.subi %get3A_340, %sub3A_341 : vector<16xi32>
      %lt3A_343 = arith.constant 0 : i32
      %lt3A_344 = vector.broadcast %lt3A_343 : i32 to vector<16xi32>
      %lt3A_345 = arith.cmpi slt, %sub3A_342, %lt3A_344 : vector<16xi32>
      %ge3A_346 = arith.constant 5000 : i32
      %ge3A_347 = vector.broadcast %ge3A_346 : i32 to vector<16xi32>
      %ge3A_348 = arith.cmpi sge, %sub3A_342, %ge3A_347 : vector<16xi32>
      %or3A_349 = arith.ori %lt3A_345, %ge3A_348 : vector<16xi1>
      %select_n3A_350 = arith.select %or3A_349, %add3A_102, %sub3A_342 : vector<16xi1>, vector<16xi32>
      %swap3A_351 = arith.constant 96 : index
      %swap3A_352 = tpu.vector_load %arg11[%swap3A_351] {strides = array<i32>} : memref<128xi32, #tpu.memory_space<vmem>>, vector<16xi32>,
      %swap3A_353 = vector.shape_cast %swap3A_352 : vector<16xi32> to vector<16xi32>
      %swap3A_354 = vector.shape_cast %select_n3A_350 : vector<16xi32> to vector<16xi32>
      tpu.vector_store %arg11[%swap3A_351], %swap3A_354 {strides = array<i32>} : memref<128xi32, #tpu.memory_space<vmem>>, vector<16xi32>,
      %get3A_355 = arith.constant 112 : index
      %get3A_356 = tpu.vector_load %arg11[%get3A_355] {strides = array<i32>} : memref<128xi32, #tpu.memory_space<vmem>>, vector<16xi32>,
      %get3A_357 = vector.shape_cast %get3A_356 : vector<16xi32> to vector<16xi32>
      %sub3A_358 = vector.broadcast %mul3A_0 : i32 to vector<16xi32>
      %sub3A_359 = arith.subi %get3A_357, %sub3A_358 : vector<16xi32>
      %lt3A_360 = arith.constant 0 : i32
      %lt3A_361 = vector.broadcast %lt3A_360 : i32 to vector<16xi32>
      %lt3A_362 = arith.cmpi slt, %sub3A_359, %lt3A_361 : vector<16xi32>
      %ge3A_363 = arith.constant 5000 : i32
      %ge3A_364 = vector.broadcast %ge3A_363 : i32 to vector<16xi32>
      %ge3A_365 = arith.cmpi sge, %sub3A_359, %ge3A_364 : vector<16xi32>
      %or3A_366 = arith.ori %lt3A_362, %ge3A_365 : vector<16xi1>
      %select_n3A_367 = arith.select %or3A_366, %add3A_102, %sub3A_359 : vector<16xi1>, vector<16xi32>
      %swap3A_368 = arith.constant 112 : index
      %swap3A_369 = tpu.vector_load %arg11[%swap3A_368] {strides = array<i32>} : memref<128xi32, #tpu.memory_space<vmem>>, vector<16xi32>,
      %swap3A_370 = vector.shape_cast %swap3A_369 : vector<16xi32> to vector<16xi32>
      %swap3A_371 = vector.shape_cast %select_n3A_367 : vector<16xi32> to vector<16xi32>
      tpu.vector_store %arg11[%swap3A_368], %swap3A_371 {strides = array<i32>} : memref<128xi32, #tpu.memory_space<vmem>>, vector<16xi32>,
      %gt3A_372 = arith.constant 0 : i32
      %gt3A_373 = arith.cmpi sgt, %squeeze3A, %gt3A_372 : i32
      %convert_element_type3A_374 = arith.extui %gt3A_373 : i1 to i32
      %cond3A_375 = arith.constant 0 : i32
      %cond3A_376 = arith.cmpi ne, %convert_element_type3A_374, %cond3A_375 : i32
      scf.if %cond3A_376 {
        %dma_wait3A = arith.constant 0 : i32
        %dma_wait3A_382 = arith.constant 0 : i32
        %dma_wait3A_383 = tpu.memref_slice %arg4[%dma_wait3A, %dma_wait3A_382] : memref<10000x128xf32, #tpu.memory_space<hbm>> -> memref<10000x128xf32, #tpu.memory_space<hbm>>
        tpu.wait_indirect_dma semaphore(%arg22 : memref<!tpu.dma_semaphore, #tpu.memory_space<semaphore_mem>>) src(%dma_wait3A_383 : memref<10000x128xf32, #tpu.memory_space<hbm>>) dst(%arg12 : memref<128x128xf32, #tpu.memory_space<vmem>>)
        %dma_wait3A_384 = arith.constant 0 : i32
        %dma_wait3A_385 = arith.constant 0 : i32
        %dma_wait3A_386 = tpu.memref_slice %arg4[%dma_wait3A_384, %dma_wait3A_385] : memref<10000x128xf32, #tpu.memory_space<hbm>> -> memref<10000x128xf32, #tpu.memory_space<hbm>>
        tpu.wait_indirect_dma semaphore(%arg22 : memref<!tpu.dma_semaphore, #tpu.memory_space<semaphore_mem>>) src(%dma_wait3A_386 : memref<10000x128xf32, #tpu.memory_space<hbm>>) dst(%arg13 : memref<128x128xf32, #tpu.memory_space<vmem>>)
        "tpu.region"() ({
          %run_scoped3A = tpu.sem_alloc : memref<!tpu.dma_semaphore, #tpu.memory_space<semaphore_mem>>
          %dma_start3A = arith.constant 0 : i32
          %dma_start3A_387 = arith.constant 0 : i32
          %dma_start3A_388 = tpu.memref_slice %arg21[%dma_start3A, %dma_start3A_387] : memref<5008x128xf32, #tpu.memory_space<vmem_shared>> -> memref<5008x128xf32, #tpu.memory_space<vmem_shared>>
          tpu.enqueue_indirect_dma source(%arg12 : memref<128x128xf32, #tpu.memory_space<vmem>>) target(%dma_start3A_388 : memref<5008x128xf32, #tpu.memory_space<vmem_shared>>) offsets(%arg10 : memref<128xi32, #tpu.memory_space<vmem>>) semaphore(%run_scoped3A : memref<!tpu.dma_semaphore, #tpu.memory_space<semaphore_mem>>) {add = true}
          %dma_wait3A_389 = arith.constant 0 : i32
          %dma_wait3A_390 = arith.constant 0 : i32
          %dma_wait3A_391 = tpu.memref_slice %arg21[%dma_wait3A_389, %dma_wait3A_390] : memref<5008x128xf32, #tpu.memory_space<vmem_shared>> -> memref<5008x128xf32, #tpu.memory_space<vmem_shared>>
          tpu.wait_indirect_dma semaphore(%run_scoped3A : memref<!tpu.dma_semaphore, #tpu.memory_space<semaphore_mem>>) src(%arg12 : memref<128x128xf32, #tpu.memory_space<vmem>>) dst(%dma_wait3A_391 : memref<5008x128xf32, #tpu.memory_space<vmem_shared>>)
          tpu.yield
        }) : () -> ()
        "tpu.region"() ({
          %run_scoped3A = tpu.sem_alloc : memref<!tpu.dma_semaphore, #tpu.memory_space<semaphore_mem>>
          %dma_start3A = arith.constant 0 : i32
          %dma_start3A_387 = arith.constant 0 : i32
          %dma_start3A_388 = tpu.memref_slice %arg21[%dma_start3A, %dma_start3A_387] : memref<5008x128xf32, #tpu.memory_space<vmem_shared>> -> memref<5008x128xf32, #tpu.memory_space<vmem_shared>>
          tpu.enqueue_indirect_dma source(%arg13 : memref<128x128xf32, #tpu.memory_space<vmem>>) target(%dma_start3A_388 : memref<5008x128xf32, #tpu.memory_space<vmem_shared>>) offsets(%arg11 : memref<128xi32, #tpu.memory_space<vmem>>) semaphore(%run_scoped3A : memref<!tpu.dma_semaphore, #tpu.memory_space<semaphore_mem>>) {add = true}
          %dma_wait3A_389 = arith.constant 0 : i32
          %dma_wait3A_390 = arith.constant 0 : i32
          %dma_wait3A_391 = tpu.memref_slice %arg21[%dma_wait3A_389, %dma_wait3A_390] : memref<5008x128xf32, #tpu.memory_space<vmem_shared>> -> memref<5008x128xf32, #tpu.memory_space<vmem_shared>>
          tpu.wait_indirect_dma semaphore(%run_scoped3A : memref<!tpu.dma_semaphore, #tpu.memory_space<semaphore_mem>>) src(%arg13 : memref<128x128xf32, #tpu.memory_space<vmem>>) dst(%dma_wait3A_391 : memref<5008x128xf32, #tpu.memory_space<vmem_shared>>)
          tpu.yield
        }) : () -> ()
      } else {
      }
      %eq3A_377 = arith.constant 0 : i32
      %eq3A_378 = arith.cmpi eq, %squeeze3A, %eq3A_377 : i32
      %convert_element_type3A_379 = arith.extui %eq3A_378 : i1 to i32
      %cond3A_380 = arith.constant 0 : i32
      %cond3A_381 = arith.cmpi ne, %convert_element_type3A_379, %cond3A_380 : i32
      scf.if %cond3A_381 {
        "tpu.region"() ({
          %run_scoped3A = tpu.sem_alloc : memref<!tpu.dma_semaphore, #tpu.memory_space<semaphore_mem>>
          %dma_start3A = arith.constant 0 : i32
          %dma_start3A_382 = arith.constant 0 : i32
          %dma_start3A_383 = tpu.memref_slice %arg21[%dma_start3A, %dma_start3A_382] : memref<5008x128xf32, #tpu.memory_space<vmem_shared>> -> memref<5008x128xf32, #tpu.memory_space<vmem_shared>>
          tpu.enqueue_indirect_dma source(%arg12 : memref<128x128xf32, #tpu.memory_space<vmem>>) target(%dma_start3A_383 : memref<5008x128xf32, #tpu.memory_space<vmem_shared>>) offsets(%arg10 : memref<128xi32, #tpu.memory_space<vmem>>) semaphore(%run_scoped3A : memref<!tpu.dma_semaphore, #tpu.memory_space<semaphore_mem>>) {add = true}
          %dma_wait3A = arith.constant 0 : i32
          %dma_wait3A_384 = arith.constant 0 : i32
          %dma_wait3A_385 = tpu.memref_slice %arg21[%dma_wait3A, %dma_wait3A_384] : memref<5008x128xf32, #tpu.memory_space<vmem_shared>> -> memref<5008x128xf32, #tpu.memory_space<vmem_shared>>
          tpu.wait_indirect_dma semaphore(%run_scoped3A : memref<!tpu.dma_semaphore, #tpu.memory_space<semaphore_mem>>) src(%arg12 : memref<128x128xf32, #tpu.memory_space<vmem>>) dst(%dma_wait3A_385 : memref<5008x128xf32, #tpu.memory_space<vmem_shared>>)
          tpu.yield
        }) : () -> ()
        "tpu.region"() ({
          %run_scoped3A = tpu.sem_alloc : memref<!tpu.dma_semaphore, #tpu.memory_space<semaphore_mem>>
          %dma_start3A = arith.constant 0 : i32
          %dma_start3A_382 = arith.constant 0 : i32
          %dma_start3A_383 = tpu.memref_slice %arg21[%dma_start3A, %dma_start3A_382] : memref<5008x128xf32, #tpu.memory_space<vmem_shared>> -> memref<5008x128xf32, #tpu.memory_space<vmem_shared>>
          tpu.enqueue_indirect_dma source(%arg12 : memref<128x128xf32, #tpu.memory_space<vmem>>) target(%dma_start3A_383 : memref<5008x128xf32, #tpu.memory_space<vmem_shared>>) offsets(%arg11 : memref<128xi32, #tpu.memory_space<vmem>>) semaphore(%run_scoped3A : memref<!tpu.dma_semaphore, #tpu.memory_space<semaphore_mem>>) {add = true}
          %dma_wait3A = arith.constant 0 : i32
          %dma_wait3A_384 = arith.constant 0 : i32
          %dma_wait3A_385 = tpu.memref_slice %arg21[%dma_wait3A, %dma_wait3A_384] : memref<5008x128xf32, #tpu.memory_space<vmem_shared>> -> memref<5008x128xf32, #tpu.memory_space<vmem_shared>>
          tpu.wait_indirect_dma semaphore(%run_scoped3A : memref<!tpu.dma_semaphore, #tpu.memory_space<semaphore_mem>>) src(%arg12 : memref<128x128xf32, #tpu.memory_space<vmem>>) dst(%dma_wait3A_385 : memref<5008x128xf32, #tpu.memory_space<vmem_shared>>)
          tpu.yield
        }) : () -> ()
      } else {
      }
    } else {
    }
    %barrier3A_70 = arith.constant 0 : index
    tpu.barrier barrier_id(%barrier3A_70)
    %lt3A_71 = arith.constant 15 : i32
    %lt3A_72 = arith.cmpi slt, %arg1, %lt3A_71 : i32
    %convert_element_type3A_73 = arith.extui %lt3A_72 : i1 to i32
    %cond3A_74 = arith.constant 0 : i32
    %cond3A_75 = arith.cmpi ne, %convert_element_type3A_73, %cond3A_74 : i32
    scf.if %cond3A_75 {
      %mul3A_81 = arith.constant 312 : i32
      %mul3A_82 = arith.muli %arg1, %mul3A_81 : i32
      %mul3A_83 = arith.constant 312 : i32
      %mul3A_84 = arith.muli %arg1, %mul3A_83 : i32
      "tpu.region"() ({
        %run_scoped3A = tpu.sem_alloc : memref<!tpu.dma_semaphore, #tpu.memory_space<semaphore_mem>>
        %dma_start3A = arith.constant 0 : i32
        %dma_start3A_85 = tpu.memref_slice %arg7[%arg0, %mul3A_84, %dma_start3A] : memref<2x5000x128xf32, #tpu.memory_space<hbm>> -> memref<1x312x128xf32, #tpu.memory_space<hbm>>
        %dma_start3A_86 = tpu.memref_squeeze %dma_start3A_85 : memref<1x312x128xf32, #tpu.memory_space<hbm>> -> memref<312x128xf32, #tpu.memory_space<hbm>>
        %dma_start3A_87 = arith.constant 0 : i32
        %dma_start3A_88 = tpu.memref_slice %arg21[%mul3A_82, %dma_start3A_87] : memref<5008x128xf32, #tpu.memory_space<vmem_shared>> -> memref<312x128xf32, #tpu.memory_space<vmem_shared>>
        tpu.enqueue_dma source(%dma_start3A_88 : memref<312x128xf32, #tpu.memory_space<vmem_shared>>) target(%dma_start3A_86 : memref<312x128xf32, #tpu.memory_space<hbm>>) target_semaphore(%run_scoped3A : memref<!tpu.dma_semaphore, #tpu.memory_space<semaphore_mem>>)
        %dma_wait3A = arith.constant 0 : i32
        %dma_wait3A_89 = tpu.memref_slice %arg7[%arg0, %mul3A_84, %dma_wait3A] : memref<2x5000x128xf32, #tpu.memory_space<hbm>> -> memref<1x312x128xf32, #tpu.memory_space<hbm>>
        %dma_wait3A_90 = tpu.memref_squeeze %dma_wait3A_89 : memref<1x312x128xf32, #tpu.memory_space<hbm>> -> memref<312x128xf32, #tpu.memory_space<hbm>>
        %dma_wait3A_91 = arith.constant 0 : i32
        %dma_wait3A_92 = tpu.memref_slice %arg21[%mul3A_82, %dma_wait3A_91] : memref<5008x128xf32, #tpu.memory_space<vmem_shared>> -> memref<312x128xf32, #tpu.memory_space<vmem_shared>>
        tpu.wait_dma2 semaphore(%run_scoped3A : memref<!tpu.dma_semaphore, #tpu.memory_space<semaphore_mem>>) src(%dma_wait3A_92 : memref<312x128xf32, #tpu.memory_space<vmem_shared>>) dst(%dma_wait3A_90 : memref<312x128xf32, #tpu.memory_space<hbm>>)
        tpu.yield
      }) : () -> ()
    } else {
    }
    %eq3A_76 = arith.constant 15 : i32
    %eq3A_77 = arith.cmpi eq, %arg1, %eq3A_76 : i32
    %convert_element_type3A_78 = arith.extui %eq3A_77 : i1 to i32
    %cond3A_79 = arith.constant 0 : i32
    %cond3A_80 = arith.cmpi ne, %convert_element_type3A_78, %cond3A_79 : i32
    scf.if %cond3A_80 {
      "tpu.region"() ({
        %run_scoped3A = tpu.sem_alloc : memref<!tpu.dma_semaphore, #tpu.memory_space<semaphore_mem>>
        %dma_start3A = arith.constant 4680 : i32
        %dma_start3A_81 = arith.constant 0 : i32
        %dma_start3A_82 = tpu.memref_slice %arg7[%arg0, %dma_start3A, %dma_start3A_81] : memref<2x5000x128xf32, #tpu.memory_space<hbm>> -> memref<1x320x128xf32, #tpu.memory_space<hbm>>
        %dma_start3A_83 = tpu.memref_squeeze %dma_start3A_82 : memref<1x320x128xf32, #tpu.memory_space<hbm>> -> memref<320x128xf32, #tpu.memory_space<hbm>>
        %dma_start3A_84 = arith.constant 4680 : i32
        %dma_start3A_85 = arith.constant 0 : i32
        %dma_start3A_86 = tpu.memref_slice %arg21[%dma_start3A_84, %dma_start3A_85] : memref<5008x128xf32, #tpu.memory_space<vmem_shared>> -> memref<320x128xf32, #tpu.memory_space<vmem_shared>>
        tpu.enqueue_dma source(%dma_start3A_86 : memref<320x128xf32, #tpu.memory_space<vmem_shared>>) target(%dma_start3A_83 : memref<320x128xf32, #tpu.memory_space<hbm>>) target_semaphore(%run_scoped3A : memref<!tpu.dma_semaphore, #tpu.memory_space<semaphore_mem>>)
        %dma_wait3A = arith.constant 4680 : i32
        %dma_wait3A_87 = arith.constant 0 : i32
        %dma_wait3A_88 = tpu.memref_slice %arg7[%arg0, %dma_wait3A, %dma_wait3A_87] : memref<2x5000x128xf32, #tpu.memory_space<hbm>> -> memref<1x320x128xf32, #tpu.memory_space<hbm>>
        %dma_wait3A_89 = tpu.memref_squeeze %dma_wait3A_88 : memref<1x320x128xf32, #tpu.memory_space<hbm>> -> memref<320x128xf32, #tpu.memory_space<hbm>>
        %dma_wait3A_90 = arith.constant 4680 : i32
        %dma_wait3A_91 = arith.constant 0 : i32
        %dma_wait3A_92 = tpu.memref_slice %arg21[%dma_wait3A_90, %dma_wait3A_91] : memref<5008x128xf32, #tpu.memory_space<vmem_shared>> -> memref<320x128xf32, #tpu.memory_space<vmem_shared>>
        tpu.wait_dma2 semaphore(%run_scoped3A : memref<!tpu.dma_semaphore, #tpu.memory_space<semaphore_mem>>) src(%dma_wait3A_92 : memref<320x128xf32, #tpu.memory_space<vmem_shared>>) dst(%dma_wait3A_89 : memref<320x128xf32, #tpu.memory_space<hbm>>)
        tpu.yield
      }) : () -> ()
    } else {
    }
    return
  }
}

module attributes {stable_mosaic.version = 14 : i64} {
  func.func @_lin1_body(%arg0: i32, %arg1: memref<1000x128xf32, #tpu.memory_space<vmem>>, %arg2: memref<128x128xf32, #tpu.memory_space<vmem>>, %arg3: memref<128x128xf32, #tpu.memory_space<vmem>>, %arg4: memref<1x128xf32, #tpu.memory_space<vmem>>, %arg5: memref<1000x128xf32, #tpu.memory_space<vmem>>, %arg6: memref<1000x128xf32, #tpu.memory_space<vmem>>) attributes {dimension_semantics = [#tpu.dimension_semantics<arbitrary>], iteration_bounds = array<i64: 10>, scalar_prefetch = 0 : i64, scratch_operands = 0 : i64, tpu.core_type = #tpu.core_type<tc>, window_params = [{transform_indices = @transform_0, window_bounds = array<i64: 1000, 128>}, {pipeline_mode = #tpu.pipeline_mode<synchronous>, transform_indices = @transform_1, window_bounds = array<i64: 128, 128>}, {pipeline_mode = #tpu.pipeline_mode<synchronous>, transform_indices = @transform_2, window_bounds = array<i64: 128, 128>}, {pipeline_mode = #tpu.pipeline_mode<synchronous>, transform_indices = @transform_3, window_bounds = array<i64: 1, 128>}, {transform_indices = @transform_4, window_bounds = array<i64: 1000, 128>}, {transform_indices = @transform_5, window_bounds = array<i64: 1000, 128>}]} {
    %get3A = arith.constant 0 : index
    %get3A_0 = arith.constant 0 : index
    %get3A_1 = vector.load %arg1[%get3A, %get3A_0] : memref<1000x128xf32, #tpu.memory_space<vmem>>, vector<1000x128xf32>
    %get3A_2 = arith.constant 0 : index
    %get3A_3 = arith.constant 0 : index
    %get3A_4 = vector.load %arg2[%get3A_2, %get3A_3] : memref<128x128xf32, #tpu.memory_space<vmem>>, vector<128x128xf32>
    %dot_general3A = arith.constant dense<0.000000e+00> : vector<1000x128xf32>
    %dot_general3A_5 = tpu.matmul %get3A_1, %get3A_4, %dot_general3A {dimension_numbers = #tpu.dot_dimension_numbers<[1], [0], [0], [1], [0, 0, 1, 1], [], []>, transpose_lhs_hint = false} : vector<1000x128xf32>, vector<128x128xf32>, vector<1000x128xf32> -> vector<1000x128xf32>
    %swap3A = arith.constant 0 : index
    %swap3A_6 = arith.constant 0 : index
    %swap3A_7 = vector.load %arg5[%swap3A, %swap3A_6] : memref<1000x128xf32, #tpu.memory_space<vmem>>, vector<1000x128xf32>
    tpu.vector_store %arg5[%swap3A, %swap3A_6], %dot_general3A_5 {strides = array<i32>} : memref<1000x128xf32, #tpu.memory_space<vmem>>, vector<1000x128xf32>,
    %get3A_8 = arith.constant 0 : index
    %get3A_9 = arith.constant 0 : index
    %get3A_10 = vector.load %arg3[%get3A_8, %get3A_9] : memref<128x128xf32, #tpu.memory_space<vmem>>, vector<128x128xf32>
    %dot_general3A_11 = arith.constant dense<0.000000e+00> : vector<1000x128xf32>
    %dot_general3A_12 = tpu.matmul %get3A_1, %get3A_10, %dot_general3A_11 {dimension_numbers = #tpu.dot_dimension_numbers<[1], [0], [0], [1], [0, 0, 1, 1], [], []>, transpose_lhs_hint = false} : vector<1000x128xf32>, vector<128x128xf32>, vector<1000x128xf32> -> vector<1000x128xf32>
    %get3A_13 = arith.constant 0 : index
    %get3A_14 = arith.constant 0 : index
    %get3A_15 = vector.load %arg4[%get3A_13, %get3A_14] : memref<1x128xf32, #tpu.memory_space<vmem>>, vector<1x128xf32>
    %add3A = vector.broadcast %get3A_15 : vector<1x128xf32> to vector<1000x128xf32>
    %add3A_16 = arith.addf %dot_general3A_12, %add3A : vector<1000x128xf32>
    %swap3A_17 = arith.constant 0 : index
    %swap3A_18 = arith.constant 0 : index
    %swap3A_19 = vector.load %arg6[%swap3A_17, %swap3A_18] : memref<1000x128xf32, #tpu.memory_space<vmem>>, vector<1000x128xf32>
    tpu.vector_store %arg6[%swap3A_17, %swap3A_18], %add3A_16 {strides = array<i32>} : memref<1000x128xf32, #tpu.memory_space<vmem>>, vector<1000x128xf32>,
    return
  }
  func.func @transform_0(%arg0: i32) -> (i32, i32) {
    %c0_i32 = arith.constant 0 : i32
    %c0_i32_0 = arith.constant 0 : i32
    return %arg0, %c0_i32 : i32, i32
  }
  func.func @transform_1(%arg0: i32) -> (i32, i32) {
    %c0_i32 = arith.constant 0 : i32
    %c0_i32_0 = arith.constant 0 : i32
    %c0_i32_1 = arith.constant 0 : i32
    return %c0_i32, %c0_i32_0 : i32, i32
  }
  func.func @transform_2(%arg0: i32) -> (i32, i32) {
    %c0_i32 = arith.constant 0 : i32
    %c0_i32_0 = arith.constant 0 : i32
    %c0_i32_1 = arith.constant 0 : i32
    return %c0_i32, %c0_i32_0 : i32, i32
  }
  func.func @transform_3(%arg0: i32) -> (i32, i32) {
    %c0_i32 = arith.constant 0 : i32
    %c0_i32_0 = arith.constant 0 : i32
    %c0_i32_1 = arith.constant 0 : i32
    return %c0_i32, %c0_i32_0 : i32, i32
  }
  func.func @transform_4(%arg0: i32) -> (i32, i32) {
    %c0_i32 = arith.constant 0 : i32
    %c0_i32_0 = arith.constant 0 : i32
    return %arg0, %c0_i32 : i32, i32
  }
  func.func @transform_5(%arg0: i32) -> (i32, i32) {
    %c0_i32 = arith.constant 0 : i32
    %c0_i32_0 = arith.constant 0 : i32
    return %arg0, %c0_i32 : i32, i32
  }
}

module attributes {stable_mosaic.version = 14 : i64} {
  func.func @_stage_body(%arg0: i32, %arg1: memref<1x1000x128xf32, #tpu.memory_space<vmem>>, %arg2: memref<1000x128xf32, #tpu.memory_space<vmem>>, %arg3: memref<1000x128xf32, #tpu.memory_space<vmem>>, %arg4: memref<1000x128xf32, #tpu.memory_space<vmem>>, %arg5: memref<128x128xf32, #tpu.memory_space<vmem>>, %arg6: memref<128x128xf32, #tpu.memory_space<vmem>>, %arg7: memref<1x128xf32, #tpu.memory_space<vmem>>, %arg8: memref<1x128xf32, #tpu.memory_space<vmem>>, %arg9: memref<1x128xf32, #tpu.memory_space<vmem>>, %arg10: memref<1000x128xf32, #tpu.memory_space<vmem>>, %arg11: memref<1000x128xf32, #tpu.memory_space<vmem>>, %arg12: memref<1000x128xf32, #tpu.memory_space<vmem>>, %arg13: memref<1000x128xf32, #tpu.memory_space<vmem>>) attributes {dimension_semantics = [#tpu.dimension_semantics<arbitrary>], iteration_bounds = array<i64: 10>, scalar_prefetch = 0 : i64, scratch_operands = 0 : i64, tpu.core_type = #tpu.core_type<tc>, window_params = [{transform_indices = @transform_0, window_bounds = array<i64: 1, 1000, 128>}, {transform_indices = @transform_1, window_bounds = array<i64: 1000, 128>}, {transform_indices = @transform_2, window_bounds = array<i64: 1000, 128>}, {transform_indices = @transform_3, window_bounds = array<i64: 1000, 128>}, {pipeline_mode = #tpu.pipeline_mode<synchronous>, transform_indices = @transform_4, window_bounds = array<i64: 128, 128>}, {pipeline_mode = #tpu.pipeline_mode<synchronous>, transform_indices = @transform_5, window_bounds = array<i64: 128, 128>}, {pipeline_mode = #tpu.pipeline_mode<synchronous>, transform_indices = @transform_6, window_bounds = array<i64: 1, 128>}, {pipeline_mode = #tpu.pipeline_mode<synchronous>, transform_indices = @transform_7, window_bounds = array<i64: 1, 128>}, {pipeline_mode = #tpu.pipeline_mode<synchronous>, transform_indices = @transform_8, window_bounds = array<i64: 1, 128>}, {transform_indices = @transform_9, window_bounds = array<i64: 1000, 128>}, {transform_indices = @transform_10, window_bounds = array<i64: 1000, 128>}, {transform_indices = @transform_11, window_bounds = array<i64: 1000, 128>}, {transform_indices = @transform_12, window_bounds = array<i64: 1000, 128>}]} {
    %get3A = arith.constant 0 : index
    %get3A_0 = arith.constant 0 : index
    %get3A_1 = arith.constant 0 : index
    %get3A_2 = vector.load %arg1[%get3A, %get3A_0, %get3A_1] : memref<1x1000x128xf32, #tpu.memory_space<vmem>>, vector<1x1000x128xf32>
    %get3A_3 = vector.shape_cast %get3A_2 : vector<1x1000x128xf32> to vector<1000x128xf32>
    %get3A_4 = arith.constant 0 : index
    %get3A_5 = arith.constant 0 : index
    %get3A_6 = vector.load %arg8[%get3A_4, %get3A_5] : memref<1x128xf32, #tpu.memory_space<vmem>>, vector<1x128xf32>
    %get3A_7 = arith.constant 0 : index
    %get3A_8 = arith.constant 0 : index
    %get3A_9 = vector.load %arg9[%get3A_7, %get3A_8] : memref<1x128xf32, #tpu.memory_space<vmem>>, vector<1x128xf32>
    %slice3A = vector.extract_strided_slice %get3A_3 {offsets = [0, 0], sizes = [1000, 1], strides = [1, 1]} : vector<1000x128xf32> to vector<1000x1xf32>
    %broadcast_in_dim3A = arith.constant 1.000000e+00 : f32
    %broadcast_in_dim3A_10 = vector.broadcast %broadcast_in_dim3A : f32 to vector<1x128xf32>
    %mul3A = vector.broadcast %slice3A : vector<1000x1xf32> to vector<1000x128xf32>
    %mul3A_11 = vector.broadcast %broadcast_in_dim3A_10 : vector<1x128xf32> to vector<1000x128xf32>
    %mul3A_12 = arith.mulf %mul3A, %mul3A_11 : vector<1000x128xf32>
    %mul3A_13 = vector.broadcast %get3A_6 : vector<1x128xf32> to vector<1000x128xf32>
    %mul3A_14 = arith.mulf %mul3A_13, %mul3A_12 : vector<1000x128xf32>
    %sub3A = arith.constant 1.000000e+00 : f32
    %sub3A_15 = vector.broadcast %sub3A : f32 to vector<1x128xf32>
    %sub3A_16 = arith.subf %sub3A_15, %get3A_6 : vector<1x128xf32>
    %get3A_17 = arith.constant 0 : index
    %get3A_18 = arith.constant 0 : index
    %get3A_19 = vector.load %arg4[%get3A_17, %get3A_18] : memref<1000x128xf32, #tpu.memory_space<vmem>>, vector<1000x128xf32>
    %mul3A_20 = vector.broadcast %sub3A_16 : vector<1x128xf32> to vector<1000x128xf32>
    %mul3A_21 = arith.mulf %mul3A_20, %get3A_19 : vector<1000x128xf32>
    %add3A = arith.addf %mul3A_14, %mul3A_21 : vector<1000x128xf32>
    %swap3A = arith.constant 0 : index
    %swap3A_22 = arith.constant 0 : index
    %swap3A_23 = vector.load %arg12[%swap3A, %swap3A_22] : memref<1000x128xf32, #tpu.memory_space<vmem>>, vector<1000x128xf32>
    tpu.vector_store %arg12[%swap3A, %swap3A_22], %add3A {strides = array<i32>} : memref<1000x128xf32, #tpu.memory_space<vmem>>, vector<1000x128xf32>,
    %slice3A_24 = vector.extract_strided_slice %add3A {offsets = [0, 0], sizes = [1000, 1], strides = [1, 1]} : vector<1000x128xf32> to vector<1000x1xf32>
    %max3A = arith.constant 1.000000e+00 : f32
    %max3A_25 = vector.broadcast %max3A : f32 to vector<1000x1xf32>
    %max3A_26 = arith.maximumf %slice3A_24, %max3A_25 : vector<1000x1xf32>
    %div3A = vector.broadcast %max3A_26 : vector<1000x1xf32> to vector<1000x128xf32>
    %div3A_27 = arith.divf %get3A_3, %div3A : vector<1000x128xf32>
    %get3A_28 = arith.constant 0 : index
    %get3A_29 = arith.constant 0 : index
    %get3A_30 = vector.load %arg3[%get3A_28, %get3A_29] : memref<1000x128xf32, #tpu.memory_space<vmem>>, vector<1000x128xf32>
    %add3A_31 = arith.addf %div3A_27, %get3A_30 : vector<1000x128xf32>
    %swap3A_32 = arith.constant 0 : index
    %swap3A_33 = arith.constant 0 : index
    %swap3A_34 = vector.load %arg13[%swap3A_32, %swap3A_33] : memref<1000x128xf32, #tpu.memory_space<vmem>>, vector<1000x128xf32>
    tpu.vector_store %arg13[%swap3A_32, %swap3A_33], %add3A_31 {strides = array<i32>} : memref<1000x128xf32, #tpu.memory_space<vmem>>, vector<1000x128xf32>,
    %sub3A_35 = arith.constant 1.000000e+00 : f32
    %sub3A_36 = vector.broadcast %sub3A_35 : f32 to vector<1x128xf32>
    %sub3A_37 = arith.subf %sub3A_36, %get3A_9 : vector<1x128xf32>
    %mul3A_38 = vector.broadcast %sub3A_37 : vector<1x128xf32> to vector<1000x128xf32>
    %mul3A_39 = arith.mulf %mul3A_38, %add3A_31 : vector<1000x128xf32>
    %max3A_40 = arith.maximumf %add3A_31, %mul3A_39 : vector<1000x128xf32>
    %get3A_41 = arith.constant 0 : index
    %get3A_42 = arith.constant 0 : index
    %get3A_43 = vector.load %arg5[%get3A_41, %get3A_42] : memref<128x128xf32, #tpu.memory_space<vmem>>, vector<128x128xf32>
    %dot_general3A = arith.constant dense<0.000000e+00> : vector<1000x128xf32>
    %dot_general3A_44 = tpu.matmul %max3A_40, %get3A_43, %dot_general3A {dimension_numbers = #tpu.dot_dimension_numbers<[1], [0], [0], [1], [0, 0, 1, 1], [], []>, transpose_lhs_hint = false} : vector<1000x128xf32>, vector<128x128xf32>, vector<1000x128xf32> -> vector<1000x128xf32>
    %get3A_45 = arith.constant 0 : index
    %get3A_46 = arith.constant 0 : index
    %get3A_47 = vector.load %arg6[%get3A_45, %get3A_46] : memref<128x128xf32, #tpu.memory_space<vmem>>, vector<128x128xf32>
    %dot_general3A_48 = arith.constant dense<0.000000e+00> : vector<1000x128xf32>
    %dot_general3A_49 = tpu.matmul %max3A_40, %get3A_47, %dot_general3A_48 {dimension_numbers = #tpu.dot_dimension_numbers<[1], [0], [0], [1], [0, 0, 1, 1], [], []>, transpose_lhs_hint = false} : vector<1000x128xf32>, vector<128x128xf32>, vector<1000x128xf32> -> vector<1000x128xf32>
    %get3A_50 = arith.constant 0 : index
    %get3A_51 = arith.constant 0 : index
    %get3A_52 = vector.load %arg7[%get3A_50, %get3A_51] : memref<1x128xf32, #tpu.memory_space<vmem>>, vector<1x128xf32>
    %add3A_53 = vector.broadcast %get3A_52 : vector<1x128xf32> to vector<1000x128xf32>
    %add3A_54 = arith.addf %dot_general3A_49, %add3A_53 : vector<1000x128xf32>
    %get3A_55 = arith.constant 0 : index
    %get3A_56 = arith.constant 0 : index
    %get3A_57 = vector.load %arg2[%get3A_55, %get3A_56] : memref<1000x128xf32, #tpu.memory_space<vmem>>, vector<1000x128xf32>
    %mul3A_58 = vector.broadcast %get3A_6 : vector<1x128xf32> to vector<1000x128xf32>
    %mul3A_59 = arith.mulf %mul3A_58, %get3A_57 : vector<1000x128xf32>
    %sub3A_60 = arith.constant 1.000000e+00 : f32
    %sub3A_61 = vector.broadcast %sub3A_60 : f32 to vector<1x128xf32>
    %sub3A_62 = arith.subf %sub3A_61, %get3A_6 : vector<1x128xf32>
    %mul3A_63 = vector.broadcast %sub3A_62 : vector<1x128xf32> to vector<1000x128xf32>
    %mul3A_64 = arith.mulf %mul3A_63, %dot_general3A_44 : vector<1000x128xf32>
    %add3A_65 = arith.addf %mul3A_59, %mul3A_64 : vector<1000x128xf32>
    %swap3A_66 = arith.constant 0 : index
    %swap3A_67 = arith.constant 0 : index
    %swap3A_68 = vector.load %arg10[%swap3A_66, %swap3A_67] : memref<1000x128xf32, #tpu.memory_space<vmem>>, vector<1000x128xf32>
    tpu.vector_store %arg10[%swap3A_66, %swap3A_67], %add3A_65 {strides = array<i32>} : memref<1000x128xf32, #tpu.memory_space<vmem>>, vector<1000x128xf32>,
    %get3A_69 = arith.constant 0 : index
    %get3A_70 = arith.constant 0 : index
    %get3A_71 = vector.load %arg3[%get3A_69, %get3A_70] : memref<1000x128xf32, #tpu.memory_space<vmem>>, vector<1000x128xf32>
    %mul3A_72 = vector.broadcast %get3A_6 : vector<1x128xf32> to vector<1000x128xf32>
    %mul3A_73 = arith.mulf %mul3A_72, %get3A_71 : vector<1000x128xf32>
    %sub3A_74 = arith.constant 1.000000e+00 : f32
    %sub3A_75 = vector.broadcast %sub3A_74 : f32 to vector<1x128xf32>
    %sub3A_76 = arith.subf %sub3A_75, %get3A_6 : vector<1x128xf32>
    %mul3A_77 = vector.broadcast %sub3A_76 : vector<1x128xf32> to vector<1000x128xf32>
    %mul3A_78 = arith.mulf %mul3A_77, %add3A_54 : vector<1000x128xf32>
    %add3A_79 = arith.addf %mul3A_73, %mul3A_78 : vector<1000x128xf32>
    %swap3A_80 = arith.constant 0 : index
    %swap3A_81 = arith.constant 0 : index
    %swap3A_82 = vector.load %arg11[%swap3A_80, %swap3A_81] : memref<1000x128xf32, #tpu.memory_space<vmem>>, vector<1000x128xf32>
    tpu.vector_store %arg11[%swap3A_80, %swap3A_81], %add3A_79 {strides = array<i32>} : memref<1000x128xf32, #tpu.memory_space<vmem>>, vector<1000x128xf32>,
    return
  }
  func.func @transform_0(%arg0: i32) -> (i32, i32, i32) {
    %jit3A = arith.constant 5 : i32
    %div3A = arith.divsi %arg0, %jit3A : i32
    %sign3A = arith.constant 0 : i32
    %sign3A_0 = arith.cmpi sgt, %arg0, %sign3A : i32
    %sign3A_1 = arith.extui %sign3A_0 : i1 to i32
    %sign3A_2 = arith.constant 0 : i32
    %sign3A_3 = arith.cmpi slt, %arg0, %sign3A_2 : i32
    %sign3A_4 = arith.extui %sign3A_3 : i1 to i32
    %sign3A_5 = arith.subi %sign3A_1, %sign3A_4 : i32
    %sign3A_6 = arith.constant 0 : i32
    %sign3A_7 = arith.cmpi sgt, %jit3A, %sign3A_6 : i32
    %sign3A_8 = arith.extui %sign3A_7 : i1 to i32
    %sign3A_9 = arith.constant 0 : i32
    %sign3A_10 = arith.cmpi slt, %jit3A, %sign3A_9 : i32
    %sign3A_11 = arith.extui %sign3A_10 : i1 to i32
    %sign3A_12 = arith.subi %sign3A_8, %sign3A_11 : i32
    %ne3A = arith.cmpi ne, %sign3A_5, %sign3A_12 : i32
    %rem3A = arith.remsi %arg0, %jit3A : i32
    %ne3A_13 = arith.constant 0 : i32
    %ne3A_14 = arith.cmpi ne, %rem3A, %ne3A_13 : i32
    %and3A = arith.andi %ne3A, %ne3A_14 : i1
    %sub3A = arith.constant 1 : i32
    %sub3A_15 = arith.subi %div3A, %sub3A : i32
    %select_n3A = arith.select %and3A, %sub3A_15, %div3A : i32
    %jit3A_16 = arith.constant 5 : i32
    %eq3A = arith.constant 0 : i32
    %eq3A_17 = arith.cmpi eq, %jit3A_16, %eq3A : i32
    %jit3A_18 = arith.constant 1 : i32
    %select_n3A_19 = arith.select %eq3A_17, %jit3A_18, %jit3A_16 : i32
    %rem3A_20 = arith.remsi %arg0, %select_n3A_19 : i32
    %ne3A_21 = arith.constant 0 : i32
    %ne3A_22 = arith.cmpi ne, %rem3A_20, %ne3A_21 : i32
    %lt3A = arith.constant 0 : i32
    %lt3A_23 = arith.cmpi slt, %rem3A_20, %lt3A : i32
    %lt3A_24 = arith.constant 0 : i32
    %lt3A_25 = arith.cmpi slt, %select_n3A_19, %lt3A_24 : i32
    %ne3A_26 = arith.xori %lt3A_23, %lt3A_25 : i1
    %and3A_27 = arith.andi %ne3A_26, %ne3A_22 : i1
    %add3A = arith.addi %rem3A_20, %select_n3A_19 : i32
    %select_n3A_28 = arith.select %and3A_27, %add3A, %rem3A_20 : i32
    %c0_i32 = arith.constant 0 : i32
    %c0_i32_29 = arith.constant 0 : i32
    return %select_n3A, %select_n3A_28, %c0_i32 : i32, i32, i32
  }
  func.func @transform_1(%arg0: i32) -> (i32, i32) {
    %c0_i32 = arith.constant 0 : i32
    %c0_i32_0 = arith.constant 0 : i32
    return %arg0, %c0_i32 : i32, i32
  }
  func.func @transform_2(%arg0: i32) -> (i32, i32) {
    %c0_i32 = arith.constant 0 : i32
    %c0_i32_0 = arith.constant 0 : i32
    return %arg0, %c0_i32 : i32, i32
  }
  func.func @transform_3(%arg0: i32) -> (i32, i32) {
    %c0_i32 = arith.constant 0 : i32
    %c0_i32_0 = arith.constant 0 : i32
    return %arg0, %c0_i32 : i32, i32
  }
  func.func @transform_4(%arg0: i32) -> (i32, i32) {
    %c0_i32 = arith.constant 0 : i32
    %c0_i32_0 = arith.constant 0 : i32
    %c0_i32_1 = arith.constant 0 : i32
    return %c0_i32, %c0_i32_0 : i32, i32
  }
  func.func @transform_5(%arg0: i32) -> (i32, i32) {
    %c0_i32 = arith.constant 0 : i32
    %c0_i32_0 = arith.constant 0 : i32
    %c0_i32_1 = arith.constant 0 : i32
    return %c0_i32, %c0_i32_0 : i32, i32
  }
  func.func @transform_6(%arg0: i32) -> (i32, i32) {
    %c0_i32 = arith.constant 0 : i32
    %c0_i32_0 = arith.constant 0 : i32
    %c0_i32_1 = arith.constant 0 : i32
    return %c0_i32, %c0_i32_0 : i32, i32
  }
  func.func @transform_7(%arg0: i32) -> (i32, i32) {
    %c0_i32 = arith.constant 0 : i32
    %c0_i32_0 = arith.constant 0 : i32
    %c0_i32_1 = arith.constant 0 : i32
    return %c0_i32, %c0_i32_0 : i32, i32
  }
  func.func @transform_8(%arg0: i32) -> (i32, i32) {
    %c0_i32 = arith.constant 0 : i32
    %c0_i32_0 = arith.constant 0 : i32
    %c0_i32_1 = arith.constant 0 : i32
    return %c0_i32, %c0_i32_0 : i32, i32
  }
  func.func @transform_9(%arg0: i32) -> (i32, i32) {
    %c0_i32 = arith.constant 0 : i32
    %c0_i32_0 = arith.constant 0 : i32
    return %arg0, %c0_i32 : i32, i32
  }
  func.func @transform_10(%arg0: i32) -> (i32, i32) {
    %c0_i32 = arith.constant 0 : i32
    %c0_i32_0 = arith.constant 0 : i32
    return %arg0, %c0_i32 : i32, i32
  }
  func.func @transform_11(%arg0: i32) -> (i32, i32) {
    %c0_i32 = arith.constant 0 : i32
    %c0_i32_0 = arith.constant 0 : i32
    return %arg0, %c0_i32 : i32, i32
  }
  func.func @transform_12(%arg0: i32) -> (i32, i32) {
    %c0_i32 = arith.constant 0 : i32
    %c0_i32_0 = arith.constant 0 : i32
    return %arg0, %c0_i32 : i32, i32
  }
}

</mosaic_0001>

<sc_bundles>
// kernel: closed_call.30.cloned.1.call-start
scs
__scs_entry_jumppad:
0x0: {  	(pc) =	sbr.rel $0x88, $3  }
0x1: {  	(tag) =	ssettag $0x0;
	lr =	simm.s32 $0x1  }
0x2: {  	[smem:$0x3F99] =	sst lr;
	_ =	strace $0xD0000000  }
0x3: {  	_ = 	snop  }
0x4: {  	_ = 	snop  }
0x5: {  	_ = 	snop  }
0x6: {  	_ = 	snop  }
0x7: {  	_ = 	snop  }
__scs_overlays_trampoline_lowered:
0x8: {  	[smem:$0x3FA8] =	sst s0  }
0x9: {  	[smem:$0x3FA9] =	sst s1  }
0xa: {  	[smem:$0x3FAA] =	sst s2  }
0xb: {  	[smem:$0x3FAB] =	sst s3  }
0xc: {  	[smem:$0x3FAC] =	sst s4  }
0xd: {  	[smem:$0x3FAD] =	sst s5  }
0xe: {  	[smem:$0x3FAE] =	sst s6  }
0xf: {  	[smem:$0x3FAF] =	sst s7  }
0x10: {  	[smem:$0x3FB0] =	sst s8  }
0x11: {  	[smem:$0x3FB1] =	sst s9;
	s0 =	simm.s32 @!p0 $0x0  }
0x12: {  	s1 =	sld [smem:$0x3F97];
	s0 =	simm.s32 @p0 $0x1  }
0x13: {  	[smem:$0x3FB2] =	sst s0;
	s0 =	simm.s32 @!p1 $0x0  }
0x14: {  	s2 =	sld [smem:$0x3F96];
	s0 =	simm.s32 @p1 $0x1  }
0x15: {  	[smem:$0x3FB3] =	sst s0;
	s0 =	simm.s32 @!p2 $0x0  }
0x16: {  	s3 =	sld [smem:$0x3FDB];
	s0 =	simm.s32 @p2 $0x1  }
0x17: {  	s4 =	simm.s32 $0x1BF5;
	[smem:$0x3FB5] =	sst s0  }
0x18: {  	s0 =	sld [smem:$0x3F98];
	_ =	swait.ge [sflag:s4], $0x0  }
0x19: {  	s7 =	sld [smem:$0x3F99]  }
0x1a: {  	s8 =	sadd.s32 $0xFFFFE003, lr  }
0x1b: {  	s9 =	sadd.s32 $0xFFFFFEF7, lr;
	s5 =	simm.s32 $0xFFFFFFFF;
	p2 =	slt.u32 s8, $0xFFFFF086  }
0x1c: {  	p1 =	slt.u32 s9, $0xF7A;
	s5 =	simm.s32 @!p2 $0x0  }
0x1d: {  	s5 =	simm.s32 @p1 $0x1;
	p0 =	seq.s32 s7, s2  }
0x1e: {  	s7 =	smul.u32 @!p0 $0xF7A, s2;
	p2 =	seq.s32 @!p0 s5, $0x0  }
0x1f: {  	s9 =	smul.u32 $0xF7A, s1;
	s8 =	simm.s32 @!p0 $0x1BF5;
	p2 =	por !p2, p0  }
0x20: {  	[sflag:s8] =	ssyncset.s32 @!p0 $0xFFFFF086;
	s6 =	sadd.s32 @!p0 s3, s7;
	s7 =	simm.s32 @!p0 $0x108  }
0x21: {  	s3 =	sadd.s32 s3, s9;
	s6 =	sadd.s32 @!p0 $0x88, s6;
	s7 =	simm.s32 @p2 $0x1082  }
0x22: {  	[simem:s7], [sflag:s8] =	dma.local @!p0 [hbm:s6], $0xF7A  }
0x23: {  	s9 =	sor.u32 $0xD0000000, s2;
	s6 =	simm.s32 $0x108;
	_ =	swait.ge @!p0 [sflag:s8], $0x0  }
0x24: {  	s3 =	sadd.s32 $0x88, s3;
	s6 =	simm.s32 @!p1 $0x1082;
	[sflag:s4] =	ssyncset.s32 $0xFFFFF086  }
0x25: {  	[simem:s6], [sflag:s4] =	dma.local [hbm:s3], $0xF7A  }
0x26: {  	[smem:$0x3F99] =	sst s1;
	(tag) =	ssettag s2;
	_ =	strace s9  }
0x27: {  	s1 =	sld [smem:$0x3FA9]  }
0x28: {  	s2 =	sld [smem:$0x3FAA]  }
0x29: {  	s4 =	sld [smem:$0x3FAC]  }
0x2a: {  	p0 =	seq.s32 s5, $0x0;
	s5 =	sld [smem:$0x3FAD]  }
0x2b: {  	s6 =	sld [smem:$0x3FAE]  }
0x2c: {  	s7 =	sld [smem:$0x3FAF]  }
0x2d: {  	s3 =	simm.s32 $0x108;
	s8 =	sld [smem:$0x3FB0]  }
0x2e: {  	s3 =	simm.s32 @!p0 $0x1082;
	s9 =	sld [smem:$0x3FB1]  }
0x2f: {  	lr =	sadd.s32 s0, s3;
	s0 =	sld [smem:$0x3FA8]  }
0x30: {  	s3 =	sld [smem:$0x3FAB]  }
0x31: {  	[smem:$0x3FB4] =	sst s10  }
0x32: {  	s10 =	sld [smem:$0x3FB2];
	_ =	sdelay $0x3  }
0x33: {  	p0 =	seq.s32 s10, $0x1;
	s10 =	sld [smem:$0x3FB4];
	_ =	sdelay $0x3  }
0x34: {  	[smem:$0x3FB4] =	sst s10  }
0x35: {  	s10 =	sld [smem:$0x3FB3];
	_ =	sdelay $0x3  }
0x36: {  	p1 =	seq.s32 s10, $0x1;
	s10 =	sld [smem:$0x3FB4];
	_ =	sdelay $0x3  }
0x37: {  	[smem:$0x3FB4] =	sst s10  }
0x38: {  	s10 =	sld [smem:$0x3FB5]  }
0x39: {  	_ = 	snop;
	(pc) =	sbr.ind lr, $3  }
0x3a: {  	_ = 	snop  }
0x3b: {  	_ = 	snop  }
0x3c: {  	p2 =	seq.s32 s10, $0x1;
	s10 =	sld [smem:$0x3FB4]  }
0x3d: {  	_ =	shalt  }
0x3e: {  	_ =	shalt  }
0x3f: {  	_ =	shalt  }
0x40: {  	_ =	shalt  }
0x41: {  	_ =	shalt  }
0x42: {  	_ =	shalt  }
0x43: {  	_ =	shalt  }
0x44: {  	_ =	shalt  }
0x45: {  	_ =	shalt  }
0x46: {  	_ =	shalt  }
0x47: {  	_ =	shalt  }
0x48: {  	_ =	shalt  }
0x49: {  	_ =	shalt  }
0x4a: {  	_ =	shalt  }
0x4b: {  	_ =	shalt  }
0x4c: {  	_ =	shalt  }
0x4d: {  	_ =	shalt  }
0x4e: {  	_ =	shalt  }
0x4f: {  	_ =	shalt  }
0x50: {  	_ =	shalt  }
0x51: {  	_ =	shalt  }
0x52: {  	_ =	shalt  }
0x53: {  	_ =	shalt  }
0x54: {  	_ =	shalt  }
0x55: {  	_ =	shalt  }
0x56: {  	_ =	shalt  }
0x57: {  	_ =	shalt  }
0x58: {  	_ =	shalt  }
0x59: {  	_ =	shalt  }
0x5a: {  	_ =	shalt  }
0x5b: {  	_ =	shalt  }
0x5c: {  	_ =	shalt  }
0x5d: {  	_ =	shalt  }
0x5e: {  	_ =	shalt  }
0x5f: {  	_ =	shalt  }
0x60: {  	_ =	shalt  }
0x61: {  	_ =	shalt  }
0x62: {  	_ =	shalt  }
0x63: {  	_ =	shalt  }
0x64: {  	_ =	shalt  }
0x65: {  	_ =	shalt  }
0x66: {  	_ =	shalt  }
0x67: {  	_ =	shalt  }
0x68: {  	_ =	shalt  }
0x69: {  	_ =	shalt  }
0x6a: {  	_ =	shalt  }
0x6b: {  	_ =	shalt  }
0x6c: {  	_ =	shalt  }
0x6d: {  	_ =	shalt  }
0x6e: {  	_ =	shalt  }
0x6f: {  	_ =	shalt  }
0x70: {  	_ =	shalt  }
0x71: {  	_ =	shalt  }
0x72: {  	_ =	shalt  }
0x73: {  	_ =	shalt  }
0x74: {  	_ =	shalt  }
0x75: {  	_ =	shalt  }
0x76: {  	_ =	shalt  }
0x77: {  	_ =	shalt  }
0x78: {  	_ =	shalt  }
0x79: {  	_ =	shalt  }
0x7a: {  	_ =	shalt  }
0x7b: {  	_ =	shalt  }
0x7c: {  	_ =	shalt  }
0x7d: {  	_ =	shalt  }
0x7e: {  	_ =	shalt  }
0x7f: {  	_ =	shalt  }
0x80: {  	_ =	shalt  }
0x81: {  	_ =	shalt  }
0x82: {  	_ =	shalt  }
0x83: {  	_ =	shalt  }
0x84: {  	_ =	shalt  }
0x85: {  	_ =	shalt  }
0x86: {  	_ =	shalt  }
0x87: {  	_ =	shalt  }
.Lfunc_end0:
.L_simem_size_0:
called_computation_lowered:
.L_overlay_start_0:
0x88: {  	s2 =	sld [smem:$0x3FD9]  }
0x89: {  	s3 =	sld [smem:$0x3FFE];
	_ =	sdelay $0x1  }
0x8a: {  	s1 =	srdreg.scid  }
0x8b: {  	s0 =	sand.u32 $0x1, s1  }
0x8c: {  	s17 =	sshll.u32 s0, $0xA;
	s2 =	sadd.s32 s3, s2  }
0x8d: {  	s2 =	sadd.s32 s2, s17  }
0x8e: {  	[smem:$0x3FC0] =	sst s2  }
0x8f: {  	_ = 	snop  }
0x90: {  	s2 =	sld [smem:$0x3FD0];
	(tm) =	ssettm $0x1  }
0x91: {  	s18 =	sld [smem:$0x3FFB];
	_ =	sdelay $0x3  }
0x92: {  	_ =	strace s18  }
0x93: {  	s3 =	sld [smem:$0x3FFC];
	_ =	sdelay $0x3  }
0x94: {  	_ =	strace s3  }
0x95: {  	s3 =	sld [smem:$0x3FFD];
	_ =	sdelay $0x3  }
0x96: {  	_ =	strace s3  }
0x97: {  	_ =	strace $0x8FFFFFFF  }
0x98: {  	s19 =	sld [smem:$0x3FDB];
	_ =	sdelay $0x1  }
0x99: {  	s4 =	simm.s32 $_scs_section_size  }
0x9a: {  	s5 =	simm.s32 $_size__tile_overlayer_lowered;
	s6 =	simm.s32 $_tile_overlayer_lowered  }
0x9b: {  	s22 =	simm.s32 $0x1BFF;
	s21 =	sshll.u32 s6, $0x1;
	s3 =	sadd.s32 s4, s19  }
0x9c: {  	s7 =	simm.s32 $0x0;
	s20 =	sshll.u32 s5, $0x1;
	s5 =	sadd.s32 s21, s3  }
0x9d: {  	[timem:s7], [sflag:s22] =	dma.local [hbm:s5], s20  }
0x9e: {  	_ =	swait.ge [sflag:s22], s20  }
0x9f: {  	s4 =	ssub.s32 $0x0, s20;
	[sflag:s22] =	ssyncset.done $0x0  }
0xa0: {  	[sflag:s22] =	ssyncadd.s32 s4;
	_ =	sdelay $0x1  }
0xa1: {  	s23 =	simm.s32 $0x1B8B  }
0xa2: {  	_ =	swait.ge [sflag:s23], $0x1  }
0xa3: {  	[sflag:s23] =	ssyncset.done $0x0  }
0xa4: {  	s25 =	simm.s32 $0x1B8E;
	s24 =	sld [smem:$0x3FFE];
	[sflag:s23] =	ssyncadd.s32 $0xFFFFFFFF  }
0xa5: {  	s26 =	simm.s32 $execute0_lowered;
	[smem:$0x3FD2] =	sst s25  }
0xa6: {  	s5 =	sshll.u32 s26, $0x1;
	_ =	strace $0x80000046;
	[dreg:$0x1] =	wrdreg $0xFFFFFFFF  }
0xa7: {  	s28 =	simm.s32 $_size_execute0_lowered;
	s3 =	sadd.s32 s3, s5;
	[dreg:$0x0] =	wrdreg $0x0  }
0xa8: {  	s5 =	sshll.u32 s28, $0x1;
	[dreg:$0x2] =	wrdreg s3  }
0xa9: {  	[dreg:$0x3] =	wrdreg s5  }
0xaa: {  	[dreg:$0x4] =	wrdreg $0xC0  }
0xab: {  	_ =	task [dreg:s7], $0x5FFFF  }
0xac: {  	[dreg:$0x1] =	wrdreg $0xFFFFFFFF  }
0xad: {  	[dreg:$0x0] =	wrdreg $0x60  }
0xae: {  	[dreg:$0x2] =	wrdreg s24  }
0xaf: {  	[dreg:$0x3] =	wrdreg s2  }
0xb0: {  	[dreg:$0x4] =	wrdreg $0x104800  }
0xb1: {  	[dreg:$0x5] =	wrdreg $0x9  }
0xb2: {  	_ =	task.clear_ibuf [dreg:s7], $0x6FFFF;
	_ =	strace $0x90000046  }
0xb3: {  	s29 =	simm.s32 $0x9;
	_ =	strace $0x80000048  }
0xb4: {  	_ =	swait.ge [sflag:s29], $0x1  }
0xb5: {  	[sflag:s29] =	ssyncadd.s32 $0xFFFFFFFF  }
0xb6: {  	_ =	strace $0x90000048  }
0xb7: {  	_ =	sfence  }
0xb8: {  	s30 =	sld [smem:$0x0];
	_ =	sdelay $0x2  }
0xb9: {  	s31 =	sshll.u32 s1, $0xD;
	s1 =	sshrl.u32 s1, $0x2  }
0xba: {  	s3 =	sand.u32 $0x4000, s31;
	s1 =	sadd.s32 s1, s30  }
0xbb: {  	s0 =	sor.u32 s3, s0;
	s1 =	sshll.u32 s1, $0x11  }
0xbc: {  	s0 =	sor.u32 s1, s0  }
0xbd: {  	s0 =	sadd.s32 $0x8F2B, s0  }
0xbe: {  	[sflag:s0] =	ssyncadd.remote.s32 $0x1  }
0xbf: {  	_ =	sfence.sel $0xFFFF  }
0xc0: {  	[dreg:$0x0] =	wrdreg $0xFFFFFFFF;
	(pc) =	sbr.abs _section_cstart, $3  }
0xc1: {  	[dreg:$0x1] =	wrdreg $0xFFFFFFFF  }
0xc2: {  	_ =	task.clear_ibuf [dreg:s7], $0x2FFFF;
	_ =	strace $0x9FFFFFFF  }
0xc3: {  	(tm) =	ssettm $0x7FFFFFFF  }
tec
execute0_lowered:
.L_overlay_start_1:
0x0: {  	(tag) =	ssettag $0x1  }
0x1: {  	s0 =	rddreg [dreg:$0x0]  }
0x2: {  	s1 =	rddreg [dreg:$0x1]  }
0x3: {  	s2 =	rddreg [dreg:$0x2]  }
0x4: {  	s3 =	simm.s32 $0x0;
	s5 =	srdreg.scid;
	s6 =	stileid.u32  }
0x5: {  	s28 =	simm.s32 $0x8300;
	s29 =	simm.s32 $0x8380;
	s30 =	simm.s32 $0x1  }
0x6: {  	s31 =	simm.s32 $0x2;
	[smem:$0x7FF] =	sst s3;
	s4 =	sadd.s32 $0x29000, s0  }
0x7: {  	s8 =	sadd.s32 $0x32E00, s0;
	s7 =	sand.u32 $0x1, s5;
	s5 =	sadd.s32 $0x3CE00, s0  }
0x8: {  	s10 =	smul.u32 $0x27000, s6;
	s11 =	sadd.s32 $0x3CC00, s0;
	s0 =	sadd.s32 $0x3E400, s0  }
0x9: {  	s13 =	sshll.u32 s6, $0x5;
	s17 =	sadd.s32 $0x92400, s2;
	s16 =	smul.u32 $0x9C00, s6  }
0xa: {  	p0 =	seq.s32 s6, $0xF;
	p1 =	sgt.u32 s6, $0x1;
	_ =	strace $0x80000047  }
0xb: {  	s9 =	ssub.s32 $0x2, s7;
	[dreg:$0x4] =	wrdreg s11;
	s22 =	smul.u32 $0x9C400, s7  }
0xc: {  	s12 =	smul.u32 $0x1388, s7;
	s15 =	sand.u32 $0x180, s13;
	s23 =	sor.u32 $0x9C00, s13  }
0xd: {  	[dreg:$0x5] =	wrdreg s17;
	s20 =	sshrl.u32 s9, $0x1;
	s21 =	sshrl.u32 s10, $0x2  }
0xe: {  	s18 =	sadd.s32 s8, s23;
	s26 =	sadd.s32 s15, s8;
	s11 =	ssub.s32 s9, s20  }
0xf: {  	s7 =	sadd.s32 s21, s2;
	s14 =	sshrl.u32 s22, $0x3;
	s9 =	sand.u32 $0x60, s13  }
0x10: {  	s13 =	sor.u32 $0x9C10, s13;
	[dreg:$0x7] =	wrdreg s18;
	s10 =	sadd.s32 s16, s22  }
0x11: {  	[dreg:$0xd] =	wrdreg s26;
	s21 =	simm.s32 $0x5;
	s22 =	simm.s32 $0x100  }
0x12: {  	s26 =	simm.s32 $0x4200;
	s20 =	simm.s32 $0x4;
	s14 =	sadd.s32 s0, s14  }
0x13: {  	s24 =	sadd.s32 s8, s13;
	s13 =	sadd.s32 s4, s13;
	s10 =	sshrl.u32 s10, $0x3  }
0x14: {  	s25 =	smax.u32 s11, $0x1;
	s8 =	simm.s32 $0x3;
	[dreg:$0x8] =	wrdreg s24  }
0x15: {  	s11 =	simm.s32 $0x0;
	s14 =	sadd.s32 $0x12480, s14;
	[dreg:$0xa] =	wrdreg s13  }
.Ltmp0:
0x16: {  	s0 =	sadd.s32 s0, s10;
	[dreg:$0xc] =	wrdreg s25;
	(pc) =	sbr.rel .LBB2_1-.Ltmp0, $4  }
0x17: {  	s13 =	sadd.s32 s15, s4;
	s24 =	simm.s32 $0x80;
	[dreg:$0x6] =	wrdreg s14  }
0x18: {  	s25 =	simm.s32 $0x200;
	s14 =	sadd.s32 s4, s23;
	[dreg:$0xb] =	wrdreg s0  }
0x19: {  	v1 =	vlaneseq.u32;
	s10 =	simm.s32 $0xC400;
	s0 =	sshrl.u32 @p0 s17, $0x3;
	[dreg:$0x9] =	wrdreg s14  }
0x1a: {  	v1 =	vor.u32 $0x1388, v1;
	v0 =	vmov s12;
	s23 =	simm.s32 $0x180;
	[dreg:$0xe] =	wrdreg s0;
	s0 =	simm.s32 $0x8400  }
.LBB2_28:
0x1b: {  	s4 =	rddreg [dreg:$0x5]  }
0x1c: {  	s6 =	rddreg [dreg:$0x6];
	s12 =	simm.s32 $0x1FC5;
	s4 =	sshrl.u32 s4, $0x3  }
0x1d: {  	[hbm:s6], [sflag:s12] =	dma.local [spmem:s4], $0x1400  }
0x1e: {  	_ =	swait.ge [sflag:s21], $0x1400  }
0x1f: {  	[sflag:s21] =	ssyncset.done $0x0  }
0x20: {  	[sflag:s21] =	ssyncadd.s32 $0xFFFFEC00  }
.LBB2_29:
0x21: {  	s11 =	sadd.s32 $0x1, s11;
	s4 =	rddreg [dreg:$0xc]  }
0x22: {  	p2 =	sne.s32 s11, s4  }
.Ltmp1:
0x23: {  	_ = 	snop;
	(pc) =	sbr.rel @!p2 .LBB2_30-.Ltmp1, $1  }
0x24: {  	_ =	sdelay $0x3  }
.LBB2_1:
0x25: {  	s4 =	simm.s32 @p0 $0x1FC5;
	s6 =	rddreg [dreg:$0xe]  }
0x26: {  	[spmem:s6], [sflag:s4] =	dma.local @p0 [hbm:s5], $0x1480  }
0x27: {  	s4 =	simm.s32 @p0 $0x5  }
0x28: {  	s6 =	stileid.u32;
	_ =	swait.ge @p0 [sflag:s4], $0x1480  }
0x29: {  	s12 =	sshll.u32 @!p0 s6, $0x6;
	[sflag:s4] =	ssyncset.done @p0 $0x0  }
0x2a: {  	[sflag:s4] =	ssyncadd.s32 @p0 $0xFFFFEB80;
	s4 =	sor.u32 @!p0 $0x1C05, s12;
	s12 =	sshrl.u32 @!p0 s7, $0x3  }
0x2b: {  	[spmem:s12], [sflag:s4] =	dma.local @!p0 [hbm:s5], $0x1380  }
0x2c: {  	s4 =	simm.s32 @!p0 $0x5  }
0x2d: {  	_ =	swait.ge @!p0 [sflag:s4], $0x1380  }
0x2e: {  	[sflag:s4] =	ssyncset.done @!p0 $0x0  }
0x2f: {  	s18 =	simm.s32 $0x10400;
	s17 =	rddreg [dreg:$0x4];
	[sflag:s4] =	ssyncadd.s32 @!p0 $0xFFFFEC80  }
0x30: {  	[tilespmem:s18], [sflag:$0x5] =	stream.linear.gather [hbm4b:s17+s3], $0x80, $0x38;
	[tilespmem:$0x1A100] =	vst v63  }
0x31: {  	_ =	swait.ge [sflag:s21], $0x80  }
0x32: {  	[sflag:s21] =	ssyncset.done $0x0  }
0x33: {  	[sflag:s21] =	ssyncadd.s32 $0xFFFFFF80  }
0x34: {  	v2 =	vld [tilespmem:$0x10400];
	_ =	sdelay $0x4  }
0x35: {  	(v2sf) =	vpush v2, $0x0;
	_ =	sdelay $0xe  }
0x36: {  	s19 =	spop (v2sf)  }
0x37: {  	p2 =	sne.s32 s19, $0x0  }
0x38: {  	s12 =	simm.s32 @!p2 $0x0;
	s15 =	simm.s32 @!p2 $0x200  }
0x39: {  	[tilespmem:s15], [sflag:$0x5] =	stream.linear.gather @!p2 [hbm4b:s1+s12], $0x4000, $0x38;
	[tilespmem:$0x1A100] =	vst v63  }
0x3a: {  	s12 =	simm.s32 @!p2 $0x5  }
.Ltmp2:
0x3b: {  	_ =	swait.ge @!p2 [sflag:s12], $0x4000;
	(pc) =	sbr.rel .LBB2_2-.Ltmp2, $4  }
0x3c: {  	[sflag:s12] =	ssyncset.done @!p2 $0x0  }
0x3d: {  	s18 =	smov.u32 s13;
	p4 =	sgt.s32 s19, $0xFFFFFFFF;
	[sflag:s12] =	ssyncadd.s32 @!p2 $0xFFFFC000  }
0x3e: {  	p3 =	slt.s32 s19, $0x1;
	p5 =	sgt.s32 s19, $0x0;
	[bflag:$0x0] =	sbarrier.arrive $0xFFFF  }
0x3f: {  	s15 =	simm.s32 $0x0;
	s12 =	simm.s32 $0x26;
	s17 =	rddreg [dreg:$0xd]  }
.LBB2_14:
0x40: {  	s12 =	sadd.s32 $0xFFFFFFFF, s12;
	s17 =	sadd.s32 $0x400, s17;
	s18 =	sadd.s32 $0x400, s18  }
.LBB2_2:
0x41: {  	p6 =	sne.s32 s12, $0x26  }
0x42: {  	p6 =	por !p4, !p6  }
0x43: {  	p6 =	por !p6, !p6  }
0x44: {  	s4 =	simm.s32 @p6 $0x3  }
0x45: {  	_ =	swait.ge @p6 [sflag:s4], $0x4000  }
0x46: {  	[sflag:s4] =	ssyncset.done @p6 $0x0  }
0x47: {  	[sflag:s4] =	ssyncadd.s32 @p6 $0xFFFFC000  }
0x48: {  	_ =	swait.ge @p6 [sflag:s4], $0x4000  }
0x49: {  	[sflag:s4] =	ssyncset.done @p6 $0x0  }
0x4a: {  	[sflag:s4] =	ssyncadd.s32 @p6 $0xFFFFC000;
	s4 =	sadd.s32 s17, s9  }
0x4b: {  	[tilespmem:s22], [sflag:$0x5] =	stream.linear.gather [hbm4b:s4+s3], $0x80, $0x38;
	[tilespmem:$0x1A100] =	vst v63  }
0x4c: {  	_ =	swait.ge [sflag:s21], $0x80  }
0x4d: {  	[sflag:s21] =	ssyncset.done $0x0  }
.Ltmp3:
0x4e: {  	s6 =	sadd.s32 $0x10, s4;
	[sflag:s21] =	ssyncadd.s32 $0xFFFFFF80;
	(pc) =	sbr.rel @p3 .LBB2_4-.Ltmp3, $4  }
0x4f: {  	[tilespmem:s23], [sflag:$0x5] =	stream.linear.gather [hbm4b:s6+s3], $0x80, $0x38;
	[tilespmem:$0x1A100] =	vst v63  }
0x50: {  	_ =	swait.ge [sflag:s21], $0x80  }
0x51: {  	[sflag:s21] =	ssyncset.done $0x0  }
0x52: {  	[sflag:s21] =	ssyncadd.s32 $0xFFFFFF80  }
0x53: {  	s6 =	sadd.s32 s18, s9  }
0x54: {  	[tilespmem:s3], [sflag:$0x5] =	stream.linear.gather [hbm4b:s6+s3], $0x80, $0x38;
	[tilespmem:$0x1A100] =	vst v63  }
0x55: {  	_ =	swait.ge [sflag:s21], $0x80  }
0x56: {  	[sflag:s21] =	ssyncset.done $0x0  }
0x57: {  	s6 =	sadd.s32 $0x10, s6;
	[sflag:s21] =	ssyncadd.s32 $0xFFFFFF80  }
0x58: {  	[tilespmem:s24], [sflag:$0x5] =	stream.linear.gather [hbm4b:s6+s3], $0x80, $0x38;
	[tilespmem:$0x1A100] =	vst v63  }
0x59: {  	p6 =	seq.s32 s12, $0x26;
	_ =	swait.ge [sflag:s21], $0x80  }
.Ltmp4:
0x5a: {  	[sflag:s21] =	ssyncset.done $0x0;
	(pc) =	sbr.rel @p6 .LBB2_6-.Ltmp4, $4  }
0x5b: {  	[sflag:s21] =	ssyncadd.s32 $0xFFFFFF80  }
0x5c: {  	[tilespmem:s25], [sflag:$0x1] =	stream.indirect.gather [hbm4b:s1+s24], $0x80, s3, s24, $0xb8;
	[tilespmem:$0x1A100] =	vst v63  }
0x5d: {  	_ = 	snop  }
0x5e: {  	[tilespmem:s26], [sflag:$0x1] =	stream.indirect.gather [hbm4b:s1+s24], $0x80, s24, s24, $0xb8;
	[tilespmem:$0x1A100] =	vst v63  }
.LBB2_5:
0x5f: {  	_ =	swait.ge [sflag:s20], $0x4000  }
0x60: {  	[sflag:s20] =	ssyncset.done $0x0  }
0x61: {  	[sflag:s20] =	ssyncadd.s32 $0xFFFFC000  }
0x62: {  	_ =	swait.ge [sflag:s20], $0x4000  }
0x63: {  	[sflag:s20] =	ssyncset.done $0x0  }
0x64: {  	[sflag:s20] =	ssyncadd.s32 $0xFFFFC000  }
.LBB2_6:
0x65: {  	s6 =	sadd.s32 $0x200, s4  }
0x66: {  	[tilespmem:s28], [sflag:$0x5] =	stream.linear.gather [hbm4b:s6+s3], $0x80, $0x38;
	[tilespmem:$0x1A100] =	vst v63  }
0x67: {  	_ =	swait.ge [sflag:s21], $0x80  }
0x68: {  	[sflag:s21] =	ssyncset.done $0x0  }
0x69: {  	s19 =	sadd.s32 $0x210, s4;
	[sflag:s21] =	ssyncadd.s32 $0xFFFFFF80  }
0x6a: {  	[tilespmem:s29], [sflag:$0x5] =	stream.linear.gather [hbm4b:s19+s3], $0x80, $0x38;
	[tilespmem:$0x1A100] =	vst v63  }
0x6b: {  	_ =	swait.ge [sflag:s21], $0x80  }
0x6c: {  	s4 =	sadd.s32 @!p3 s18, s9;
	s16 =	simm.s32 @!p3 $0x0;
	[sflag:s21] =	ssyncset.done $0x0  }
0x6d: {  	s6 =	sadd.s32 @!p3 $0x200, s4;
	s19 =	simm.s32 @!p3 $0x8200;
	[sflag:s21] =	ssyncadd.s32 $0xFFFFFF80  }
0x6e: {  	[tilespmem:s19], [sflag:$0x5] =	stream.linear.gather @!p3 [hbm4b:s6+s16], $0x80, $0x38;
	[tilespmem:$0x1A100] =	vst v63  }
0x6f: {  	s6 =	simm.s32 @!p3 $0x5  }
0x70: {  	_ =	swait.ge @!p3 [sflag:s6], $0x80  }
0x71: {  	[sflag:s6] =	ssyncset.done @!p3 $0x0  }
0x72: {  	s14 =	simm.s32 @!p3 $0x8280;
	s4 =	sadd.s32 @!p3 $0x210, s4;
	[sflag:s6] =	ssyncadd.s32 @!p3 $0xFFFFFF80  }
0x73: {  	[tilespmem:s14], [sflag:$0x5] =	stream.linear.gather @!p3 [hbm4b:s4+s16], $0x80, $0x38;
	[tilespmem:$0x1A100] =	vst v63  }
0x74: {  	_ =	swait.ge @!p3 [sflag:s6], $0x80  }
0x75: {  	[sflag:s6] =	ssyncset.done @!p3 $0x0  }
0x76: {  	s4 =	simm.s32 @!p3 $0x80;
	[sflag:s6] =	ssyncadd.s32 @!p3 $0xFFFFFF80;
	s6 =	simm.s32 @!p3 $0x8400  }
0x77: {  	[tilespmem:s6], [sflag:$0x2] =	stream.indirect.gather @!p3 [hbm4b:s1+s4], $0x80, s19, s4, $0xb8;
	[tilespmem:$0x1A100] =	vst v63  }
0x78: {  	s6 =	simm.s32 @!p3 $0xC400  }
0x79: {  	[tilespmem:s6], [sflag:$0x2] =	stream.indirect.gather @!p3 [hbm4b:s1+s4], $0x80, s14, s4, $0xb8;
	[tilespmem:$0x1A100] =	vst v63  }
0x7a: {  	v2 =	vld [tilespmem:$0x100]  }
0x7b: {  	v3 =	vld [tilespmem:$0x110]  }
0x7c: {  	v4 =	vld [tilespmem:$0x120]  }
0x7d: {  	v5 =	vld [tilespmem:$0x130]  }
0x7e: {  	v6 =	vld [tilespmem:$0x140]  }
0x7f: {  	v7 =	vld [tilespmem:$0x150];
	v2 =	vsub.s32 v2, v0  }
0x80: {  	v8 =	vld [tilespmem:$0x160];
	v3 =	vsub.s32 v3, v0;
	vm0 =	vgt.u32 v2, $0x1387  }
0x81: {  	v9 =	vld [tilespmem:$0x170];
	v4 =	vsub.s32 v4, v0;
	vm13 =	vgt.u32 v3, $0x1387;
	v2 =	vsel vm0, v1, v2  }
0x82: {  	v50 =	vld [tilespmem:$0x180];
	vm14 =	vgt.u32 v4, $0x1387;
	[tilespmem:$0x100] =	vst v2;
	v2 =	vsel vm13, v1, v3;
	v3 =	vsub.s32 v5, v0  }
0x83: {  	v52 =	vld [tilespmem:$0x190];
	v51 =	vsub.s32 v6, v0;
	[tilespmem:$0x110] =	vst v2;
	v2 =	vsel vm14, v1, v4;
	vm15 =	vgt.u32 v3, $0x1387  }
0x84: {  	v53 =	vld [tilespmem:$0x1A0];
	vm4 =	vgt.u32 v51, $0x1387;
	[tilespmem:$0x120] =	vst v2;
	v2 =	vsel vm15, v1, v3;
	v3 =	vsub.s32 v7, v0  }
0x85: {  	v55 =	vld [tilespmem:$0x1B0];
	v54 =	vsub.s32 v8, v0;
	[tilespmem:$0x130] =	vst v2;
	v2 =	vsel vm4, v1, v51;
	vm5 =	vgt.u32 v3, $0x1387  }
0x86: {  	v56 =	vld [tilespmem:$0x1C0];
	vm6 =	vgt.u32 v54, $0x1387;
	[tilespmem:$0x140] =	vst v2;
	v2 =	vsel vm5, v1, v3;
	v3 =	vsub.s32 v9, v0  }
0x87: {  	v58 =	vld [tilespmem:$0x1D0];
	v57 =	vsub.s32 v50, v0;
	[tilespmem:$0x150] =	vst v2;
	v2 =	vsel vm6, v1, v54;
	vm7 =	vgt.u32 v3, $0x1387  }
0x88: {  	v59 =	vld [tilespmem:$0x1E0];
	vm8 =	vgt.u32 v57, $0x1387;
	[tilespmem:$0x160] =	vst v2;
	v2 =	vsel vm7, v1, v3;
	v3 =	vsub.s32 v52, v0  }
0x89: {  	v61 =	vld [tilespmem:$0x1F0];
	v60 =	vsub.s32 v53, v0;
	[tilespmem:$0x170] =	vst v2;
	v2 =	vsel vm8, v1, v57;
	vm9 =	vgt.u32 v3, $0x1387  }
0x8a: {  	vm10 =	vgt.u32 v60, $0x1387;
	[tilespmem:$0x180] =	vst v2;
	v2 =	vsel vm9, v1, v3;
	v3 =	vsub.s32 v55, v0  }
0x8b: {  	v62 =	vsub.s32 v56, v0;
	[tilespmem:$0x190] =	vst v2;
	v2 =	vsel vm10, v1, v60;
	vm11 =	vgt.u32 v3, $0x1387  }
0x8c: {  	vm12 =	vgt.u32 v62, $0x1387;
	[tilespmem:$0x1A0] =	vst v2;
	v2 =	vsel vm11, v1, v3;
	v3 =	vsub.s32 v58, v0  }
.Ltmp5:
0x8d: {  	v63 =	vsub.s32 v59, v0;
	[tilespmem:$0x1B0] =	vst v2;
	v2 =	vsel vm12, v1, v62;
	vm13 =	vgt.u32 v3, $0x1387;
	(pc) =	sbr.rel @p3 .LBB2_8-.Ltmp5, $4  }
0x8e: {  	vm14 =	vgt.u32 v63, $0x1387;
	[tilespmem:$0x1C0] =	vst v2;
	v2 =	vsel vm13, v1, v3;
	v3 =	vsub.s32 v61, v0  }
0x8f: {  	[tilespmem:$0x1D0] =	vst v2;
	v2 =	vsel vm14, v1, v63;
	vm15 =	vgt.u32 v3, $0x1387  }
0x90: {  	[tilespmem:$0x1E0] =	vst v2;
	v2 =	vsel vm15, v1, v3  }
0x91: {  	[tilespmem:$0x1F0] =	vst v2  }
0x92: {  	_ =	swait.ge [sflag:s30], $0x4000  }
0x93: {  	[sflag:s30] =	ssyncset.done $0x0  }
0x94: {  	[sflag:s30] =	ssyncadd.s32 $0xFFFFC000  }
0x95: {  	_ =	swait.ge [sflag:s30], $0x4000  }
0x96: {  	[sflag:s30] =	ssyncset.done $0x0  }
0x97: {  	s4 =	simm.s32 $0x4200;
	[sflag:s30] =	ssyncadd.s32 $0xFFFFC000  }
.LBB2_10:
.Ltmp6:
0x98: {  	(pc) =	sbr.rel .LBB2_11-.Ltmp6, $4  }
0x99: {  	_ = 	snop  }
0x9a: {  	[spmem:s2] =	stream.indirect.scatter.add.f32 [tilespmem:s25], [sflag:$0x3], $0x80, s22, s24, $0xb8;
	[tilespmem:$0x1A100] =	vst v63  }
0x9b: {  	_ = 	snop  }
0x9c: {  	[spmem:s2] =	stream.indirect.scatter.add.f32 [tilespmem:s4], [sflag:$0x3], $0x80, s23, s24, $0xb8;
	[tilespmem:$0x1A100] =	vst v63  }
.LBB2_4:
0x9d: {  	p6 =	seq.s32 @!p2 s12, $0x26  }
0x9e: {  	p6 =	por p2, p6  }
.Ltmp7:
0x9f: {  	_ = 	snop;
	(pc) =	sbr.rel @!p6 .LBB2_5-.Ltmp7, $4  }
.Ltmp8:
0xa0: {  	_ = 	snop;
	(pc) =	sbr.rel @p6 .LBB2_6-.Ltmp8, $4  }
0xa1: {  	_ = 	snop  }
0xa2: {  	_ = 	snop  }
0xa3: {  	_ = 	snop  }
0xa4: {  	_ = 	snop  }
.LBB2_8:
.Ltmp9:
0xa5: {  	(pc) =	sbr.rel @!p2 .LBB2_9-.Ltmp9, $1  }
0xa6: {  	_ =	sdelay $0x3  }
.LBB2_11:
0xa7: {  	v2 =	vld [tilespmem:$0x8300]  }
0xa8: {  	v3 =	vld [tilespmem:$0x8310]  }
0xa9: {  	v4 =	vld [tilespmem:$0x8320]  }
0xaa: {  	v5 =	vld [tilespmem:$0x8330]  }
0xab: {  	v6 =	vld [tilespmem:$0x8340]  }
0xac: {  	v7 =	vld [tilespmem:$0x8350];
	v2 =	vsub.s32 v2, v0  }
0xad: {  	v8 =	vld [tilespmem:$0x8360];
	v3 =	vsub.s32 v3, v0;
	vm0 =	vgt.u32 v2, $0x1387  }
0xae: {  	v9 =	vld [tilespmem:$0x8370];
	v4 =	vsub.s32 v4, v0;
	vm13 =	vgt.u32 v3, $0x1387;
	v2 =	vsel vm0, v1, v2  }
0xaf: {  	v50 =	vld [tilespmem:$0x8380];
	vm14 =	vgt.u32 v4, $0x1387;
	[tilespmem:$0x8300] =	vst v2;
	v2 =	vsel vm13, v1, v3;
	v3 =	vsub.s32 v5, v0  }
0xb0: {  	v52 =	vld [tilespmem:$0x8390];
	v51 =	vsub.s32 v6, v0;
	[tilespmem:$0x8310] =	vst v2;
	v2 =	vsel vm14, v1, v4;
	vm15 =	vgt.u32 v3, $0x1387  }
0xb1: {  	v53 =	vld [tilespmem:$0x83A0];
	vm4 =	vgt.u32 v51, $0x1387;
	[tilespmem:$0x8320] =	vst v2;
	v2 =	vsel vm15, v1, v3;
	v3 =	vsub.s32 v7, v0  }
0xb2: {  	v55 =	vld [tilespmem:$0x83B0];
	v54 =	vsub.s32 v8, v0;
	[tilespmem:$0x8330] =	vst v2;
	v2 =	vsel vm4, v1, v51;
	vm5 =	vgt.u32 v3, $0x1387  }
0xb3: {  	v56 =	vld [tilespmem:$0x83C0];
	vm6 =	vgt.u32 v54, $0x1387;
	[tilespmem:$0x8340] =	vst v2;
	v2 =	vsel vm5, v1, v3;
	v3 =	vsub.s32 v9, v0  }
0xb4: {  	v58 =	vld [tilespmem:$0x83D0];
	v57 =	vsub.s32 v50, v0;
	[tilespmem:$0x8350] =	vst v2;
	v2 =	vsel vm6, v1, v54;
	vm7 =	vgt.u32 v3, $0x1387  }
0xb5: {  	v59 =	vld [tilespmem:$0x83E0];
	vm8 =	vgt.u32 v57, $0x1387;
	[tilespmem:$0x8360] =	vst v2;
	v2 =	vsel vm7, v1, v3;
	v3 =	vsub.s32 v52, v0  }
0xb6: {  	v61 =	vld [tilespmem:$0x83F0];
	v60 =	vsub.s32 v53, v0;
	[tilespmem:$0x8370] =	vst v2;
	v2 =	vsel vm8, v1, v57;
	vm9 =	vgt.u32 v3, $0x1387  }
0xb7: {  	vm10 =	vgt.u32 v60, $0x1387;
	[tilespmem:$0x8380] =	vst v2;
	v2 =	vsel vm9, v1, v3;
	v3 =	vsub.s32 v55, v0  }
0xb8: {  	v62 =	vsub.s32 v56, v0;
	[tilespmem:$0x8390] =	vst v2;
	v2 =	vsel vm10, v1, v60;
	vm11 =	vgt.u32 v3, $0x1387  }
0xb9: {  	vm12 =	vgt.u32 v62, $0x1387;
	[tilespmem:$0x83A0] =	vst v2;
	v2 =	vsel vm11, v1, v3;
	v3 =	vsub.s32 v58, v0  }
.Ltmp10:
0xba: {  	v63 =	vsub.s32 v59, v0;
	[tilespmem:$0x83B0] =	vst v2;
	v2 =	vsel vm12, v1, v62;
	vm13 =	vgt.u32 v3, $0x1387;
	(pc) =	sbr.rel @!p5 .LBB2_12-.Ltmp10, $4  }
0xbb: {  	vm14 =	vgt.u32 v63, $0x1387;
	[tilespmem:$0x83C0] =	vst v2;
	v2 =	vsel vm13, v1, v3;
	v3 =	vsub.s32 v61, v0  }
0xbc: {  	[tilespmem:$0x83D0] =	vst v2;
	v2 =	vsel vm14, v1, v63;
	vm15 =	vgt.u32 v3, $0x1387  }
0xbd: {  	[tilespmem:$0x83E0] =	vst v2;
	v2 =	vsel vm15, v1, v3  }
0xbe: {  	[tilespmem:$0x83F0] =	vst v2  }
0xbf: {  	_ =	swait.ge [sflag:s31], $0x4000  }
0xc0: {  	[sflag:s31] =	ssyncset.done $0x0  }
0xc1: {  	[sflag:s31] =	ssyncadd.s32 $0xFFFFC000  }
0xc2: {  	p6 =	seq.s32 s12, $0x0;
	_ =	swait.ge [sflag:s31], $0x4000  }
.Ltmp11:
0xc3: {  	[sflag:s31] =	ssyncset.done $0x0;
	(pc) =	sbr.rel @p6 .LBB2_18-.Ltmp11, $4  }
0xc4: {  	[sflag:s31] =	ssyncadd.s32 $0xFFFFC000  }
0xc5: {  	[spmem:s2] =	stream.indirect.scatter.add.f32 [tilespmem:s0], [sflag:$0x4], $0x80, s28, s24, $0xb8;
	[tilespmem:$0x1A100] =	vst v63  }
0xc6: {  	_ = 	snop  }
0xc7: {  	[spmem:s2] =	stream.indirect.scatter.add.f32 [tilespmem:s10], [sflag:$0x4], $0x80, s29, s24, $0xb8;
	[tilespmem:$0x1A100] =	vst v63  }
.Ltmp12:
0xc8: {  	(pc) =	sbr.rel .LBB2_14-.Ltmp12, $2  }
0xc9: {  	_ =	sdelay $0x2  }
0xca: {  	s15 =	sadd.s32 $0x1, s15  }
.LBB2_12:
0xcb: {  	p6 =	seq.s32 s12, $0x0  }
.Ltmp13:
0xcc: {  	_ = 	snop;
	(pc) =	sbr.rel @p6 .LBB2_17-.Ltmp13, $4  }
0xcd: {  	s4 =	simm.s32 @!p2 $0x80;
	s6 =	simm.s32 @!p2 $0x8300;
	s14 =	simm.s32 @!p2 $0x200  }
0xce: {  	[spmem:s2] =	stream.indirect.scatter.add.f32 @!p2 [tilespmem:s14], [sflag:$0x4], $0x80, s6, s4, $0xb8;
	[tilespmem:$0x1A100] =	vst v63  }
0xcf: {  	s6 =	simm.s32 @!p2 $0x8380  }
0xd0: {  	[spmem:s2] =	stream.indirect.scatter.add.f32 @!p2 [tilespmem:s14], [sflag:$0x4], $0x80, s6, s4, $0xb8;
	[tilespmem:$0x1A100] =	vst v63  }
.Ltmp14:
0xd1: {  	(pc) =	sbr.rel .LBB2_14-.Ltmp14, $2  }
0xd2: {  	_ =	sdelay $0x2  }
0xd3: {  	s15 =	sadd.s32 $0x1, s15  }
.LBB2_9:
.Ltmp15:
0xd4: {  	(pc) =	sbr.rel .LBB2_10-.Ltmp15, $2  }
0xd5: {  	_ =	sdelay $0x2  }
0xd6: {  	s4 =	simm.s32 $0x200  }
.LBB2_17:
.Ltmp16:
0xd7: {  	(pc) =	sbr.rel @p2 .LBB2_19-.Ltmp16, $1  }
0xd8: {  	_ =	sdelay $0x3  }
.LBB2_18:
0xd9: {  	_ =	swait.ge [sflag:s8], $0x4000  }
0xda: {  	[sflag:s8] =	ssyncset.done $0x0  }
0xdb: {  	[sflag:s8] =	ssyncadd.s32 $0xFFFFC000  }
0xdc: {  	_ =	swait.ge [sflag:s8], $0x4000  }
0xdd: {  	[sflag:s8] =	ssyncset.done $0x0  }
0xde: {  	[sflag:s8] =	ssyncadd.s32 $0xFFFFC000  }
0xdf: {  	_ =	swait.ge [sflag:s20], $0x4000  }
0xe0: {  	[sflag:s20] =	ssyncset.done $0x0  }
0xe1: {  	[sflag:s20] =	ssyncadd.s32 $0xFFFFC000  }
0xe2: {  	_ =	swait.ge [sflag:s20], $0x4000  }
0xe3: {  	[sflag:s20] =	ssyncset.done $0x0  }
0xe4: {  	[sflag:s20] =	ssyncadd.s32 $0xFFFFC000  }
.LBB2_19:
.Ltmp17:
0xe5: {  	(pc) =	sbr.rel @p1 .LBB2_26-.Ltmp17, $1  }
0xe6: {  	_ =	sdelay $0x3  }
0xe7: {  	s4 =	rddreg [dreg:$0x7]  }
0xe8: {  	[tilespmem:s22], [sflag:$0x5] =	stream.linear.gather [hbm4b:s4+s3], $0x80, $0x38;
	[tilespmem:$0x1A100] =	vst v63  }
0xe9: {  	_ =	swait.ge [sflag:s21], $0x80  }
0xea: {  	[sflag:s21] =	ssyncset.done $0x0  }
0xeb: {  	s19 =	rddreg [dreg:$0x8];
	[sflag:s21] =	ssyncadd.s32 $0xFFFFFF80  }
0xec: {  	[tilespmem:s23], [sflag:$0x5] =	stream.linear.gather [hbm4b:s19+s3], $0x80, $0x38;
	[tilespmem:$0x1A100] =	vst v63  }
0xed: {  	_ =	swait.ge [sflag:s21], $0x80  }
0xee: {  	[sflag:s21] =	ssyncset.done $0x0  }
0xef: {  	s4 =	simm.s32 @!p3 $0x0;
	s6 =	rddreg [dreg:$0x9];
	[sflag:s21] =	ssyncadd.s32 $0xFFFFFF80  }
0xf0: {  	[tilespmem:s4], [sflag:$0x5] =	stream.linear.gather @!p3 [hbm4b:s6+s4], $0x80, $0x38;
	[tilespmem:$0x1A100] =	vst v63  }
0xf1: {  	s6 =	simm.s32 @!p3 $0x5  }
0xf2: {  	_ =	swait.ge @!p3 [sflag:s6], $0x80  }
0xf3: {  	[sflag:s6] =	ssyncset.done @!p3 $0x0  }
0xf4: {  	s12 =	simm.s32 @!p3 $0x80;
	s14 =	rddreg [dreg:$0xa];
	[sflag:s6] =	ssyncadd.s32 @!p3 $0xFFFFFF80  }
0xf5: {  	[tilespmem:s12], [sflag:$0x5] =	stream.linear.gather @!p3 [hbm4b:s14+s4], $0x80, $0x38;
	[tilespmem:$0x1A100] =	vst v63  }
0xf6: {  	_ =	swait.ge @!p3 [sflag:s6], $0x80  }
0xf7: {  	[sflag:s6] =	ssyncset.done @!p3 $0x0  }
0xf8: {  	[sflag:s6] =	ssyncadd.s32 @!p3 $0xFFFFFF80;
	s6 =	simm.s32 @!p3 $0x200  }
0xf9: {  	[tilespmem:s6], [sflag:$0x1] =	stream.indirect.gather @!p3 [hbm4b:s1+s12], $0x80, s4, s12, $0xb8;
	[tilespmem:$0x1A100] =	vst v63  }
0xfa: {  	s4 =	simm.s32 @!p3 $0x4200  }
0xfb: {  	[tilespmem:s4], [sflag:$0x1] =	stream.indirect.gather @!p3 [hbm4b:s1+s12], $0x80, s12, s12, $0xb8;
	[tilespmem:$0x1A100] =	vst v63  }
0xfc: {  	v2 =	vld [tilespmem:$0x100]  }
0xfd: {  	v3 =	vld [tilespmem:$0x110]  }
0xfe: {  	v4 =	vld [tilespmem:$0x120]  }
0xff: {  	v5 =	vld [tilespmem:$0x130]  }
0x100: {  	v6 =	vld [tilespmem:$0x140]  }
0x101: {  	v7 =	vld [tilespmem:$0x150];
	v2 =	vsub.s32 v2, v0  }
0x102: {  	v8 =	vld [tilespmem:$0x160];
	v3 =	vsub.s32 v3, v0;
	vm0 =	vgt.u32 v2, $0x1387  }
0x103: {  	v9 =	vld [tilespmem:$0x170];
	v4 =	vsub.s32 v4, v0;
	vm13 =	vgt.u32 v3, $0x1387;
	v2 =	vsel vm0, v1, v2  }
0x104: {  	v50 =	vld [tilespmem:$0x180];
	vm14 =	vgt.u32 v4, $0x1387;
	[tilespmem:$0x100] =	vst v2;
	v2 =	vsel vm13, v1, v3;
	v3 =	vsub.s32 v5, v0  }
0x105: {  	v52 =	vld [tilespmem:$0x190];
	v51 =	vsub.s32 v6, v0;
	[tilespmem:$0x110] =	vst v2;
	v2 =	vsel vm14, v1, v4;
	vm15 =	vgt.u32 v3, $0x1387  }
0x106: {  	v53 =	vld [tilespmem:$0x1A0];
	vm4 =	vgt.u32 v51, $0x1387;
	[tilespmem:$0x120] =	vst v2;
	v2 =	vsel vm15, v1, v3;
	v3 =	vsub.s32 v7, v0  }
0x107: {  	v55 =	vld [tilespmem:$0x1B0];
	v54 =	vsub.s32 v8, v0;
	[tilespmem:$0x130] =	vst v2;
	v2 =	vsel vm4, v1, v51;
	vm5 =	vgt.u32 v3, $0x1387  }
0x108: {  	v56 =	vld [tilespmem:$0x1C0];
	vm6 =	vgt.u32 v54, $0x1387;
	[tilespmem:$0x140] =	vst v2;
	v2 =	vsel vm5, v1, v3;
	v3 =	vsub.s32 v9, v0  }
0x109: {  	v58 =	vld [tilespmem:$0x1D0];
	v57 =	vsub.s32 v50, v0;
	[tilespmem:$0x150] =	vst v2;
	v2 =	vsel vm6, v1, v54;
	vm7 =	vgt.u32 v3, $0x1387  }
0x10a: {  	v59 =	vld [tilespmem:$0x1E0];
	vm8 =	vgt.u32 v57, $0x1387;
	[tilespmem:$0x160] =	vst v2;
	v2 =	vsel vm7, v1, v3;
	v3 =	vsub.s32 v52, v0  }
0x10b: {  	v61 =	vld [tilespmem:$0x1F0];
	v60 =	vsub.s32 v53, v0;
	[tilespmem:$0x170] =	vst v2;
	v2 =	vsel vm8, v1, v57;
	vm9 =	vgt.u32 v3, $0x1387  }
0x10c: {  	vm10 =	vgt.u32 v60, $0x1387;
	[tilespmem:$0x180] =	vst v2;
	v2 =	vsel vm9, v1, v3;
	v3 =	vsub.s32 v55, v0  }
0x10d: {  	v62 =	vsub.s32 v56, v0;
	[tilespmem:$0x190] =	vst v2;
	v2 =	vsel vm10, v1, v60;
	vm11 =	vgt.u32 v3, $0x1387  }
0x10e: {  	vm12 =	vgt.u32 v62, $0x1387;
	[tilespmem:$0x1A0] =	vst v2;
	v2 =	vsel vm11, v1, v3;
	v3 =	vsub.s32 v58, v0  }
.Ltmp18:
0x10f: {  	v63 =	vsub.s32 v59, v0;
	[tilespmem:$0x1B0] =	vst v2;
	v2 =	vsel vm12, v1, v62;
	vm13 =	vgt.u32 v3, $0x1387;
	(pc) =	sbr.rel @p3 .LBB2_22-.Ltmp18, $4  }
0x110: {  	vm14 =	vgt.u32 v63, $0x1387;
	[tilespmem:$0x1C0] =	vst v2;
	v2 =	vsel vm13, v1, v3;
	v3 =	vsub.s32 v61, v0  }
0x111: {  	[tilespmem:$0x1D0] =	vst v2;
	v2 =	vsel vm14, v1, v63;
	vm15 =	vgt.u32 v3, $0x1387  }
0x112: {  	[tilespmem:$0x1E0] =	vst v2;
	v2 =	vsel vm15, v1, v3  }
0x113: {  	[tilespmem:$0x1F0] =	vst v2  }
0x114: {  	_ =	swait.ge [sflag:s30], $0x4000  }
0x115: {  	[sflag:s30] =	ssyncset.done $0x0  }
0x116: {  	[sflag:s30] =	ssyncadd.s32 $0xFFFFC000  }
0x117: {  	_ =	swait.ge [sflag:s30], $0x4000  }
0x118: {  	[sflag:s30] =	ssyncset.done $0x0  }
0x119: {  	s4 =	simm.s32 $0x4200;
	[sflag:s30] =	ssyncadd.s32 $0xFFFFC000  }
.LBB2_24:
0x11a: {  	[spmem:s2] =	stream.indirect.scatter.add.f32 [tilespmem:s25], [sflag:$0x5], $0x80, s22, s24, $0xb8;
	[tilespmem:$0x1A100] =	vst v63  }
0x11b: {  	_ =	swait.ge [sflag:s21], $0x4000  }
0x11c: {  	[sflag:s21] =	ssyncset.done $0x0  }
.Ltmp19:
0x11d: {  	[sflag:s21] =	ssyncadd.s32 $0xFFFFC000;
	(pc) =	sbr.rel .LBB2_25-.Ltmp19, $4  }
0x11e: {  	[spmem:s2] =	stream.indirect.scatter.add.f32 [tilespmem:s4], [sflag:$0x5], $0x80, s23, s24, $0xb8;
	[tilespmem:$0x1A100] =	vst v63  }
0x11f: {  	_ =	swait.ge [sflag:s21], $0x4000  }
0x120: {  	[sflag:s21] =	ssyncset.done $0x0  }
0x121: {  	[sflag:s21] =	ssyncadd.s32 $0xFFFFC000  }
.LBB2_26:
.Ltmp20:
0x122: {  	(pc) =	sbr.rel @p0 .LBB2_28-.Ltmp20, $4  }
.Ltmp21:
0x123: {  	(pc) =	sbr.rel @!p0 .LBB2_27-.Ltmp21, $4  }
0x124: {  	_ = 	snop  }
0x125: {  	[bflag:$0x0] =	sbarrier.arrive $0xFFFF  }
0x126: {  	_ = 	snop  }
0x127: {  	_ = 	snop  }
.LBB2_22:
.Ltmp22:
0x128: {  	(pc) =	sbr.rel @!p2 .LBB2_23-.Ltmp22, $1  }
0x129: {  	_ =	sdelay $0x3  }
.LBB2_25:
0x12a: {  	[bflag:$0x0] =	sbarrier.arrive $0xFFFF  }
.LBB2_27:
0x12b: {  	s4 =	stileid.u32  }
0x12c: {  	s6 =	sshrl.u32 s7, $0x3;
	s4 =	sshll.u32 s4, $0x6  }
.Ltmp23:
0x12d: {  	s12 =	rddreg [dreg:$0xb];
	s4 =	sor.u32 $0x1C05, s4;
	(pc) =	sbr.rel .LBB2_29-.Ltmp23, $4  }
0x12e: {  	[hbm:s12], [sflag:s4] =	dma.local [spmem:s6], $0x1380  }
0x12f: {  	_ =	swait.ge [sflag:s21], $0x1380  }
0x130: {  	[sflag:s21] =	ssyncset.done $0x0  }
0x131: {  	[sflag:s21] =	ssyncadd.s32 $0xFFFFEC80  }
.LBB2_23:
.Ltmp24:
0x132: {  	(pc) =	sbr.rel .LBB2_24-.Ltmp24, $2  }
0x133: {  	_ =	sdelay $0x2  }
0x134: {  	s4 =	simm.s32 $0x200  }
.LBB2_30:
0x135: {  	_ =	sfence.sel $0x180000  }
0x136: {  	[bflag:$0x0] =	sbarrier.arrive $0xFFFF  }
0x137: {  	_ =	strace $0x90000047  }
0x138: {  	s0 =	stileid.u32;
	[bflag:$0x2] =	sbarrier.arrive $0xFFFF  }
0x139: {  	p0 =	sne.s32 s0, $0x0;
	s0 =	rddreg [dreg:$0x3]  }
0x13a: {  	s0 =	sadd.s32 @!p0 $0x100000, s0  }
0x13b: {  	[sflag:s0] =	ssyncadd.tile.s32 @!p0 $0x1;
	_ =	shalt  }
.Lfunc_end2:
_tile_overlayer_lowered:
.L_overlay_start_2:
0x13c: {  	(tag) =	ssettag $0x2  }
0x13d: {  	s0 =	rddreg [dreg:$0x0];
	s2 =	stileid.u32  }
0x13e: {  	s1 =	rddreg [dreg:$0x1];
	p0 =	sne.s32 s2, $0x0  }
0x13f: {  	s3 =	rddreg [dreg:$0x2];
	[bflag:$0x3] =	sbarrier.arrive $0xFFFF;
	s2 =	simm.s32 @!p0 $0x1C05  }
0x140: {  	[timem:s3], [sflag:s2] =	dma.local @!p0 [hbm:s0], s1  }
0x141: {  	s0 =	simm.s32 @!p0 $0x5  }
0x142: {  	_ =	swait.ge @!p0 [sflag:s0], s1  }
0x143: {  	s1 =	ssub.s32 @!p0 $0x0, s1;
	[sflag:s0] =	ssyncset.done @!p0 $0x0  }
0x144: {  	[sflag:s0] =	ssyncadd.s32 @!p0 s1  }
0x145: {  	[bflag:$0x3] =	sbarrier.arrive $0xFFFF  }
0x146: {  	_ =	shalt  }

</sc_bundles>
